<compile_context>
chip_gen: v7x
topology: tpu7x:2x2x1
jax: 0.10.2.dev20260603
libtpu: 0.0.44.dev20260713+nightly
codegen_flags: <defaults>
</compile_context>

<pallas_src>
import functools

import jax
import jax.numpy as jnp
from jax import lax
from jax.experimental import pallas as pl
from jax.experimental.pallas import tpu as pltpu
from jax.experimental.pallas import tpu_sc as plsc

NC = 2
NS = 16
NW = NC * NS



def _pq_body(x_ref, wa_ref, wb_ref, p_ref, q_ref):
    xv = x_ref[...]
    p_ref[...] = jnp.dot(xv, wa_ref[...], preferred_element_type=jnp.float32)
    q_ref[...] = jnp.dot(xv, wb_ref[...], preferred_element_type=jnp.float32)


def _hc_body(h_ref, wc_ref, o_ref):
    o_ref[...] = jnp.dot(h_ref[...], wc_ref[...],
                         preferred_element_type=jnp.float32)


def _out_body(m0_ref, m1_ref, w2t_ref, g_ref, b_ref, s_ref):
    m = m0_ref[0] + m1_ref[0]
    r = jnp.dot(m, w2t_ref[...], preferred_element_type=jnp.float32)
    mu = jnp.mean(r, axis=1, keepdims=True)
    var = jnp.mean((r - mu) * (r - mu), axis=1, keepdims=True)
    y = (r - mu) * lax.rsqrt(var + 1e-5) * g_ref[...] + b_ref[...]
    s_ref[...] = jnp.maximum(y, 0.0)



def _make_seg_kernel(NP, D, EW, CH, NCH, NR):
    mesh = plsc.VectorSubcoreMesh(core_axis_name="c", subcore_axis_name="s")
    T = NCH // 2

    @functools.partial(
        pl.kernel, mesh=mesh,
        out_type=jax.ShapeDtypeStruct((NC, NP, D), jnp.float32),
        scratch_types=[
            pltpu.VMEM((2, CH), jnp.int32),
            pltpu.VMEM((2, CH), jnp.int32),
            pltpu.VMEM((CH, D), jnp.float32),
            pltpu.VMEM((CH, D), jnp.float32),
            pltpu.VMEM((CH, D), jnp.float32),
            pltpu.VMEM((CH, D), jnp.float32),
            pltpu.VMEM((CH, D), jnp.float32),
            pltpu.VMEM((CH, D), jnp.float32),
            pltpu.VMEM_SHARED((NP, D), jnp.float32),
            pltpu.SemaphoreType.DMA,
            pltpu.SemaphoreType.DMA,
        ],
    )
    def seg_kernel(p_hbm, q_hbm, hc_hbm, idxc_hbm, z_hbm, mpart_hbm,
                   ix0, ix1, p0, p1, q0, q1, h0, h1, m_sh, gs0, gs1):
        cid = lax.axis_index("c")
        sid = lax.axis_index("s")
        wid = cid * NS + sid
        base = wid * EW

        def stage_idx(j, ix):
            pltpu.sync_copy(idxc_hbm.at[wid, j], ix)

        def fire_g(j, ix, pb, qb, hb, gsem):
            pltpu.async_copy(p_hbm.at[ix.at[0]], pb, gsem)
            pltpu.async_copy(q_hbm.at[ix.at[1]], qb, gsem)
            pltpu.async_copy(hc_hbm.at[pl.ds(base + j * CH, CH)], hb, gsem)

        def process(ix, pb, qb, hb, gsem):
            pltpu.make_async_copy(p_hbm.at[ix.at[0]], pb, gsem).wait()
            pltpu.make_async_copy(q_hbm.at[ix.at[1]], qb, gsem).wait()
            pltpu.make_async_copy(hc_hbm.at[pl.ds(base, CH)], hb, gsem).wait()

            @plsc.parallel_loop(0, CH)
            def row(i):
                for k in range(D // 16):
                    s = pl.ds(k * 16, 16)
                    v = pb[i, s] + qb[i, s] + hb[i, s]
                    hb[i, s] = jnp.maximum(v, 0.0)
            pltpu.sync_copy(hb, m_sh.at[ix.at[0]], add=True)

        pltpu.sync_copy(z_hbm, m_sh.at[pl.ds(sid * NR, NR)])
        stage_idx(0, ix0)
        fire_g(0, ix0, p0, q0, h0, gs0)
        plsc.subcore_barrier()

        def pair(t, carry):
            j = 2 * t
            stage_idx(j + 1, ix1)
            fire_g(j + 1, ix1, p1, q1, h1, gs1)
            process(ix0, p0, q0, h0, gs0)
            stage_idx(j + 2, ix0)
            fire_g(j + 2, ix0, p0, q0, h0, gs0)
            process(ix1, p1, q1, h1, gs1)
            return carry

        lax.fori_loop(0, T - 1, pair, 0)
        stage_idx(NCH - 1, ix1)
        fire_g(NCH - 1, ix1, p1, q1, h1, gs1)
        process(ix0, p0, q0, h0, gs0)
        process(ix1, p1, q1, h1, gs1)
        plsc.subcore_barrier()
        pltpu.sync_copy(m_sh.at[pl.ds(sid * NR, NR)],
                        mpart_hbm.at[cid, pl.ds(sid * NR, NR)])

    return seg_kernel


def _make_gather_kernel(N, D, E, EW, CH, NCH):
    mesh = plsc.VectorSubcoreMesh(core_axis_name="c", subcore_axis_name="s")
    assert NCH >= 9 and (NCH - 5) % 4 == 0
    TQ = (NCH - 5) // 4

    @functools.partial(
        pl.kernel, mesh=mesh,
        out_type=jax.ShapeDtypeStruct((E, D), jnp.float32),
        scratch_types=[
            pltpu.VMEM((NCH, CH), jnp.int32),
            pltpu.VMEM((CH, D), jnp.float32),
            pltpu.VMEM((CH, D), jnp.float32),
            pltpu.VMEM((CH, D), jnp.float32),
            pltpu.VMEM((CH, D), jnp.float32),
            pltpu.SemaphoreType.DMA,
            pltpu.SemaphoreType.DMA,
            pltpu.SemaphoreType.DMA,
            pltpu.SemaphoreType.DMA,
            pltpu.SemaphoreType.DMA,
            pltpu.SemaphoreType.DMA,
            pltpu.SemaphoreType.DMA,
            pltpu.SemaphoreType.DMA,
        ],
    )
    def gather_kernel(s_hbm, srcr_hbm, out_hbm, src_v, r0, r1, r2, r3,
                      g0, g1, g2, g3, o0, o1, o2, o3):
        cid = lax.axis_index("c")
        sid = lax.axis_index("s")
        wid = cid * NS + sid
        base = wid * EW
        R = (r0, r1, r2, r3)
        GS = (g0, g1, g2, g3)
        OS = (o0, o1, o2, o3)

        def fire_g(j, b):
            pltpu.async_copy(s_hbm.at[src_v.at[j]], R[b], GS[b])

        def wait_g(b):
            pltpu.make_async_copy(s_hbm.at[src_v.at[0]], R[b], GS[b]).wait()

        def fire_w(j, b):
            pltpu.async_copy(R[b], out_hbm.at[pl.ds(base + j * CH, CH)],
                             OS[b])

        def wait_w(b):
            pltpu.make_async_copy(R[b], out_hbm.at[pl.ds(base, CH)],
                                  OS[b]).wait()

        pltpu.sync_copy(srcr_hbm.at[wid], src_v)
        fire_g(0, 0)
        fire_g(1, 1)
        wait_g(0)
        fire_w(0, 0)
        fire_g(2, 2)
        wait_g(1)
        fire_w(1, 1)
        fire_g(3, 3)

        def step(j, b):
            wait_g(b)
            fire_w(j, b)
            nb = (b + 2) % 4
            wait_w(nb)
            fire_g(j + 2, nb)

        def quad(t, carry):
            j0 = 2 + 4 * t
            for b4 in range(4):
                step(j0 + b4, (2 + b4) % 4)
            return carry

        lax.fori_loop(0, TQ, quad, 0)
        j = NCH - 3
        wait_g(2)
        fire_w(j, 2)
        wait_w(0)
        fire_g(j + 2, 0)
        wait_g(3)
        fire_w(j + 1, 3)
        wait_g(0)
        fire_w(j + 2, 0)
        wait_w(1)
        wait_w(2)
        wait_w(3)
        wait_w(0)

    return gather_kernel



def kernel(x, h, edge_index, snorm_n, snorm_e, W1, W2, gamma, beta):
    N, D = x.shape
    E = h.shape[0]
    assert E % NW == 0
    EW = E // NW
    CH = 40
    assert EW % CH == 0 and (EW // CH) % 2 == 0
    NCH = EW // CH
    CH2 = 80
    assert EW % CH2 == 0
    NCH2 = EW // CH2
    assert NCH2 % 2 == 1
    NR = -(-N // NS)
    NR = -(-NR // 8) * 8
    NP = NR * NS

    src = edge_index[0]
    dst = edge_index[1]
    Wa = W1[:, :D].T
    Wb = W1[:, D:2 * D].T
    Wc = W1[:, 2 * D:].T
    W2t = W2.T

    P, Q = pl.pallas_call(
        _pq_body,
        out_shape=[jax.ShapeDtypeStruct((N, D), jnp.float32)] * 2,
    )(x, Wa, Wb)

    TE = 2000
    HC = pl.pallas_call(
        _hc_body,
        grid=(E // TE,),
        in_specs=[pl.BlockSpec((TE, D), lambda i: (i, 0)),
                  pl.BlockSpec((D, D), lambda i: (0, 0))],
        out_specs=pl.BlockSpec((TE, D), lambda i: (i, 0)),
        out_shape=jax.ShapeDtypeStruct((E, D), jnp.float32),
    )(h, Wc)

    idx_comb = jnp.stack([dst.reshape(NW, NCH, CH),
                          src.reshape(NW, NCH, CH)], axis=2)
    zeros = jnp.zeros((NR, D), jnp.float32)
    seg = _make_seg_kernel(NP, D, EW, CH, NCH, NR)
    mpart = seg(P, Q, HC, idx_comb, zeros)

    TN = 2000
    S = pl.pallas_call(
        _out_body,
        grid=(N // TN,),
        in_specs=[pl.BlockSpec((1, TN, D), lambda i: (0, i, 0)),
                  pl.BlockSpec((1, TN, D), lambda i: (1, i, 0)),
                  pl.BlockSpec((D, D), lambda i: (0, 0)),
                  pl.BlockSpec((1, D), lambda i: (0, 0)),
                  pl.BlockSpec((1, D), lambda i: (0, 0))],
        out_specs=pl.BlockSpec((TN, D), lambda i: (i, 0)),
        out_shape=jax.ShapeDtypeStruct((N, D), jnp.float32),
    )(mpart, mpart, W2t, gamma.reshape(1, D), beta.reshape(1, D))

    src_r2 = src.reshape(NW, NCH2, CH2)
    gather = _make_gather_kernel(N, D, E, EW, CH2, NCH2)
    return gather(S, src_r2)

# --- scband reference (transcript-rebuilt; emitter-appended) ---
"""Pipeline reference for scband-d-mpnnlayer-69784628625694 (READ-ONLY COPY).

The authoritative reference and input builder live on the scoring server;
editing this copy changes nothing except your own understanding.
"""

import jax, jax.numpy as jnp
import numpy as np

N = 10000
E = 320000
D = 128


def _layer_norm(y, gamma, beta, eps=1e-5):
    mu = jnp.mean(y, axis=-1, keepdims=True)
    var = jnp.var(y, axis=-1, keepdims=True)
    return (y - mu) / jnp.sqrt(var + eps) * gamma + beta


def setup_inputs(seed: int = 0) -> dict:
    key = jax.random.key(seed)
    ks = jax.random.split(key, 8)
    x = jax.random.normal(ks[0], (N, D), dtype=jnp.float32)
    h = jax.random.normal(ks[1], (E, D), dtype=jnp.float32)
    edge_index = jax.random.randint(ks[2], (2, E), 0, N, dtype=jnp.int32)
    snorm_n = jax.random.uniform(ks[3], (E, 1), dtype=jnp.float32)
    snorm_e = jax.random.uniform(ks[4], (E, 1), dtype=jnp.float32)
    W1 = jax.random.normal(ks[5], (D, 3 * D), dtype=jnp.float32) / np.sqrt(3 * D)
    W2 = jax.random.normal(ks[6], (D, D), dtype=jnp.float32) / np.sqrt(D)
    gamma = jnp.ones((D,), dtype=jnp.float32)
    beta = jnp.zeros((D,), dtype=jnp.float32)
    return {"x": x, "h": h, "edge_index": edge_index, "snorm_n": snorm_n,
            "snorm_e": snorm_e, "W1": W1, "W2": W2, "gamma": gamma, "beta": beta}


def reference(x, h, edge_index, snorm_n, snorm_e, W1, W2, gamma, beta):
    src = edge_index[0]
    dst = edge_index[1]
    # get_neighbor_edge_func: per-edge concat of src node feat and edge feat
    # message_func (node reduce): relu(f_e1([x_dst, x_src, h_edge])) summed over incoming edges
    cat = jnp.concatenate([jnp.take(x, dst, axis=0), jnp.take(x, src, axis=0), h], axis=-1)  # [E, 3D]
    m_e = jax.nn.relu(cat @ W1.T)  # [E, D]
    m = jax.ops.segment_sum(m_e, dst, num_segments=N)  # [N, D]
    # reduce_func (apply_edges): edge h = f_e2(m of src node)
    h_out = jnp.take(m, src, axis=0) @ W2.T  # [E, D]
    # graph_norm=False, batch_norm=False, layer_norm=True
    h_out = _layer_norm(h_out, gamma, beta)
    h_out = jax.nn.relu(h_out)
    # dropout is identity in eval mode
    return h_out

if __name__ == "__main__":
    import jax
    _d = setup_inputs()
    print(jax.jit(kernel)(*tuple(_d.values())))

</pallas_src>

<mosaic_0001>
#map = affine_map<(d0, d1) -> (0, 0)>
#map1 = affine_map<(d0, d1) -> (0, 0, 0)>
module attributes {stable_mosaic.version = 14 : i64} {
  func.func @gather_kernel(%arg0: i32, %arg1: i32, %arg2: memref<10000x128xf32, #tpu.memory_space<hbm>>, %arg3: memref<32x125x80xi32, #tpu.memory_space<hbm>>, %arg4: memref<320000x128xf32, #tpu.memory_space<hbm>>, %arg5: memref<125x80xi32, #tpu.memory_space<vmem>>, %arg6: memref<80x128xf32, #tpu.memory_space<vmem>>, %arg7: memref<80x128xf32, #tpu.memory_space<vmem>>, %arg8: memref<80x128xf32, #tpu.memory_space<vmem>>, %arg9: memref<80x128xf32, #tpu.memory_space<vmem>>, %arg10: memref<!tpu.dma_semaphore, #tpu.memory_space<semaphore_mem>>, %arg11: memref<!tpu.dma_semaphore, #tpu.memory_space<semaphore_mem>>, %arg12: memref<!tpu.dma_semaphore, #tpu.memory_space<semaphore_mem>>, %arg13: memref<!tpu.dma_semaphore, #tpu.memory_space<semaphore_mem>>, %arg14: memref<!tpu.dma_semaphore, #tpu.memory_space<semaphore_mem>>, %arg15: memref<!tpu.dma_semaphore, #tpu.memory_space<semaphore_mem>>, %arg16: memref<!tpu.dma_semaphore, #tpu.memory_space<semaphore_mem>>, %arg17: memref<!tpu.dma_semaphore, #tpu.memory_space<semaphore_mem>>) attributes {dimension_semantics = [#tpu.dimension_semantics<core_parallel>, #tpu.dimension_semantics<subcore_parallel>], iteration_bounds = array<i64: 2, 16>, scalar_prefetch = 0 : i64, scratch_operands = 13 : i64, tpu.core_type = #tpu.core_type<sc_vector_subcore>, window_params = [{transform_indices = #map}, {transform_indices = #map1}, {transform_indices = #map}]} {
    %mul3A = arith.constant 16 : i32
    %mul3A_0 = arith.muli %arg0, %mul3A : i32
    %add3A = arith.addi %mul3A_0, %arg1 : i32
    %mul3A_1 = arith.constant 10000 : i32
    %mul3A_2 = arith.muli %add3A, %mul3A_1 : i32
    "tpu.region"() ({
      %run_scoped3A = tpu.sem_alloc : memref<!tpu.dma_semaphore, #tpu.memory_space<semaphore_mem>>
      %dma_start3A_126 = arith.constant 0 : i32
      %dma_start3A_127 = arith.constant 0 : i32
      %dma_start3A_128 = tpu.memref_slice %arg3[%add3A, %dma_start3A_126, %dma_start3A_127] : memref<32x125x80xi32, #tpu.memory_space<hbm>> -> memref<1x125x80xi32, #tpu.memory_space<hbm>>
      %dma_start3A_129 = tpu.memref_squeeze %dma_start3A_128 : memref<1x125x80xi32, #tpu.memory_space<hbm>> -> memref<125x80xi32, #tpu.memory_space<hbm>>
      %dma_start3A_130 = arith.constant 0 : i32
      %dma_start3A_131 = arith.constant 0 : i32
      %dma_start3A_132 = tpu.memref_slice %arg3[%add3A, %dma_start3A_130, %dma_start3A_131] : memref<32x125x80xi32, #tpu.memory_space<hbm>> -> memref<1x125x80xi32, #tpu.memory_space<hbm>>
      %dma_start3A_133 = tpu.memref_squeeze %dma_start3A_132 : memref<1x125x80xi32, #tpu.memory_space<hbm>> -> memref<125x80xi32, #tpu.memory_space<hbm>>
      tpu.enqueue_dma source(%dma_start3A_133 : memref<125x80xi32, #tpu.memory_space<hbm>>) target(%arg5 : memref<125x80xi32, #tpu.memory_space<vmem>>) target_semaphore(%run_scoped3A : memref<!tpu.dma_semaphore, #tpu.memory_space<semaphore_mem>>)
      %dma_wait3A_134 = arith.constant 0 : i32
      %dma_wait3A_135 = arith.constant 0 : i32
      %dma_wait3A_136 = tpu.memref_slice %arg3[%add3A, %dma_wait3A_134, %dma_wait3A_135] : memref<32x125x80xi32, #tpu.memory_space<hbm>> -> memref<1x125x80xi32, #tpu.memory_space<hbm>>
      %dma_wait3A_137 = tpu.memref_squeeze %dma_wait3A_136 : memref<1x125x80xi32, #tpu.memory_space<hbm>> -> memref<125x80xi32, #tpu.memory_space<hbm>>
      %dma_wait3A_138 = arith.constant 0 : i32
      %dma_wait3A_139 = arith.constant 0 : i32
      %dma_wait3A_140 = tpu.memref_slice %arg3[%add3A, %dma_wait3A_138, %dma_wait3A_139] : memref<32x125x80xi32, #tpu.memory_space<hbm>> -> memref<1x125x80xi32, #tpu.memory_space<hbm>>
      %dma_wait3A_141 = tpu.memref_squeeze %dma_wait3A_140 : memref<1x125x80xi32, #tpu.memory_space<hbm>> -> memref<125x80xi32, #tpu.memory_space<hbm>>
      tpu.wait_dma2 semaphore(%run_scoped3A : memref<!tpu.dma_semaphore, #tpu.memory_space<semaphore_mem>>) src(%dma_wait3A_141 : memref<125x80xi32, #tpu.memory_space<hbm>>) dst(%arg5 : memref<125x80xi32, #tpu.memory_space<vmem>>)
      tpu.yield
    }) : () -> ()
    %dma_start3A = arith.constant 0 : i32
    %dma_start3A_3 = arith.constant 0 : i32
    %dma_start3A_4 = tpu.memref_slice %arg5[%dma_start3A, %dma_start3A_3] : memref<125x80xi32, #tpu.memory_space<vmem>> -> memref<1x80xi32, #tpu.memory_space<vmem>>
    %dma_start3A_5 = tpu.memref_squeeze %dma_start3A_4 : memref<1x80xi32, #tpu.memory_space<vmem>> -> memref<80xi32, #tpu.memory_space<vmem>>
    %dma_start3A_6 = arith.constant 0 : i32
    %dma_start3A_7 = arith.constant 0 : i32
    %dma_start3A_8 = tpu.memref_slice %arg2[%dma_start3A_6, %dma_start3A_7] : memref<10000x128xf32, #tpu.memory_space<hbm>> -> memref<10000x128xf32, #tpu.memory_space<hbm>>
    tpu.enqueue_indirect_dma source(%dma_start3A_8 : memref<10000x128xf32, #tpu.memory_space<hbm>>) target(%arg6 : memref<80x128xf32, #tpu.memory_space<vmem>>) offsets(%dma_start3A_5 : memref<80xi32, #tpu.memory_space<vmem>>) semaphore(%arg10 : memref<!tpu.dma_semaphore, #tpu.memory_space<semaphore_mem>>)
    %dma_start3A_9 = arith.constant 1 : i32
    %dma_start3A_10 = arith.constant 0 : i32
    %dma_start3A_11 = tpu.memref_slice %arg5[%dma_start3A_9, %dma_start3A_10] : memref<125x80xi32, #tpu.memory_space<vmem>> -> memref<1x80xi32, #tpu.memory_space<vmem>>
    %dma_start3A_12 = tpu.memref_squeeze %dma_start3A_11 : memref<1x80xi32, #tpu.memory_space<vmem>> -> memref<80xi32, #tpu.memory_space<vmem>>
    %dma_start3A_13 = arith.constant 0 : i32
    %dma_start3A_14 = arith.constant 0 : i32
    %dma_start3A_15 = tpu.memref_slice %arg2[%dma_start3A_13, %dma_start3A_14] : memref<10000x128xf32, #tpu.memory_space<hbm>> -> memref<10000x128xf32, #tpu.memory_space<hbm>>
    tpu.enqueue_indirect_dma source(%dma_start3A_15 : memref<10000x128xf32, #tpu.memory_space<hbm>>) target(%arg7 : memref<80x128xf32, #tpu.memory_space<vmem>>) offsets(%dma_start3A_12 : memref<80xi32, #tpu.memory_space<vmem>>) semaphore(%arg11 : memref<!tpu.dma_semaphore, #tpu.memory_space<semaphore_mem>>)
    %dma_wait3A = arith.constant 0 : i32
    %dma_wait3A_16 = arith.constant 0 : i32
    %dma_wait3A_17 = tpu.memref_slice %arg5[%dma_wait3A, %dma_wait3A_16] : memref<125x80xi32, #tpu.memory_space<vmem>> -> memref<1x80xi32, #tpu.memory_space<vmem>>
    %dma_wait3A_18 = tpu.memref_squeeze %dma_wait3A_17 : memref<1x80xi32, #tpu.memory_space<vmem>> -> memref<80xi32, #tpu.memory_space<vmem>>
    %dma_wait3A_19 = arith.constant 0 : i32
    %dma_wait3A_20 = arith.constant 0 : i32
    %dma_wait3A_21 = tpu.memref_slice %arg2[%dma_wait3A_19, %dma_wait3A_20] : memref<10000x128xf32, #tpu.memory_space<hbm>> -> memref<10000x128xf32, #tpu.memory_space<hbm>>
    tpu.wait_indirect_dma semaphore(%arg10 : memref<!tpu.dma_semaphore, #tpu.memory_space<semaphore_mem>>) src(%dma_wait3A_21 : memref<10000x128xf32, #tpu.memory_space<hbm>>) dst(%arg6 : memref<80x128xf32, #tpu.memory_space<vmem>>)
    %add3A_22 = arith.constant 0 : i32
    %add3A_23 = arith.addi %mul3A_2, %add3A_22 : i32
    %dma_start3A_24 = arith.constant 0 : i32
    %dma_start3A_25 = tpu.memref_slice %arg4[%add3A_23, %dma_start3A_24] : memref<320000x128xf32, #tpu.memory_space<hbm>> -> memref<80x128xf32, #tpu.memory_space<hbm>>
    %dma_start3A_26 = arith.constant 0 : i32
    %dma_start3A_27 = tpu.memref_slice %arg4[%add3A_23, %dma_start3A_26] : memref<320000x128xf32, #tpu.memory_space<hbm>> -> memref<80x128xf32, #tpu.memory_space<hbm>>
    tpu.enqueue_dma source(%arg6 : memref<80x128xf32, #tpu.memory_space<vmem>>) target(%dma_start3A_27 : memref<80x128xf32, #tpu.memory_space<hbm>>) target_semaphore(%arg14 : memref<!tpu.dma_semaphore, #tpu.memory_space<semaphore_mem>>)
    %dma_start3A_28 = arith.constant 2 : i32
    %dma_start3A_29 = arith.constant 0 : i32
    %dma_start3A_30 = tpu.memref_slice %arg5[%dma_start3A_28, %dma_start3A_29] : memref<125x80xi32, #tpu.memory_space<vmem>> -> memref<1x80xi32, #tpu.memory_space<vmem>>
    %dma_start3A_31 = tpu.memref_squeeze %dma_start3A_30 : memref<1x80xi32, #tpu.memory_space<vmem>> -> memref<80xi32, #tpu.memory_space<vmem>>
    %dma_start3A_32 = arith.constant 0 : i32
    %dma_start3A_33 = arith.constant 0 : i32
    %dma_start3A_34 = tpu.memref_slice %arg2[%dma_start3A_32, %dma_start3A_33] : memref<10000x128xf32, #tpu.memory_space<hbm>> -> memref<10000x128xf32, #tpu.memory_space<hbm>>
    tpu.enqueue_indirect_dma source(%dma_start3A_34 : memref<10000x128xf32, #tpu.memory_space<hbm>>) target(%arg8 : memref<80x128xf32, #tpu.memory_space<vmem>>) offsets(%dma_start3A_31 : memref<80xi32, #tpu.memory_space<vmem>>) semaphore(%arg12 : memref<!tpu.dma_semaphore, #tpu.memory_space<semaphore_mem>>)
    %dma_wait3A_35 = arith.constant 0 : i32
    %dma_wait3A_36 = arith.constant 0 : i32
    %dma_wait3A_37 = tpu.memref_slice %arg5[%dma_wait3A_35, %dma_wait3A_36] : memref<125x80xi32, #tpu.memory_space<vmem>> -> memref<1x80xi32, #tpu.memory_space<vmem>>
    %dma_wait3A_38 = tpu.memref_squeeze %dma_wait3A_37 : memref<1x80xi32, #tpu.memory_space<vmem>> -> memref<80xi32, #tpu.memory_space<vmem>>
    %dma_wait3A_39 = arith.constant 0 : i32
    %dma_wait3A_40 = arith.constant 0 : i32
    %dma_wait3A_41 = tpu.memref_slice %arg2[%dma_wait3A_39, %dma_wait3A_40] : memref<10000x128xf32, #tpu.memory_space<hbm>> -> memref<10000x128xf32, #tpu.memory_space<hbm>>
    tpu.wait_indirect_dma semaphore(%arg11 : memref<!tpu.dma_semaphore, #tpu.memory_space<semaphore_mem>>) src(%dma_wait3A_41 : memref<10000x128xf32, #tpu.memory_space<hbm>>) dst(%arg7 : memref<80x128xf32, #tpu.memory_space<vmem>>)
    %add3A_42 = arith.constant 80 : i32
    %add3A_43 = arith.addi %mul3A_2, %add3A_42 : i32
    %dma_start3A_44 = arith.constant 0 : i32
    %dma_start3A_45 = tpu.memref_slice %arg4[%add3A_43, %dma_start3A_44] : memref<320000x128xf32, #tpu.memory_space<hbm>> -> memref<80x128xf32, #tpu.memory_space<hbm>>
    %dma_start3A_46 = arith.constant 0 : i32
    %dma_start3A_47 = tpu.memref_slice %arg4[%add3A_43, %dma_start3A_46] : memref<320000x128xf32, #tpu.memory_space<hbm>> -> memref<80x128xf32, #tpu.memory_space<hbm>>
    tpu.enqueue_dma source(%arg7 : memref<80x128xf32, #tpu.memory_space<vmem>>) target(%dma_start3A_47 : memref<80x128xf32, #tpu.memory_space<hbm>>) target_semaphore(%arg15 : memref<!tpu.dma_semaphore, #tpu.memory_space<semaphore_mem>>)
    %dma_start3A_48 = arith.constant 3 : i32
    %dma_start3A_49 = arith.constant 0 : i32
    %dma_start3A_50 = tpu.memref_slice %arg5[%dma_start3A_48, %dma_start3A_49] : memref<125x80xi32, #tpu.memory_space<vmem>> -> memref<1x80xi32, #tpu.memory_space<vmem>>
    %dma_start3A_51 = tpu.memref_squeeze %dma_start3A_50 : memref<1x80xi32, #tpu.memory_space<vmem>> -> memref<80xi32, #tpu.memory_space<vmem>>
    %dma_start3A_52 = arith.constant 0 : i32
    %dma_start3A_53 = arith.constant 0 : i32
    %dma_start3A_54 = tpu.memref_slice %arg2[%dma_start3A_52, %dma_start3A_53] : memref<10000x128xf32, #tpu.memory_space<hbm>> -> memref<10000x128xf32, #tpu.memory_space<hbm>>
    tpu.enqueue_indirect_dma source(%dma_start3A_54 : memref<10000x128xf32, #tpu.memory_space<hbm>>) target(%arg9 : memref<80x128xf32, #tpu.memory_space<vmem>>) offsets(%dma_start3A_51 : memref<80xi32, #tpu.memory_space<vmem>>) semaphore(%arg13 : memref<!tpu.dma_semaphore, #tpu.memory_space<semaphore_mem>>)
    %scan3A = arith.constant 0 : i32
    %scan3A_55 = arith.constant 0 : i32
    %scan3A_56 = arith.constant 30 : i32
    %scan3A_57 = arith.addi %scan3A_55, %scan3A_56 : i32
    %scan3A_58 = arith.constant 1 : i32
    scf.for %scan3A_126 = %scan3A_55 to %scan3A_57 step %scan3A_58  : i32 {
      %mul3A_127 = arith.constant 4 : i32
      %mul3A_128 = arith.muli %mul3A_127, %scan3A_126 : i32
      %add3A_129 = arith.constant 2 : i32
      %add3A_130 = arith.addi %add3A_129, %mul3A_128 : i32
      %add3A_131 = arith.constant 0 : i32
      %add3A_132 = arith.addi %add3A_130, %add3A_131 : i32
      %dma_wait3A_133 = arith.constant 0 : i32
      %dma_wait3A_134 = arith.constant 0 : i32
      %dma_wait3A_135 = tpu.memref_slice %arg5[%dma_wait3A_133, %dma_wait3A_134] : memref<125x80xi32, #tpu.memory_space<vmem>> -> memref<1x80xi32, #tpu.memory_space<vmem>>
      %dma_wait3A_136 = tpu.memref_squeeze %dma_wait3A_135 : memref<1x80xi32, #tpu.memory_space<vmem>> -> memref<80xi32, #tpu.memory_space<vmem>>
      %dma_wait3A_137 = arith.constant 0 : i32
      %dma_wait3A_138 = arith.constant 0 : i32
      %dma_wait3A_139 = tpu.memref_slice %arg2[%dma_wait3A_137, %dma_wait3A_138] : memref<10000x128xf32, #tpu.memory_space<hbm>> -> memref<10000x128xf32, #tpu.memory_space<hbm>>
      tpu.wait_indirect_dma semaphore(%arg12 : memref<!tpu.dma_semaphore, #tpu.memory_space<semaphore_mem>>) src(%dma_wait3A_139 : memref<10000x128xf32, #tpu.memory_space<hbm>>) dst(%arg8 : memref<80x128xf32, #tpu.memory_space<vmem>>)
      %mul3A_140 = arith.constant 80 : i32
      %mul3A_141 = arith.muli %add3A_132, %mul3A_140 : i32
      %add3A_142 = arith.addi %mul3A_2, %mul3A_141 : i32
      %dma_start3A_143 = arith.constant 0 : i32
      %dma_start3A_144 = tpu.memref_slice %arg4[%add3A_142, %dma_start3A_143] : memref<320000x128xf32, #tpu.memory_space<hbm>> -> memref<80x128xf32, #tpu.memory_space<hbm>>
      %dma_start3A_145 = arith.constant 0 : i32
      %dma_start3A_146 = tpu.memref_slice %arg4[%add3A_142, %dma_start3A_145] : memref<320000x128xf32, #tpu.memory_space<hbm>> -> memref<80x128xf32, #tpu.memory_space<hbm>>
      tpu.enqueue_dma source(%arg8 : memref<80x128xf32, #tpu.memory_space<vmem>>) target(%dma_start3A_146 : memref<80x128xf32, #tpu.memory_space<hbm>>) target_semaphore(%arg16 : memref<!tpu.dma_semaphore, #tpu.memory_space<semaphore_mem>>)
      %dma_wait3A_147 = arith.constant 0 : i32
      %dma_wait3A_148 = tpu.memref_slice %arg4[%mul3A_2, %dma_wait3A_147] : memref<320000x128xf32, #tpu.memory_space<hbm>> -> memref<80x128xf32, #tpu.memory_space<hbm>>
      %dma_wait3A_149 = arith.constant 0 : i32
      %dma_wait3A_150 = tpu.memref_slice %arg4[%mul3A_2, %dma_wait3A_149] : memref<320000x128xf32, #tpu.memory_space<hbm>> -> memref<80x128xf32, #tpu.memory_space<hbm>>
      tpu.wait_dma2 semaphore(%arg14 : memref<!tpu.dma_semaphore, #tpu.memory_space<semaphore_mem>>) src(%arg6 : memref<80x128xf32, #tpu.memory_space<vmem>>) dst(%dma_wait3A_150 : memref<80x128xf32, #tpu.memory_space<hbm>>)
      %add3A_151 = arith.constant 2 : i32
      %add3A_152 = arith.addi %add3A_132, %add3A_151 : i32
      %dma_start3A_153 = arith.constant 0 : i32
      %dma_start3A_154 = tpu.memref_slice %arg5[%add3A_152, %dma_start3A_153] : memref<125x80xi32, #tpu.memory_space<vmem>> -> memref<1x80xi32, #tpu.memory_space<vmem>>
      %dma_start3A_155 = tpu.memref_squeeze %dma_start3A_154 : memref<1x80xi32, #tpu.memory_space<vmem>> -> memref<80xi32, #tpu.memory_space<vmem>>
      %dma_start3A_156 = arith.constant 0 : i32
      %dma_start3A_157 = arith.constant 0 : i32
      %dma_start3A_158 = tpu.memref_slice %arg2[%dma_start3A_156, %dma_start3A_157] : memref<10000x128xf32, #tpu.memory_space<hbm>> -> memref<10000x128xf32, #tpu.memory_space<hbm>>
      tpu.enqueue_indirect_dma source(%dma_start3A_158 : memref<10000x128xf32, #tpu.memory_space<hbm>>) target(%arg6 : memref<80x128xf32, #tpu.memory_space<vmem>>) offsets(%dma_start3A_155 : memref<80xi32, #tpu.memory_space<vmem>>) semaphore(%arg10 : memref<!tpu.dma_semaphore, #tpu.memory_space<semaphore_mem>>)
      %add3A_159 = arith.constant 1 : i32
      %add3A_160 = arith.addi %add3A_130, %add3A_159 : i32
      %dma_wait3A_161 = arith.constant 0 : i32
      %dma_wait3A_162 = arith.constant 0 : i32
      %dma_wait3A_163 = tpu.memref_slice %arg5[%dma_wait3A_161, %dma_wait3A_162] : memref<125x80xi32, #tpu.memory_space<vmem>> -> memref<1x80xi32, #tpu.memory_space<vmem>>
      %dma_wait3A_164 = tpu.memref_squeeze %dma_wait3A_163 : memref<1x80xi32, #tpu.memory_space<vmem>> -> memref<80xi32, #tpu.memory_space<vmem>>
      %dma_wait3A_165 = arith.constant 0 : i32
      %dma_wait3A_166 = arith.constant 0 : i32
      %dma_wait3A_167 = tpu.memref_slice %arg2[%dma_wait3A_165, %dma_wait3A_166] : memref<10000x128xf32, #tpu.memory_space<hbm>> -> memref<10000x128xf32, #tpu.memory_space<hbm>>
      tpu.wait_indirect_dma semaphore(%arg13 : memref<!tpu.dma_semaphore, #tpu.memory_space<semaphore_mem>>) src(%dma_wait3A_167 : memref<10000x128xf32, #tpu.memory_space<hbm>>) dst(%arg9 : memref<80x128xf32, #tpu.memory_space<vmem>>)
      %mul3A_168 = arith.constant 80 : i32
      %mul3A_169 = arith.muli %add3A_160, %mul3A_168 : i32
      %add3A_170 = arith.addi %mul3A_2, %mul3A_169 : i32
      %dma_start3A_171 = arith.constant 0 : i32
      %dma_start3A_172 = tpu.memref_slice %arg4[%add3A_170, %dma_start3A_171] : memref<320000x128xf32, #tpu.memory_space<hbm>> -> memref<80x128xf32, #tpu.memory_space<hbm>>
      %dma_start3A_173 = arith.constant 0 : i32
      %dma_start3A_174 = tpu.memref_slice %arg4[%add3A_170, %dma_start3A_173] : memref<320000x128xf32, #tpu.memory_space<hbm>> -> memref<80x128xf32, #tpu.memory_space<hbm>>
      tpu.enqueue_dma source(%arg9 : memref<80x128xf32, #tpu.memory_space<vmem>>) target(%dma_start3A_174 : memref<80x128xf32, #tpu.memory_space<hbm>>) target_semaphore(%arg17 : memref<!tpu.dma_semaphore, #tpu.memory_space<semaphore_mem>>)
      %dma_wait3A_175 = arith.constant 0 : i32
      %dma_wait3A_176 = tpu.memref_slice %arg4[%mul3A_2, %dma_wait3A_175] : memref<320000x128xf32, #tpu.memory_space<hbm>> -> memref<80x128xf32, #tpu.memory_space<hbm>>
      %dma_wait3A_177 = arith.constant 0 : i32
      %dma_wait3A_178 = tpu.memref_slice %arg4[%mul3A_2, %dma_wait3A_177] : memref<320000x128xf32, #tpu.memory_space<hbm>> -> memref<80x128xf32, #tpu.memory_space<hbm>>
      tpu.wait_dma2 semaphore(%arg15 : memref<!tpu.dma_semaphore, #tpu.memory_space<semaphore_mem>>) src(%arg7 : memref<80x128xf32, #tpu.memory_space<vmem>>) dst(%dma_wait3A_178 : memref<80x128xf32, #tpu.memory_space<hbm>>)
      %add3A_179 = arith.constant 2 : i32
      %add3A_180 = arith.addi %add3A_160, %add3A_179 : i32
      %dma_start3A_181 = arith.constant 0 : i32
      %dma_start3A_182 = tpu.memref_slice %arg5[%add3A_180, %dma_start3A_181] : memref<125x80xi32, #tpu.memory_space<vmem>> -> memref<1x80xi32, #tpu.memory_space<vmem>>
      %dma_start3A_183 = tpu.memref_squeeze %dma_start3A_182 : memref<1x80xi32, #tpu.memory_space<vmem>> -> memref<80xi32, #tpu.memory_space<vmem>>
      %dma_start3A_184 = arith.constant 0 : i32
      %dma_start3A_185 = arith.constant 0 : i32
      %dma_start3A_186 = tpu.memref_slice %arg2[%dma_start3A_184, %dma_start3A_185] : memref<10000x128xf32, #tpu.memory_space<hbm>> -> memref<10000x128xf32, #tpu.memory_space<hbm>>
      tpu.enqueue_indirect_dma source(%dma_start3A_186 : memref<10000x128xf32, #tpu.memory_space<hbm>>) target(%arg7 : memref<80x128xf32, #tpu.memory_space<vmem>>) offsets(%dma_start3A_183 : memref<80xi32, #tpu.memory_space<vmem>>) semaphore(%arg11 : memref<!tpu.dma_semaphore, #tpu.memory_space<semaphore_mem>>)
      %add3A_187 = arith.constant 2 : i32
      %add3A_188 = arith.addi %add3A_130, %add3A_187 : i32
      %dma_wait3A_189 = arith.constant 0 : i32
      %dma_wait3A_190 = arith.constant 0 : i32
      %dma_wait3A_191 = tpu.memref_slice %arg5[%dma_wait3A_189, %dma_wait3A_190] : memref<125x80xi32, #tpu.memory_space<vmem>> -> memref<1x80xi32, #tpu.memory_space<vmem>>
      %dma_wait3A_192 = tpu.memref_squeeze %dma_wait3A_191 : memref<1x80xi32, #tpu.memory_space<vmem>> -> memref<80xi32, #tpu.memory_space<vmem>>
      %dma_wait3A_193 = arith.constant 0 : i32
      %dma_wait3A_194 = arith.constant 0 : i32
      %dma_wait3A_195 = tpu.memref_slice %arg2[%dma_wait3A_193, %dma_wait3A_194] : memref<10000x128xf32, #tpu.memory_space<hbm>> -> memref<10000x128xf32, #tpu.memory_space<hbm>>
      tpu.wait_indirect_dma semaphore(%arg10 : memref<!tpu.dma_semaphore, #tpu.memory_space<semaphore_mem>>) src(%dma_wait3A_195 : memref<10000x128xf32, #tpu.memory_space<hbm>>) dst(%arg6 : memref<80x128xf32, #tpu.memory_space<vmem>>)
      %mul3A_196 = arith.constant 80 : i32
      %mul3A_197 = arith.muli %add3A_188, %mul3A_196 : i32
      %add3A_198 = arith.addi %mul3A_2, %mul3A_197 : i32
      %dma_start3A_199 = arith.constant 0 : i32
      %dma_start3A_200 = tpu.memref_slice %arg4[%add3A_198, %dma_start3A_199] : memref<320000x128xf32, #tpu.memory_space<hbm>> -> memref<80x128xf32, #tpu.memory_space<hbm>>
      %dma_start3A_201 = arith.constant 0 : i32
      %dma_start3A_202 = tpu.memref_slice %arg4[%add3A_198, %dma_start3A_201] : memref<320000x128xf32, #tpu.memory_space<hbm>> -> memref<80x128xf32, #tpu.memory_space<hbm>>
      tpu.enqueue_dma source(%arg6 : memref<80x128xf32, #tpu.memory_space<vmem>>) target(%dma_start3A_202 : memref<80x128xf32, #tpu.memory_space<hbm>>) target_semaphore(%arg14 : memref<!tpu.dma_semaphore, #tpu.memory_space<semaphore_mem>>)
      %dma_wait3A_203 = arith.constant 0 : i32
      %dma_wait3A_204 = tpu.memref_slice %arg4[%mul3A_2, %dma_wait3A_203] : memref<320000x128xf32, #tpu.memory_space<hbm>> -> memref<80x128xf32, #tpu.memory_space<hbm>>
      %dma_wait3A_205 = arith.constant 0 : i32
      %dma_wait3A_206 = tpu.memref_slice %arg4[%mul3A_2, %dma_wait3A_205] : memref<320000x128xf32, #tpu.memory_space<hbm>> -> memref<80x128xf32, #tpu.memory_space<hbm>>
      tpu.wait_dma2 semaphore(%arg16 : memref<!tpu.dma_semaphore, #tpu.memory_space<semaphore_mem>>) src(%arg8 : memref<80x128xf32, #tpu.memory_space<vmem>>) dst(%dma_wait3A_206 : memref<80x128xf32, #tpu.memory_space<hbm>>)
      %add3A_207 = arith.constant 2 : i32
      %add3A_208 = arith.addi %add3A_188, %add3A_207 : i32
      %dma_start3A_209 = arith.constant 0 : i32
      %dma_start3A_210 = tpu.memref_slice %arg5[%add3A_208, %dma_start3A_209] : memref<125x80xi32, #tpu.memory_space<vmem>> -> memref<1x80xi32, #tpu.memory_space<vmem>>
      %dma_start3A_211 = tpu.memref_squeeze %dma_start3A_210 : memref<1x80xi32, #tpu.memory_space<vmem>> -> memref<80xi32, #tpu.memory_space<vmem>>
      %dma_start3A_212 = arith.constant 0 : i32
      %dma_start3A_213 = arith.constant 0 : i32
      %dma_start3A_214 = tpu.memref_slice %arg2[%dma_start3A_212, %dma_start3A_213] : memref<10000x128xf32, #tpu.memory_space<hbm>> -> memref<10000x128xf32, #tpu.memory_space<hbm>>
      tpu.enqueue_indirect_dma source(%dma_start3A_214 : memref<10000x128xf32, #tpu.memory_space<hbm>>) target(%arg8 : memref<80x128xf32, #tpu.memory_space<vmem>>) offsets(%dma_start3A_211 : memref<80xi32, #tpu.memory_space<vmem>>) semaphore(%arg12 : memref<!tpu.dma_semaphore, #tpu.memory_space<semaphore_mem>>)
      %add3A_215 = arith.constant 3 : i32
      %add3A_216 = arith.addi %add3A_130, %add3A_215 : i32
      %dma_wait3A_217 = arith.constant 0 : i32
      %dma_wait3A_218 = arith.constant 0 : i32
      %dma_wait3A_219 = tpu.memref_slice %arg5[%dma_wait3A_217, %dma_wait3A_218] : memref<125x80xi32, #tpu.memory_space<vmem>> -> memref<1x80xi32, #tpu.memory_space<vmem>>
      %dma_wait3A_220 = tpu.memref_squeeze %dma_wait3A_219 : memref<1x80xi32, #tpu.memory_space<vmem>> -> memref<80xi32, #tpu.memory_space<vmem>>
      %dma_wait3A_221 = arith.constant 0 : i32
      %dma_wait3A_222 = arith.constant 0 : i32
      %dma_wait3A_223 = tpu.memref_slice %arg2[%dma_wait3A_221, %dma_wait3A_222] : memref<10000x128xf32, #tpu.memory_space<hbm>> -> memref<10000x128xf32, #tpu.memory_space<hbm>>
      tpu.wait_indirect_dma semaphore(%arg11 : memref<!tpu.dma_semaphore, #tpu.memory_space<semaphore_mem>>) src(%dma_wait3A_223 : memref<10000x128xf32, #tpu.memory_space<hbm>>) dst(%arg7 : memref<80x128xf32, #tpu.memory_space<vmem>>)
      %mul3A_224 = arith.constant 80 : i32
      %mul3A_225 = arith.muli %add3A_216, %mul3A_224 : i32
      %add3A_226 = arith.addi %mul3A_2, %mul3A_225 : i32
      %dma_start3A_227 = arith.constant 0 : i32
      %dma_start3A_228 = tpu.memref_slice %arg4[%add3A_226, %dma_start3A_227] : memref<320000x128xf32, #tpu.memory_space<hbm>> -> memref<80x128xf32, #tpu.memory_space<hbm>>
      %dma_start3A_229 = arith.constant 0 : i32
      %dma_start3A_230 = tpu.memref_slice %arg4[%add3A_226, %dma_start3A_229] : memref<320000x128xf32, #tpu.memory_space<hbm>> -> memref<80x128xf32, #tpu.memory_space<hbm>>
      tpu.enqueue_dma source(%arg7 : memref<80x128xf32, #tpu.memory_space<vmem>>) target(%dma_start3A_230 : memref<80x128xf32, #tpu.memory_space<hbm>>) target_semaphore(%arg15 : memref<!tpu.dma_semaphore, #tpu.memory_space<semaphore_mem>>)
      %dma_wait3A_231 = arith.constant 0 : i32
      %dma_wait3A_232 = tpu.memref_slice %arg4[%mul3A_2, %dma_wait3A_231] : memref<320000x128xf32, #tpu.memory_space<hbm>> -> memref<80x128xf32, #tpu.memory_space<hbm>>
      %dma_wait3A_233 = arith.constant 0 : i32
      %dma_wait3A_234 = tpu.memref_slice %arg4[%mul3A_2, %dma_wait3A_233] : memref<320000x128xf32, #tpu.memory_space<hbm>> -> memref<80x128xf32, #tpu.memory_space<hbm>>
      tpu.wait_dma2 semaphore(%arg17 : memref<!tpu.dma_semaphore, #tpu.memory_space<semaphore_mem>>) src(%arg9 : memref<80x128xf32, #tpu.memory_space<vmem>>) dst(%dma_wait3A_234 : memref<80x128xf32, #tpu.memory_space<hbm>>)
      %add3A_235 = arith.constant 2 : i32
      %add3A_236 = arith.addi %add3A_216, %add3A_235 : i32
      %dma_start3A_237 = arith.constant 0 : i32
      %dma_start3A_238 = tpu.memref_slice %arg5[%add3A_236, %dma_start3A_237] : memref<125x80xi32, #tpu.memory_space<vmem>> -> memref<1x80xi32, #tpu.memory_space<vmem>>
      %dma_start3A_239 = tpu.memref_squeeze %dma_start3A_238 : memref<1x80xi32, #tpu.memory_space<vmem>> -> memref<80xi32, #tpu.memory_space<vmem>>
      %dma_start3A_240 = arith.constant 0 : i32
      %dma_start3A_241 = arith.constant 0 : i32
      %dma_start3A_242 = tpu.memref_slice %arg2[%dma_start3A_240, %dma_start3A_241] : memref<10000x128xf32, #tpu.memory_space<hbm>> -> memref<10000x128xf32, #tpu.memory_space<hbm>>
      tpu.enqueue_indirect_dma source(%dma_start3A_242 : memref<10000x128xf32, #tpu.memory_space<hbm>>) target(%arg9 : memref<80x128xf32, #tpu.memory_space<vmem>>) offsets(%dma_start3A_239 : memref<80xi32, #tpu.memory_space<vmem>>) semaphore(%arg13 : memref<!tpu.dma_semaphore, #tpu.memory_space<semaphore_mem>>)
    }
    %scan3A_59 = arith.constant 30 : i32
    %dma_wait3A_60 = arith.constant 0 : i32
    %dma_wait3A_61 = arith.constant 0 : i32
    %dma_wait3A_62 = tpu.memref_slice %arg5[%dma_wait3A_60, %dma_wait3A_61] : memref<125x80xi32, #tpu.memory_space<vmem>> -> memref<1x80xi32, #tpu.memory_space<vmem>>
    %dma_wait3A_63 = tpu.memref_squeeze %dma_wait3A_62 : memref<1x80xi32, #tpu.memory_space<vmem>> -> memref<80xi32, #tpu.memory_space<vmem>>
    %dma_wait3A_64 = arith.constant 0 : i32
    %dma_wait3A_65 = arith.constant 0 : i32
    %dma_wait3A_66 = tpu.memref_slice %arg2[%dma_wait3A_64, %dma_wait3A_65] : memref<10000x128xf32, #tpu.memory_space<hbm>> -> memref<10000x128xf32, #tpu.memory_space<hbm>>
    tpu.wait_indirect_dma semaphore(%arg12 : memref<!tpu.dma_semaphore, #tpu.memory_space<semaphore_mem>>) src(%dma_wait3A_66 : memref<10000x128xf32, #tpu.memory_space<hbm>>) dst(%arg8 : memref<80x128xf32, #tpu.memory_space<vmem>>)
    %add3A_67 = arith.constant 9760 : i32
    %add3A_68 = arith.addi %mul3A_2, %add3A_67 : i32
    %dma_start3A_69 = arith.constant 0 : i32
    %dma_start3A_70 = tpu.memref_slice %arg4[%add3A_68, %dma_start3A_69] : memref<320000x128xf32, #tpu.memory_space<hbm>> -> memref<80x128xf32, #tpu.memory_space<hbm>>
    %dma_start3A_71 = arith.constant 0 : i32
    %dma_start3A_72 = tpu.memref_slice %arg4[%add3A_68, %dma_start3A_71] : memref<320000x128xf32, #tpu.memory_space<hbm>> -> memref<80x128xf32, #tpu.memory_space<hbm>>
    tpu.enqueue_dma source(%arg8 : memref<80x128xf32, #tpu.memory_space<vmem>>) target(%dma_start3A_72 : memref<80x128xf32, #tpu.memory_space<hbm>>) target_semaphore(%arg16 : memref<!tpu.dma_semaphore, #tpu.memory_space<semaphore_mem>>)
    %dma_wait3A_73 = arith.constant 0 : i32
    %dma_wait3A_74 = tpu.memref_slice %arg4[%mul3A_2, %dma_wait3A_73] : memref<320000x128xf32, #tpu.memory_space<hbm>> -> memref<80x128xf32, #tpu.memory_space<hbm>>
    %dma_wait3A_75 = arith.constant 0 : i32
    %dma_wait3A_76 = tpu.memref_slice %arg4[%mul3A_2, %dma_wait3A_75] : memref<320000x128xf32, #tpu.memory_space<hbm>> -> memref<80x128xf32, #tpu.memory_space<hbm>>
    tpu.wait_dma2 semaphore(%arg14 : memref<!tpu.dma_semaphore, #tpu.memory_space<semaphore_mem>>) src(%arg6 : memref<80x128xf32, #tpu.memory_space<vmem>>) dst(%dma_wait3A_76 : memref<80x128xf32, #tpu.memory_space<hbm>>)
    %dma_start3A_77 = arith.constant 124 : i32
    %dma_start3A_78 = arith.constant 0 : i32
    %dma_start3A_79 = tpu.memref_slice %arg5[%dma_start3A_77, %dma_start3A_78] : memref<125x80xi32, #tpu.memory_space<vmem>> -> memref<1x80xi32, #tpu.memory_space<vmem>>
    %dma_start3A_80 = tpu.memref_squeeze %dma_start3A_79 : memref<1x80xi32, #tpu.memory_space<vmem>> -> memref<80xi32, #tpu.memory_space<vmem>>
    %dma_start3A_81 = arith.constant 0 : i32
    %dma_start3A_82 = arith.constant 0 : i32
    %dma_start3A_83 = tpu.memref_slice %arg2[%dma_start3A_81, %dma_start3A_82] : memref<10000x128xf32, #tpu.memory_space<hbm>> -> memref<10000x128xf32, #tpu.memory_space<hbm>>
    tpu.enqueue_indirect_dma source(%dma_start3A_83 : memref<10000x128xf32, #tpu.memory_space<hbm>>) target(%arg6 : memref<80x128xf32, #tpu.memory_space<vmem>>) offsets(%dma_start3A_80 : memref<80xi32, #tpu.memory_space<vmem>>) semaphore(%arg10 : memref<!tpu.dma_semaphore, #tpu.memory_space<semaphore_mem>>)
    %dma_wait3A_84 = arith.constant 0 : i32
    %dma_wait3A_85 = arith.constant 0 : i32
    %dma_wait3A_86 = tpu.memref_slice %arg5[%dma_wait3A_84, %dma_wait3A_85] : memref<125x80xi32, #tpu.memory_space<vmem>> -> memref<1x80xi32, #tpu.memory_space<vmem>>
    %dma_wait3A_87 = tpu.memref_squeeze %dma_wait3A_86 : memref<1x80xi32, #tpu.memory_space<vmem>> -> memref<80xi32, #tpu.memory_space<vmem>>
    %dma_wait3A_88 = arith.constant 0 : i32
    %dma_wait3A_89 = arith.constant 0 : i32
    %dma_wait3A_90 = tpu.memref_slice %arg2[%dma_wait3A_88, %dma_wait3A_89] : memref<10000x128xf32, #tpu.memory_space<hbm>> -> memref<10000x128xf32, #tpu.memory_space<hbm>>
    tpu.wait_indirect_dma semaphore(%arg13 : memref<!tpu.dma_semaphore, #tpu.memory_space<semaphore_mem>>) src(%dma_wait3A_90 : memref<10000x128xf32, #tpu.memory_space<hbm>>) dst(%arg9 : memref<80x128xf32, #tpu.memory_space<vmem>>)
    %add3A_91 = arith.constant 9840 : i32
    %add3A_92 = arith.addi %mul3A_2, %add3A_91 : i32
    %dma_start3A_93 = arith.constant 0 : i32
    %dma_start3A_94 = tpu.memref_slice %arg4[%add3A_92, %dma_start3A_93] : memref<320000x128xf32, #tpu.memory_space<hbm>> -> memref<80x128xf32, #tpu.memory_space<hbm>>
    %dma_start3A_95 = arith.constant 0 : i32
    %dma_start3A_96 = tpu.memref_slice %arg4[%add3A_92, %dma_start3A_95] : memref<320000x128xf32, #tpu.memory_space<hbm>> -> memref<80x128xf32, #tpu.memory_space<hbm>>
    tpu.enqueue_dma source(%arg9 : memref<80x128xf32, #tpu.memory_space<vmem>>) target(%dma_start3A_96 : memref<80x128xf32, #tpu.memory_space<hbm>>) target_semaphore(%arg17 : memref<!tpu.dma_semaphore, #tpu.memory_space<semaphore_mem>>)
    %dma_wait3A_97 = arith.constant 0 : i32
    %dma_wait3A_98 = arith.constant 0 : i32
    %dma_wait3A_99 = tpu.memref_slice %arg5[%dma_wait3A_97, %dma_wait3A_98] : memref<125x80xi32, #tpu.memory_space<vmem>> -> memref<1x80xi32, #tpu.memory_space<vmem>>
    %dma_wait3A_100 = tpu.memref_squeeze %dma_wait3A_99 : memref<1x80xi32, #tpu.memory_space<vmem>> -> memref<80xi32, #tpu.memory_space<vmem>>
    %dma_wait3A_101 = arith.constant 0 : i32
    %dma_wait3A_102 = arith.constant 0 : i32
    %dma_wait3A_103 = tpu.memref_slice %arg2[%dma_wait3A_101, %dma_wait3A_102] : memref<10000x128xf32, #tpu.memory_space<hbm>> -> memref<10000x128xf32, #tpu.memory_space<hbm>>
    tpu.wait_indirect_dma semaphore(%arg10 : memref<!tpu.dma_semaphore, #tpu.memory_space<semaphore_mem>>) src(%dma_wait3A_103 : memref<10000x128xf32, #tpu.memory_space<hbm>>) dst(%arg6 : memref<80x128xf32, #tpu.memory_space<vmem>>)
    %add3A_104 = arith.constant 9920 : i32
    %add3A_105 = arith.addi %mul3A_2, %add3A_104 : i32
    %dma_start3A_106 = arith.constant 0 : i32
    %dma_start3A_107 = tpu.memref_slice %arg4[%add3A_105, %dma_start3A_106] : memref<320000x128xf32, #tpu.memory_space<hbm>> -> memref<80x128xf32, #tpu.memory_space<hbm>>
    %dma_start3A_108 = arith.constant 0 : i32
    %dma_start3A_109 = tpu.memref_slice %arg4[%add3A_105, %dma_start3A_108] : memref<320000x128xf32, #tpu.memory_space<hbm>> -> memref<80x128xf32, #tpu.memory_space<hbm>>
    tpu.enqueue_dma source(%arg6 : memref<80x128xf32, #tpu.memory_space<vmem>>) target(%dma_start3A_109 : memref<80x128xf32, #tpu.memory_space<hbm>>) target_semaphore(%arg14 : memref<!tpu.dma_semaphore, #tpu.memory_space<semaphore_mem>>)
    %dma_wait3A_110 = arith.constant 0 : i32
    %dma_wait3A_111 = tpu.memref_slice %arg4[%mul3A_2, %dma_wait3A_110] : memref<320000x128xf32, #tpu.memory_space<hbm>> -> memref<80x128xf32, #tpu.memory_space<hbm>>
    %dma_wait3A_112 = arith.constant 0 : i32
    %dma_wait3A_113 = tpu.memref_slice %arg4[%mul3A_2, %dma_wait3A_112] : memref<320000x128xf32, #tpu.memory_space<hbm>> -> memref<80x128xf32, #tpu.memory_space<hbm>>
    tpu.wait_dma2 semaphore(%arg15 : memref<!tpu.dma_semaphore, #tpu.memory_space<semaphore_mem>>) src(%arg7 : memref<80x128xf32, #tpu.memory_space<vmem>>) dst(%dma_wait3A_113 : memref<80x128xf32, #tpu.memory_space<hbm>>)
    %dma_wait3A_114 = arith.constant 0 : i32
    %dma_wait3A_115 = tpu.memref_slice %arg4[%mul3A_2, %dma_wait3A_114] : memref<320000x128xf32, #tpu.memory_space<hbm>> -> memref<80x128xf32, #tpu.memory_space<hbm>>
    %dma_wait3A_116 = arith.constant 0 : i32
    %dma_wait3A_117 = tpu.memref_slice %arg4[%mul3A_2, %dma_wait3A_116] : memref<320000x128xf32, #tpu.memory_space<hbm>> -> memref<80x128xf32, #tpu.memory_space<hbm>>
    tpu.wait_dma2 semaphore(%arg16 : memref<!tpu.dma_semaphore, #tpu.memory_space<semaphore_mem>>) src(%arg8 : memref<80x128xf32, #tpu.memory_space<vmem>>) dst(%dma_wait3A_117 : memref<80x128xf32, #tpu.memory_space<hbm>>)
    %dma_wait3A_118 = arith.constant 0 : i32
    %dma_wait3A_119 = tpu.memref_slice %arg4[%mul3A_2, %dma_wait3A_118] : memref<320000x128xf32, #tpu.memory_space<hbm>> -> memref<80x128xf32, #tpu.memory_space<hbm>>
    %dma_wait3A_120 = arith.constant 0 : i32
    %dma_wait3A_121 = tpu.memref_slice %arg4[%mul3A_2, %dma_wait3A_120] : memref<320000x128xf32, #tpu.memory_space<hbm>> -> memref<80x128xf32, #tpu.memory_space<hbm>>
    tpu.wait_dma2 semaphore(%arg17 : memref<!tpu.dma_semaphore, #tpu.memory_space<semaphore_mem>>) src(%arg9 : memref<80x128xf32, #tpu.memory_space<vmem>>) dst(%dma_wait3A_121 : memref<80x128xf32, #tpu.memory_space<hbm>>)
    %dma_wait3A_122 = arith.constant 0 : i32
    %dma_wait3A_123 = tpu.memref_slice %arg4[%mul3A_2, %dma_wait3A_122] : memref<320000x128xf32, #tpu.memory_space<hbm>> -> memref<80x128xf32, #tpu.memory_space<hbm>>
    %dma_wait3A_124 = arith.constant 0 : i32
    %dma_wait3A_125 = tpu.memref_slice %arg4[%mul3A_2, %dma_wait3A_124] : memref<320000x128xf32, #tpu.memory_space<hbm>> -> memref<80x128xf32, #tpu.memory_space<hbm>>
    tpu.wait_dma2 semaphore(%arg14 : memref<!tpu.dma_semaphore, #tpu.memory_space<semaphore_mem>>) src(%arg6 : memref<80x128xf32, #tpu.memory_space<vmem>>) dst(%dma_wait3A_125 : memref<80x128xf32, #tpu.memory_space<hbm>>)
    return
  }
}

#map = affine_map<(d0, d1) -> (0, 0)>
#map1 = affine_map<(d0, d1) -> (0, 0, 0, 0)>
#map2 = affine_map<(d0, d1) -> (0, 0, 0)>
module attributes {stable_mosaic.version = 14 : i64} {
  func.func @seg_kernel(%arg0: i32, %arg1: i32, %arg2: memref<10000x128xf32, #tpu.memory_space<hbm>>, %arg3: memref<10000x128xf32, #tpu.memory_space<hbm>>, %arg4: memref<320000x128xf32, #tpu.memory_space<hbm>>, %arg5: memref<32x250x2x40xi32, #tpu.memory_space<hbm>>, %arg6: memref<632x128xf32, #tpu.memory_space<hbm>>, %arg7: memref<2x10112x128xf32, #tpu.memory_space<hbm>>, %arg8: memref<2x40xi32, #tpu.memory_space<vmem>>, %arg9: memref<2x40xi32, #tpu.memory_space<vmem>>, %arg10: memref<40x128xf32, #tpu.memory_space<vmem>>, %arg11: memref<40x128xf32, #tpu.memory_space<vmem>>, %arg12: memref<40x128xf32, #tpu.memory_space<vmem>>, %arg13: memref<40x128xf32, #tpu.memory_space<vmem>>, %arg14: memref<40x128xf32, #tpu.memory_space<vmem>>, %arg15: memref<40x128xf32, #tpu.memory_space<vmem>>, %arg16: memref<10112x128xf32, #tpu.memory_space<vmem_shared>>, %arg17: memref<!tpu.dma_semaphore, #tpu.memory_space<semaphore_mem>>, %arg18: memref<!tpu.dma_semaphore, #tpu.memory_space<semaphore_mem>>) attributes {dimension_semantics = [#tpu.dimension_semantics<core_parallel>, #tpu.dimension_semantics<subcore_parallel>], iteration_bounds = array<i64: 2, 16>, scalar_prefetch = 0 : i64, scratch_operands = 11 : i64, tpu.core_type = #tpu.core_type<sc_vector_subcore>, window_params = [{transform_indices = #map}, {transform_indices = #map}, {transform_indices = #map}, {transform_indices = #map1}, {transform_indices = #map}, {transform_indices = #map2}]} {
    %mul3A = arith.constant 16 : i32
    %mul3A_0 = arith.muli %arg0, %mul3A : i32
    %add3A = arith.addi %mul3A_0, %arg1 : i32
    %mul3A_1 = arith.constant 10000 : i32
    %mul3A_2 = arith.muli %add3A, %mul3A_1 : i32
    %mul3A_3 = arith.constant 632 : i32
    %mul3A_4 = arith.muli %arg1, %mul3A_3 : i32
    "tpu.region"() ({
      %run_scoped3A_97 = tpu.sem_alloc : memref<!tpu.dma_semaphore, #tpu.memory_space<semaphore_mem>>
      %dma_start3A_98 = arith.constant 0 : i32
      %dma_start3A_99 = tpu.memref_slice %arg16[%mul3A_4, %dma_start3A_98] : memref<10112x128xf32, #tpu.memory_space<vmem_shared>> -> memref<632x128xf32, #tpu.memory_space<vmem_shared>>
      tpu.enqueue_dma source(%arg6 : memref<632x128xf32, #tpu.memory_space<hbm>>) target(%dma_start3A_99 : memref<632x128xf32, #tpu.memory_space<vmem_shared>>) target_semaphore(%run_scoped3A_97 : memref<!tpu.dma_semaphore, #tpu.memory_space<semaphore_mem>>)
      %dma_wait3A_100 = arith.constant 0 : i32
      %dma_wait3A_101 = tpu.memref_slice %arg16[%mul3A_4, %dma_wait3A_100] : memref<10112x128xf32, #tpu.memory_space<vmem_shared>> -> memref<632x128xf32, #tpu.memory_space<vmem_shared>>
      tpu.wait_dma2 semaphore(%run_scoped3A_97 : memref<!tpu.dma_semaphore, #tpu.memory_space<semaphore_mem>>) src(%arg6 : memref<632x128xf32, #tpu.memory_space<hbm>>) dst(%dma_wait3A_101 : memref<632x128xf32, #tpu.memory_space<vmem_shared>>)
      tpu.yield
    }) : () -> ()
    %run_scoped3A = arith.constant 0 : i32
    "tpu.region"() ({
      %run_scoped3A_97 = tpu.sem_alloc : memref<!tpu.dma_semaphore, #tpu.memory_space<semaphore_mem>>
      %dma_start3A_98 = arith.constant 0 : i32
      %dma_start3A_99 = arith.constant 0 : i32
      %dma_start3A_100 = tpu.memref_slice %arg5[%add3A, %run_scoped3A, %dma_start3A_98, %dma_start3A_99] : memref<32x250x2x40xi32, #tpu.memory_space<hbm>> -> memref<1x1x2x40xi32, #tpu.memory_space<hbm>>
      %dma_start3A_101 = tpu.memref_squeeze %dma_start3A_100 : memref<1x1x2x40xi32, #tpu.memory_space<hbm>> -> memref<2x40xi32, #tpu.memory_space<hbm>>
      %dma_start3A_102 = arith.constant 0 : i32
      %dma_start3A_103 = arith.constant 0 : i32
      %dma_start3A_104 = tpu.memref_slice %arg5[%add3A, %run_scoped3A, %dma_start3A_102, %dma_start3A_103] : memref<32x250x2x40xi32, #tpu.memory_space<hbm>> -> memref<1x1x2x40xi32, #tpu.memory_space<hbm>>
      %dma_start3A_105 = tpu.memref_squeeze %dma_start3A_104 : memref<1x1x2x40xi32, #tpu.memory_space<hbm>> -> memref<2x40xi32, #tpu.memory_space<hbm>>
      tpu.enqueue_dma source(%dma_start3A_105 : memref<2x40xi32, #tpu.memory_space<hbm>>) target(%arg8 : memref<2x40xi32, #tpu.memory_space<vmem>>) target_semaphore(%run_scoped3A_97 : memref<!tpu.dma_semaphore, #tpu.memory_space<semaphore_mem>>)
      %dma_wait3A_106 = arith.constant 0 : i32
      %dma_wait3A_107 = arith.constant 0 : i32
      %dma_wait3A_108 = tpu.memref_slice %arg5[%add3A, %run_scoped3A, %dma_wait3A_106, %dma_wait3A_107] : memref<32x250x2x40xi32, #tpu.memory_space<hbm>> -> memref<1x1x2x40xi32, #tpu.memory_space<hbm>>
      %dma_wait3A_109 = tpu.memref_squeeze %dma_wait3A_108 : memref<1x1x2x40xi32, #tpu.memory_space<hbm>> -> memref<2x40xi32, #tpu.memory_space<hbm>>
      %dma_wait3A_110 = arith.constant 0 : i32
      %dma_wait3A_111 = arith.constant 0 : i32
      %dma_wait3A_112 = tpu.memref_slice %arg5[%add3A, %run_scoped3A, %dma_wait3A_110, %dma_wait3A_111] : memref<32x250x2x40xi32, #tpu.memory_space<hbm>> -> memref<1x1x2x40xi32, #tpu.memory_space<hbm>>
      %dma_wait3A_113 = tpu.memref_squeeze %dma_wait3A_112 : memref<1x1x2x40xi32, #tpu.memory_space<hbm>> -> memref<2x40xi32, #tpu.memory_space<hbm>>
      tpu.wait_dma2 semaphore(%run_scoped3A_97 : memref<!tpu.dma_semaphore, #tpu.memory_space<semaphore_mem>>) src(%dma_wait3A_113 : memref<2x40xi32, #tpu.memory_space<hbm>>) dst(%arg8 : memref<2x40xi32, #tpu.memory_space<vmem>>)
      tpu.yield
    }) : () -> ()
    %dma_start3A = arith.constant 0 : i32
    %dma_start3A_5 = arith.constant 0 : i32
    %dma_start3A_6 = tpu.memref_slice %arg8[%dma_start3A, %dma_start3A_5] : memref<2x40xi32, #tpu.memory_space<vmem>> -> memref<1x40xi32, #tpu.memory_space<vmem>>
    %dma_start3A_7 = tpu.memref_squeeze %dma_start3A_6 : memref<1x40xi32, #tpu.memory_space<vmem>> -> memref<40xi32, #tpu.memory_space<vmem>>
    %dma_start3A_8 = arith.constant 0 : i32
    %dma_start3A_9 = arith.constant 0 : i32
    %dma_start3A_10 = tpu.memref_slice %arg2[%dma_start3A_8, %dma_start3A_9] : memref<10000x128xf32, #tpu.memory_space<hbm>> -> memref<10000x128xf32, #tpu.memory_space<hbm>>
    tpu.enqueue_indirect_dma source(%dma_start3A_10 : memref<10000x128xf32, #tpu.memory_space<hbm>>) target(%arg10 : memref<40x128xf32, #tpu.memory_space<vmem>>) offsets(%dma_start3A_7 : memref<40xi32, #tpu.memory_space<vmem>>) semaphore(%arg17 : memref<!tpu.dma_semaphore, #tpu.memory_space<semaphore_mem>>)
    %dma_start3A_11 = arith.constant 1 : i32
    %dma_start3A_12 = arith.constant 0 : i32
    %dma_start3A_13 = tpu.memref_slice %arg8[%dma_start3A_11, %dma_start3A_12] : memref<2x40xi32, #tpu.memory_space<vmem>> -> memref<1x40xi32, #tpu.memory_space<vmem>>
    %dma_start3A_14 = tpu.memref_squeeze %dma_start3A_13 : memref<1x40xi32, #tpu.memory_space<vmem>> -> memref<40xi32, #tpu.memory_space<vmem>>
    %dma_start3A_15 = arith.constant 0 : i32
    %dma_start3A_16 = arith.constant 0 : i32
    %dma_start3A_17 = tpu.memref_slice %arg3[%dma_start3A_15, %dma_start3A_16] : memref<10000x128xf32, #tpu.memory_space<hbm>> -> memref<10000x128xf32, #tpu.memory_space<hbm>>
    tpu.enqueue_indirect_dma source(%dma_start3A_17 : memref<10000x128xf32, #tpu.memory_space<hbm>>) target(%arg12 : memref<40x128xf32, #tpu.memory_space<vmem>>) offsets(%dma_start3A_14 : memref<40xi32, #tpu.memory_space<vmem>>) semaphore(%arg17 : memref<!tpu.dma_semaphore, #tpu.memory_space<semaphore_mem>>)
    %add3A_18 = arith.constant 0 : i32
    %add3A_19 = arith.addi %mul3A_2, %add3A_18 : i32
    %dma_start3A_20 = arith.constant 0 : i32
    %dma_start3A_21 = tpu.memref_slice %arg4[%add3A_19, %dma_start3A_20] : memref<320000x128xf32, #tpu.memory_space<hbm>> -> memref<40x128xf32, #tpu.memory_space<hbm>>
    %dma_start3A_22 = arith.constant 0 : i32
    %dma_start3A_23 = tpu.memref_slice %arg4[%add3A_19, %dma_start3A_22] : memref<320000x128xf32, #tpu.memory_space<hbm>> -> memref<40x128xf32, #tpu.memory_space<hbm>>
    tpu.enqueue_dma source(%dma_start3A_23 : memref<40x128xf32, #tpu.memory_space<hbm>>) target(%arg14 : memref<40x128xf32, #tpu.memory_space<vmem>>) target_semaphore(%arg17 : memref<!tpu.dma_semaphore, #tpu.memory_space<semaphore_mem>>)
    %barrier3A = arith.constant 0 : index
    tpu.barrier barrier_id(%barrier3A)
    %scan3A = arith.constant 0 : i32
    %scan3A_24 = arith.constant 0 : i32
    %scan3A_25 = arith.constant 124 : i32
    %scan3A_26 = arith.addi %scan3A_24, %scan3A_25 : i32
    %scan3A_27 = arith.constant 1 : i32
    scf.for %scan3A_97 = %scan3A_24 to %scan3A_26 step %scan3A_27  : i32 {
      %mul3A_98 = arith.constant 2 : i32
      %mul3A_99 = arith.muli %mul3A_98, %scan3A_97 : i32
      %add3A_100 = arith.constant 1 : i32
      %add3A_101 = arith.addi %mul3A_99, %add3A_100 : i32
      "tpu.region"() ({
        %run_scoped3A_194 = tpu.sem_alloc : memref<!tpu.dma_semaphore, #tpu.memory_space<semaphore_mem>>
        %dma_start3A_195 = arith.constant 0 : i32
        %dma_start3A_196 = arith.constant 0 : i32
        %dma_start3A_197 = tpu.memref_slice %arg5[%add3A, %add3A_101, %dma_start3A_195, %dma_start3A_196] : memref<32x250x2x40xi32, #tpu.memory_space<hbm>> -> memref<1x1x2x40xi32, #tpu.memory_space<hbm>>
        %dma_start3A_198 = tpu.memref_squeeze %dma_start3A_197 : memref<1x1x2x40xi32, #tpu.memory_space<hbm>> -> memref<2x40xi32, #tpu.memory_space<hbm>>
        %dma_start3A_199 = arith.constant 0 : i32
        %dma_start3A_200 = arith.constant 0 : i32
        %dma_start3A_201 = tpu.memref_slice %arg5[%add3A, %add3A_101, %dma_start3A_199, %dma_start3A_200] : memref<32x250x2x40xi32, #tpu.memory_space<hbm>> -> memref<1x1x2x40xi32, #tpu.memory_space<hbm>>
        %dma_start3A_202 = tpu.memref_squeeze %dma_start3A_201 : memref<1x1x2x40xi32, #tpu.memory_space<hbm>> -> memref<2x40xi32, #tpu.memory_space<hbm>>
        tpu.enqueue_dma source(%dma_start3A_202 : memref<2x40xi32, #tpu.memory_space<hbm>>) target(%arg9 : memref<2x40xi32, #tpu.memory_space<vmem>>) target_semaphore(%run_scoped3A_194 : memref<!tpu.dma_semaphore, #tpu.memory_space<semaphore_mem>>)
        %dma_wait3A_203 = arith.constant 0 : i32
        %dma_wait3A_204 = arith.constant 0 : i32
        %dma_wait3A_205 = tpu.memref_slice %arg5[%add3A, %add3A_101, %dma_wait3A_203, %dma_wait3A_204] : memref<32x250x2x40xi32, #tpu.memory_space<hbm>> -> memref<1x1x2x40xi32, #tpu.memory_space<hbm>>
        %dma_wait3A_206 = tpu.memref_squeeze %dma_wait3A_205 : memref<1x1x2x40xi32, #tpu.memory_space<hbm>> -> memref<2x40xi32, #tpu.memory_space<hbm>>
        %dma_wait3A_207 = arith.constant 0 : i32
        %dma_wait3A_208 = arith.constant 0 : i32
        %dma_wait3A_209 = tpu.memref_slice %arg5[%add3A, %add3A_101, %dma_wait3A_207, %dma_wait3A_208] : memref<32x250x2x40xi32, #tpu.memory_space<hbm>> -> memref<1x1x2x40xi32, #tpu.memory_space<hbm>>
        %dma_wait3A_210 = tpu.memref_squeeze %dma_wait3A_209 : memref<1x1x2x40xi32, #tpu.memory_space<hbm>> -> memref<2x40xi32, #tpu.memory_space<hbm>>
        tpu.wait_dma2 semaphore(%run_scoped3A_194 : memref<!tpu.dma_semaphore, #tpu.memory_space<semaphore_mem>>) src(%dma_wait3A_210 : memref<2x40xi32, #tpu.memory_space<hbm>>) dst(%arg9 : memref<2x40xi32, #tpu.memory_space<vmem>>)
        tpu.yield
      }) : () -> ()
      %add3A_102 = arith.constant 1 : i32
      %add3A_103 = arith.addi %mul3A_99, %add3A_102 : i32
      %dma_start3A_104 = arith.constant 0 : i32
      %dma_start3A_105 = arith.constant 0 : i32
      %dma_start3A_106 = tpu.memref_slice %arg9[%dma_start3A_104, %dma_start3A_105] : memref<2x40xi32, #tpu.memory_space<vmem>> -> memref<1x40xi32, #tpu.memory_space<vmem>>
      %dma_start3A_107 = tpu.memref_squeeze %dma_start3A_106 : memref<1x40xi32, #tpu.memory_space<vmem>> -> memref<40xi32, #tpu.memory_space<vmem>>
      %dma_start3A_108 = arith.constant 0 : i32
      %dma_start3A_109 = arith.constant 0 : i32
      %dma_start3A_110 = tpu.memref_slice %arg2[%dma_start3A_108, %dma_start3A_109] : memref<10000x128xf32, #tpu.memory_space<hbm>> -> memref<10000x128xf32, #tpu.memory_space<hbm>>
      tpu.enqueue_indirect_dma source(%dma_start3A_110 : memref<10000x128xf32, #tpu.memory_space<hbm>>) target(%arg11 : memref<40x128xf32, #tpu.memory_space<vmem>>) offsets(%dma_start3A_107 : memref<40xi32, #tpu.memory_space<vmem>>) semaphore(%arg18 : memref<!tpu.dma_semaphore, #tpu.memory_space<semaphore_mem>>)
      %dma_start3A_111 = arith.constant 1 : i32
      %dma_start3A_112 = arith.constant 0 : i32
      %dma_start3A_113 = tpu.memref_slice %arg9[%dma_start3A_111, %dma_start3A_112] : memref<2x40xi32, #tpu.memory_space<vmem>> -> memref<1x40xi32, #tpu.memory_space<vmem>>
      %dma_start3A_114 = tpu.memref_squeeze %dma_start3A_113 : memref<1x40xi32, #tpu.memory_space<vmem>> -> memref<40xi32, #tpu.memory_space<vmem>>
      %dma_start3A_115 = arith.constant 0 : i32
      %dma_start3A_116 = arith.constant 0 : i32
      %dma_start3A_117 = tpu.memref_slice %arg3[%dma_start3A_115, %dma_start3A_116] : memref<10000x128xf32, #tpu.memory_space<hbm>> -> memref<10000x128xf32, #tpu.memory_space<hbm>>
      tpu.enqueue_indirect_dma source(%dma_start3A_117 : memref<10000x128xf32, #tpu.memory_space<hbm>>) target(%arg13 : memref<40x128xf32, #tpu.memory_space<vmem>>) offsets(%dma_start3A_114 : memref<40xi32, #tpu.memory_space<vmem>>) semaphore(%arg18 : memref<!tpu.dma_semaphore, #tpu.memory_space<semaphore_mem>>)
      %mul3A_118 = arith.constant 40 : i32
      %mul3A_119 = arith.muli %add3A_103, %mul3A_118 : i32
      %add3A_120 = arith.addi %mul3A_2, %mul3A_119 : i32
      %dma_start3A_121 = arith.constant 0 : i32
      %dma_start3A_122 = tpu.memref_slice %arg4[%add3A_120, %dma_start3A_121] : memref<320000x128xf32, #tpu.memory_space<hbm>> -> memref<40x128xf32, #tpu.memory_space<hbm>>
      %dma_start3A_123 = arith.constant 0 : i32
      %dma_start3A_124 = tpu.memref_slice %arg4[%add3A_120, %dma_start3A_123] : memref<320000x128xf32, #tpu.memory_space<hbm>> -> memref<40x128xf32, #tpu.memory_space<hbm>>
      tpu.enqueue_dma source(%dma_start3A_124 : memref<40x128xf32, #tpu.memory_space<hbm>>) target(%arg15 : memref<40x128xf32, #tpu.memory_space<vmem>>) target_semaphore(%arg18 : memref<!tpu.dma_semaphore, #tpu.memory_space<semaphore_mem>>)
      %dma_wait3A_125 = arith.constant 0 : i32
      %dma_wait3A_126 = arith.constant 0 : i32
      %dma_wait3A_127 = tpu.memref_slice %arg8[%dma_wait3A_125, %dma_wait3A_126] : memref<2x40xi32, #tpu.memory_space<vmem>> -> memref<1x40xi32, #tpu.memory_space<vmem>>
      %dma_wait3A_128 = tpu.memref_squeeze %dma_wait3A_127 : memref<1x40xi32, #tpu.memory_space<vmem>> -> memref<40xi32, #tpu.memory_space<vmem>>
      %dma_wait3A_129 = arith.constant 0 : i32
      %dma_wait3A_130 = arith.constant 0 : i32
      %dma_wait3A_131 = tpu.memref_slice %arg2[%dma_wait3A_129, %dma_wait3A_130] : memref<10000x128xf32, #tpu.memory_space<hbm>> -> memref<10000x128xf32, #tpu.memory_space<hbm>>
      tpu.wait_indirect_dma semaphore(%arg17 : memref<!tpu.dma_semaphore, #tpu.memory_space<semaphore_mem>>) src(%dma_wait3A_131 : memref<10000x128xf32, #tpu.memory_space<hbm>>) dst(%arg10 : memref<40x128xf32, #tpu.memory_space<vmem>>)
      %dma_wait3A_132 = arith.constant 1 : i32
      %dma_wait3A_133 = arith.constant 0 : i32
      %dma_wait3A_134 = tpu.memref_slice %arg8[%dma_wait3A_132, %dma_wait3A_133] : memref<2x40xi32, #tpu.memory_space<vmem>> -> memref<1x40xi32, #tpu.memory_space<vmem>>
      %dma_wait3A_135 = tpu.memref_squeeze %dma_wait3A_134 : memref<1x40xi32, #tpu.memory_space<vmem>> -> memref<40xi32, #tpu.memory_space<vmem>>
      %dma_wait3A_136 = arith.constant 0 : i32
      %dma_wait3A_137 = arith.constant 0 : i32
      %dma_wait3A_138 = tpu.memref_slice %arg3[%dma_wait3A_136, %dma_wait3A_137] : memref<10000x128xf32, #tpu.memory_space<hbm>> -> memref<10000x128xf32, #tpu.memory_space<hbm>>
      tpu.wait_indirect_dma semaphore(%arg17 : memref<!tpu.dma_semaphore, #tpu.memory_space<semaphore_mem>>) src(%dma_wait3A_138 : memref<10000x128xf32, #tpu.memory_space<hbm>>) dst(%arg12 : memref<40x128xf32, #tpu.memory_space<vmem>>)
      %dma_wait3A_139 = arith.constant 0 : i32
      %dma_wait3A_140 = tpu.memref_slice %arg4[%mul3A_2, %dma_wait3A_139] : memref<320000x128xf32, #tpu.memory_space<hbm>> -> memref<40x128xf32, #tpu.memory_space<hbm>>
      %dma_wait3A_141 = arith.constant 0 : i32
      %dma_wait3A_142 = tpu.memref_slice %arg4[%mul3A_2, %dma_wait3A_141] : memref<320000x128xf32, #tpu.memory_space<hbm>> -> memref<40x128xf32, #tpu.memory_space<hbm>>
      tpu.wait_dma2 semaphore(%arg17 : memref<!tpu.dma_semaphore, #tpu.memory_space<semaphore_mem>>) src(%dma_wait3A_142 : memref<40x128xf32, #tpu.memory_space<hbm>>) dst(%arg14 : memref<40x128xf32, #tpu.memory_space<vmem>>)
      %parallel_loop3A_143 = arith.constant 0 : i32
      %parallel_loop3A_144 = arith.constant 40 : i32
      %parallel_loop3A_145 = arith.constant 1 : i32
      scf.for %parallel_loop3A_194 = %parallel_loop3A_143 to %parallel_loop3A_144 step %parallel_loop3A_145  : i32 {
        %parallel_loop3A_195 = arith.index_cast %parallel_loop3A_194 : i32 to index
        %parallel_loop3A_196 = arith.constant 0 : index
        %parallel_loop3A_197 = tpu.vector_load %arg10[%parallel_loop3A_195, %parallel_loop3A_196] {strides = array<i32>} : memref<40x128xf32, #tpu.memory_space<vmem>>, vector<1x16xf32>,
        %parallel_loop3A_198 = vector.shape_cast %parallel_loop3A_197 : vector<1x16xf32> to vector<16xf32>
        %parallel_loop3A_199 = arith.index_cast %parallel_loop3A_194 : i32 to index
        %parallel_loop3A_200 = arith.constant 0 : index
        %parallel_loop3A_201 = tpu.vector_load %arg12[%parallel_loop3A_199, %parallel_loop3A_200] {strides = array<i32>} : memref<40x128xf32, #tpu.memory_space<vmem>>, vector<1x16xf32>,
        %parallel_loop3A_202 = vector.shape_cast %parallel_loop3A_201 : vector<1x16xf32> to vector<16xf32>
        %parallel_loop3A_203 = arith.addf %parallel_loop3A_198, %parallel_loop3A_202 : vector<16xf32>
        %parallel_loop3A_204 = arith.index_cast %parallel_loop3A_194 : i32 to index
        %parallel_loop3A_205 = arith.constant 0 : index
        %parallel_loop3A_206 = tpu.vector_load %arg14[%parallel_loop3A_204, %parallel_loop3A_205] {strides = array<i32>} : memref<40x128xf32, #tpu.memory_space<vmem>>, vector<1x16xf32>,
        %parallel_loop3A_207 = vector.shape_cast %parallel_loop3A_206 : vector<1x16xf32> to vector<16xf32>
        %parallel_loop3A_208 = arith.addf %parallel_loop3A_203, %parallel_loop3A_207 : vector<16xf32>
        %parallel_loop3A_209 = arith.constant 0.000000e+00 : f32
        %parallel_loop3A_210 = vector.broadcast %parallel_loop3A_209 : f32 to vector<16xf32>
        %parallel_loop3A_211 = arith.maximumf %parallel_loop3A_208, %parallel_loop3A_210 : vector<16xf32>
        %parallel_loop3A_212 = arith.index_cast %parallel_loop3A_194 : i32 to index
        %parallel_loop3A_213 = arith.constant 0 : index
        %parallel_loop3A_214 = tpu.vector_load %arg14[%parallel_loop3A_212, %parallel_loop3A_213] {strides = array<i32>} : memref<40x128xf32, #tpu.memory_space<vmem>>, vector<1x16xf32>,
        %parallel_loop3A_215 = vector.shape_cast %parallel_loop3A_214 : vector<1x16xf32> to vector<16xf32>
        %parallel_loop3A_216 = vector.shape_cast %parallel_loop3A_211 : vector<16xf32> to vector<1x16xf32>
        tpu.vector_store %arg14[%parallel_loop3A_212, %parallel_loop3A_213], %parallel_loop3A_216 {strides = array<i32>} : memref<40x128xf32, #tpu.memory_space<vmem>>, vector<1x16xf32>,
        %parallel_loop3A_217 = arith.index_cast %parallel_loop3A_194 : i32 to index
        %parallel_loop3A_218 = arith.constant 16 : index
        %parallel_loop3A_219 = tpu.vector_load %arg10[%parallel_loop3A_217, %parallel_loop3A_218] {strides = array<i32>} : memref<40x128xf32, #tpu.memory_space<vmem>>, vector<1x16xf32>,
        %parallel_loop3A_220 = vector.shape_cast %parallel_loop3A_219 : vector<1x16xf32> to vector<16xf32>
        %parallel_loop3A_221 = arith.index_cast %parallel_loop3A_194 : i32 to index
        %parallel_loop3A_222 = arith.constant 16 : index
        %parallel_loop3A_223 = tpu.vector_load %arg12[%parallel_loop3A_221, %parallel_loop3A_222] {strides = array<i32>} : memref<40x128xf32, #tpu.memory_space<vmem>>, vector<1x16xf32>,
        %parallel_loop3A_224 = vector.shape_cast %parallel_loop3A_223 : vector<1x16xf32> to vector<16xf32>
        %parallel_loop3A_225 = arith.addf %parallel_loop3A_220, %parallel_loop3A_224 : vector<16xf32>
        %parallel_loop3A_226 = arith.index_cast %parallel_loop3A_194 : i32 to index
        %parallel_loop3A_227 = arith.constant 16 : index
        %parallel_loop3A_228 = tpu.vector_load %arg14[%parallel_loop3A_226, %parallel_loop3A_227] {strides = array<i32>} : memref<40x128xf32, #tpu.memory_space<vmem>>, vector<1x16xf32>,
        %parallel_loop3A_229 = vector.shape_cast %parallel_loop3A_228 : vector<1x16xf32> to vector<16xf32>
        %parallel_loop3A_230 = arith.addf %parallel_loop3A_225, %parallel_loop3A_229 : vector<16xf32>
        %parallel_loop3A_231 = arith.constant 0.000000e+00 : f32
        %parallel_loop3A_232 = vector.broadcast %parallel_loop3A_231 : f32 to vector<16xf32>
        %parallel_loop3A_233 = arith.maximumf %parallel_loop3A_230, %parallel_loop3A_232 : vector<16xf32>
        %parallel_loop3A_234 = arith.index_cast %parallel_loop3A_194 : i32 to index
        %parallel_loop3A_235 = arith.constant 16 : index
        %parallel_loop3A_236 = tpu.vector_load %arg14[%parallel_loop3A_234, %parallel_loop3A_235] {strides = array<i32>} : memref<40x128xf32, #tpu.memory_space<vmem>>, vector<1x16xf32>,
        %parallel_loop3A_237 = vector.shape_cast %parallel_loop3A_236 : vector<1x16xf32> to vector<16xf32>
        %parallel_loop3A_238 = vector.shape_cast %parallel_loop3A_233 : vector<16xf32> to vector<1x16xf32>
        tpu.vector_store %arg14[%parallel_loop3A_234, %parallel_loop3A_235], %parallel_loop3A_238 {strides = array<i32>} : memref<40x128xf32, #tpu.memory_space<vmem>>, vector<1x16xf32>,
        %parallel_loop3A_239 = arith.index_cast %parallel_loop3A_194 : i32 to index
        %parallel_loop3A_240 = arith.constant 32 : index
        %parallel_loop3A_241 = tpu.vector_load %arg10[%parallel_loop3A_239, %parallel_loop3A_240] {strides = array<i32>} : memref<40x128xf32, #tpu.memory_space<vmem>>, vector<1x16xf32>,
        %parallel_loop3A_242 = vector.shape_cast %parallel_loop3A_241 : vector<1x16xf32> to vector<16xf32>
        %parallel_loop3A_243 = arith.index_cast %parallel_loop3A_194 : i32 to index
        %parallel_loop3A_244 = arith.constant 32 : index
        %parallel_loop3A_245 = tpu.vector_load %arg12[%parallel_loop3A_243, %parallel_loop3A_244] {strides = array<i32>} : memref<40x128xf32, #tpu.memory_space<vmem>>, vector<1x16xf32>,
        %parallel_loop3A_246 = vector.shape_cast %parallel_loop3A_245 : vector<1x16xf32> to vector<16xf32>
        %parallel_loop3A_247 = arith.addf %parallel_loop3A_242, %parallel_loop3A_246 : vector<16xf32>
        %parallel_loop3A_248 = arith.index_cast %parallel_loop3A_194 : i32 to index
        %parallel_loop3A_249 = arith.constant 32 : index
        %parallel_loop3A_250 = tpu.vector_load %arg14[%parallel_loop3A_248, %parallel_loop3A_249] {strides = array<i32>} : memref<40x128xf32, #tpu.memory_space<vmem>>, vector<1x16xf32>,
        %parallel_loop3A_251 = vector.shape_cast %parallel_loop3A_250 : vector<1x16xf32> to vector<16xf32>
        %parallel_loop3A_252 = arith.addf %parallel_loop3A_247, %parallel_loop3A_251 : vector<16xf32>
        %parallel_loop3A_253 = arith.constant 0.000000e+00 : f32
        %parallel_loop3A_254 = vector.broadcast %parallel_loop3A_253 : f32 to vector<16xf32>
        %parallel_loop3A_255 = arith.maximumf %parallel_loop3A_252, %parallel_loop3A_254 : vector<16xf32>
        %parallel_loop3A_256 = arith.index_cast %parallel_loop3A_194 : i32 to index
        %parallel_loop3A_257 = arith.constant 32 : index
        %parallel_loop3A_258 = tpu.vector_load %arg14[%parallel_loop3A_256, %parallel_loop3A_257] {strides = array<i32>} : memref<40x128xf32, #tpu.memory_space<vmem>>, vector<1x16xf32>,
        %parallel_loop3A_259 = vector.shape_cast %parallel_loop3A_258 : vector<1x16xf32> to vector<16xf32>
        %parallel_loop3A_260 = vector.shape_cast %parallel_loop3A_255 : vector<16xf32> to vector<1x16xf32>
        tpu.vector_store %arg14[%parallel_loop3A_256, %parallel_loop3A_257], %parallel_loop3A_260 {strides = array<i32>} : memref<40x128xf32, #tpu.memory_space<vmem>>, vector<1x16xf32>,
        %parallel_loop3A_261 = arith.index_cast %parallel_loop3A_194 : i32 to index
        %parallel_loop3A_262 = arith.constant 48 : index
        %parallel_loop3A_263 = tpu.vector_load %arg10[%parallel_loop3A_261, %parallel_loop3A_262] {strides = array<i32>} : memref<40x128xf32, #tpu.memory_space<vmem>>, vector<1x16xf32>,
        %parallel_loop3A_264 = vector.shape_cast %parallel_loop3A_263 : vector<1x16xf32> to vector<16xf32>
        %parallel_loop3A_265 = arith.index_cast %parallel_loop3A_194 : i32 to index
        %parallel_loop3A_266 = arith.constant 48 : index
        %parallel_loop3A_267 = tpu.vector_load %arg12[%parallel_loop3A_265, %parallel_loop3A_266] {strides = array<i32>} : memref<40x128xf32, #tpu.memory_space<vmem>>, vector<1x16xf32>,
        %parallel_loop3A_268 = vector.shape_cast %parallel_loop3A_267 : vector<1x16xf32> to vector<16xf32>
        %parallel_loop3A_269 = arith.addf %parallel_loop3A_264, %parallel_loop3A_268 : vector<16xf32>
        %parallel_loop3A_270 = arith.index_cast %parallel_loop3A_194 : i32 to index
        %parallel_loop3A_271 = arith.constant 48 : index
        %parallel_loop3A_272 = tpu.vector_load %arg14[%parallel_loop3A_270, %parallel_loop3A_271] {strides = array<i32>} : memref<40x128xf32, #tpu.memory_space<vmem>>, vector<1x16xf32>,
        %parallel_loop3A_273 = vector.shape_cast %parallel_loop3A_272 : vector<1x16xf32> to vector<16xf32>
        %parallel_loop3A_274 = arith.addf %parallel_loop3A_269, %parallel_loop3A_273 : vector<16xf32>
        %parallel_loop3A_275 = arith.constant 0.000000e+00 : f32
        %parallel_loop3A_276 = vector.broadcast %parallel_loop3A_275 : f32 to vector<16xf32>
        %parallel_loop3A_277 = arith.maximumf %parallel_loop3A_274, %parallel_loop3A_276 : vector<16xf32>
        %parallel_loop3A_278 = arith.index_cast %parallel_loop3A_194 : i32 to index
        %parallel_loop3A_279 = arith.constant 48 : index
        %parallel_loop3A_280 = tpu.vector_load %arg14[%parallel_loop3A_278, %parallel_loop3A_279] {strides = array<i32>} : memref<40x128xf32, #tpu.memory_space<vmem>>, vector<1x16xf32>,
        %parallel_loop3A_281 = vector.shape_cast %parallel_loop3A_280 : vector<1x16xf32> to vector<16xf32>
        %parallel_loop3A_282 = vector.shape_cast %parallel_loop3A_277 : vector<16xf32> to vector<1x16xf32>
        tpu.vector_store %arg14[%parallel_loop3A_278, %parallel_loop3A_279], %parallel_loop3A_282 {strides = array<i32>} : memref<40x128xf32, #tpu.memory_space<vmem>>, vector<1x16xf32>,
        %parallel_loop3A_283 = arith.index_cast %parallel_loop3A_194 : i32 to index
        %parallel_loop3A_284 = arith.constant 64 : index
        %parallel_loop3A_285 = tpu.vector_load %arg10[%parallel_loop3A_283, %parallel_loop3A_284] {strides = array<i32>} : memref<40x128xf32, #tpu.memory_space<vmem>>, vector<1x16xf32>,
        %parallel_loop3A_286 = vector.shape_cast %parallel_loop3A_285 : vector<1x16xf32> to vector<16xf32>
        %parallel_loop3A_287 = arith.index_cast %parallel_loop3A_194 : i32 to index
        %parallel_loop3A_288 = arith.constant 64 : index
        %parallel_loop3A_289 = tpu.vector_load %arg12[%parallel_loop3A_287, %parallel_loop3A_288] {strides = array<i32>} : memref<40x128xf32, #tpu.memory_space<vmem>>, vector<1x16xf32>,
        %parallel_loop3A_290 = vector.shape_cast %parallel_loop3A_289 : vector<1x16xf32> to vector<16xf32>
        %parallel_loop3A_291 = arith.addf %parallel_loop3A_286, %parallel_loop3A_290 : vector<16xf32>
        %parallel_loop3A_292 = arith.index_cast %parallel_loop3A_194 : i32 to index
        %parallel_loop3A_293 = arith.constant 64 : index
        %parallel_loop3A_294 = tpu.vector_load %arg14[%parallel_loop3A_292, %parallel_loop3A_293] {strides = array<i32>} : memref<40x128xf32, #tpu.memory_space<vmem>>, vector<1x16xf32>,
        %parallel_loop3A_295 = vector.shape_cast %parallel_loop3A_294 : vector<1x16xf32> to vector<16xf32>
        %parallel_loop3A_296 = arith.addf %parallel_loop3A_291, %parallel_loop3A_295 : vector<16xf32>
        %parallel_loop3A_297 = arith.constant 0.000000e+00 : f32
        %parallel_loop3A_298 = vector.broadcast %parallel_loop3A_297 : f32 to vector<16xf32>
        %parallel_loop3A_299 = arith.maximumf %parallel_loop3A_296, %parallel_loop3A_298 : vector<16xf32>
        %parallel_loop3A_300 = arith.index_cast %parallel_loop3A_194 : i32 to index
        %parallel_loop3A_301 = arith.constant 64 : index
        %parallel_loop3A_302 = tpu.vector_load %arg14[%parallel_loop3A_300, %parallel_loop3A_301] {strides = array<i32>} : memref<40x128xf32, #tpu.memory_space<vmem>>, vector<1x16xf32>,
        %parallel_loop3A_303 = vector.shape_cast %parallel_loop3A_302 : vector<1x16xf32> to vector<16xf32>
        %parallel_loop3A_304 = vector.shape_cast %parallel_loop3A_299 : vector<16xf32> to vector<1x16xf32>
        tpu.vector_store %arg14[%parallel_loop3A_300, %parallel_loop3A_301], %parallel_loop3A_304 {strides = array<i32>} : memref<40x128xf32, #tpu.memory_space<vmem>>, vector<1x16xf32>,
        %parallel_loop3A_305 = arith.index_cast %parallel_loop3A_194 : i32 to index
        %parallel_loop3A_306 = arith.constant 80 : index
        %parallel_loop3A_307 = tpu.vector_load %arg10[%parallel_loop3A_305, %parallel_loop3A_306] {strides = array<i32>} : memref<40x128xf32, #tpu.memory_space<vmem>>, vector<1x16xf32>,
        %parallel_loop3A_308 = vector.shape_cast %parallel_loop3A_307 : vector<1x16xf32> to vector<16xf32>
        %parallel_loop3A_309 = arith.index_cast %parallel_loop3A_194 : i32 to index
        %parallel_loop3A_310 = arith.constant 80 : index
        %parallel_loop3A_311 = tpu.vector_load %arg12[%parallel_loop3A_309, %parallel_loop3A_310] {strides = array<i32>} : memref<40x128xf32, #tpu.memory_space<vmem>>, vector<1x16xf32>,
        %parallel_loop3A_312 = vector.shape_cast %parallel_loop3A_311 : vector<1x16xf32> to vector<16xf32>
        %parallel_loop3A_313 = arith.addf %parallel_loop3A_308, %parallel_loop3A_312 : vector<16xf32>
        %parallel_loop3A_314 = arith.index_cast %parallel_loop3A_194 : i32 to index
        %parallel_loop3A_315 = arith.constant 80 : index
        %parallel_loop3A_316 = tpu.vector_load %arg14[%parallel_loop3A_314, %parallel_loop3A_315] {strides = array<i32>} : memref<40x128xf32, #tpu.memory_space<vmem>>, vector<1x16xf32>,
        %parallel_loop3A_317 = vector.shape_cast %parallel_loop3A_316 : vector<1x16xf32> to vector<16xf32>
        %parallel_loop3A_318 = arith.addf %parallel_loop3A_313, %parallel_loop3A_317 : vector<16xf32>
        %parallel_loop3A_319 = arith.constant 0.000000e+00 : f32
        %parallel_loop3A_320 = vector.broadcast %parallel_loop3A_319 : f32 to vector<16xf32>
        %parallel_loop3A_321 = arith.maximumf %parallel_loop3A_318, %parallel_loop3A_320 : vector<16xf32>
        %parallel_loop3A_322 = arith.index_cast %parallel_loop3A_194 : i32 to index
        %parallel_loop3A_323 = arith.constant 80 : index
        %parallel_loop3A_324 = tpu.vector_load %arg14[%parallel_loop3A_322, %parallel_loop3A_323] {strides = array<i32>} : memref<40x128xf32, #tpu.memory_space<vmem>>, vector<1x16xf32>,
        %parallel_loop3A_325 = vector.shape_cast %parallel_loop3A_324 : vector<1x16xf32> to vector<16xf32>
        %parallel_loop3A_326 = vector.shape_cast %parallel_loop3A_321 : vector<16xf32> to vector<1x16xf32>
        tpu.vector_store %arg14[%parallel_loop3A_322, %parallel_loop3A_323], %parallel_loop3A_326 {strides = array<i32>} : memref<40x128xf32, #tpu.memory_space<vmem>>, vector<1x16xf32>,
        %parallel_loop3A_327 = arith.index_cast %parallel_loop3A_194 : i32 to index
        %parallel_loop3A_328 = arith.constant 96 : index
        %parallel_loop3A_329 = tpu.vector_load %arg10[%parallel_loop3A_327, %parallel_loop3A_328] {strides = array<i32>} : memref<40x128xf32, #tpu.memory_space<vmem>>, vector<1x16xf32>,
        %parallel_loop3A_330 = vector.shape_cast %parallel_loop3A_329 : vector<1x16xf32> to vector<16xf32>
        %parallel_loop3A_331 = arith.index_cast %parallel_loop3A_194 : i32 to index
        %parallel_loop3A_332 = arith.constant 96 : index
        %parallel_loop3A_333 = tpu.vector_load %arg12[%parallel_loop3A_331, %parallel_loop3A_332] {strides = array<i32>} : memref<40x128xf32, #tpu.memory_space<vmem>>, vector<1x16xf32>,
        %parallel_loop3A_334 = vector.shape_cast %parallel_loop3A_333 : vector<1x16xf32> to vector<16xf32>
        %parallel_loop3A_335 = arith.addf %parallel_loop3A_330, %parallel_loop3A_334 : vector<16xf32>
        %parallel_loop3A_336 = arith.index_cast %parallel_loop3A_194 : i32 to index
        %parallel_loop3A_337 = arith.constant 96 : index
        %parallel_loop3A_338 = tpu.vector_load %arg14[%parallel_loop3A_336, %parallel_loop3A_337] {strides = array<i32>} : memref<40x128xf32, #tpu.memory_space<vmem>>, vector<1x16xf32>,
        %parallel_loop3A_339 = vector.shape_cast %parallel_loop3A_338 : vector<1x16xf32> to vector<16xf32>
        %parallel_loop3A_340 = arith.addf %parallel_loop3A_335, %parallel_loop3A_339 : vector<16xf32>
        %parallel_loop3A_341 = arith.constant 0.000000e+00 : f32
        %parallel_loop3A_342 = vector.broadcast %parallel_loop3A_341 : f32 to vector<16xf32>
        %parallel_loop3A_343 = arith.maximumf %parallel_loop3A_340, %parallel_loop3A_342 : vector<16xf32>
        %parallel_loop3A_344 = arith.index_cast %parallel_loop3A_194 : i32 to index
        %parallel_loop3A_345 = arith.constant 96 : index
        %parallel_loop3A_346 = tpu.vector_load %arg14[%parallel_loop3A_344, %parallel_loop3A_345] {strides = array<i32>} : memref<40x128xf32, #tpu.memory_space<vmem>>, vector<1x16xf32>,
        %parallel_loop3A_347 = vector.shape_cast %parallel_loop3A_346 : vector<1x16xf32> to vector<16xf32>
        %parallel_loop3A_348 = vector.shape_cast %parallel_loop3A_343 : vector<16xf32> to vector<1x16xf32>
        tpu.vector_store %arg14[%parallel_loop3A_344, %parallel_loop3A_345], %parallel_loop3A_348 {strides = array<i32>} : memref<40x128xf32, #tpu.memory_space<vmem>>, vector<1x16xf32>,
        %parallel_loop3A_349 = arith.index_cast %parallel_loop3A_194 : i32 to index
        %parallel_loop3A_350 = arith.constant 112 : index
        %parallel_loop3A_351 = tpu.vector_load %arg10[%parallel_loop3A_349, %parallel_loop3A_350] {strides = array<i32>} : memref<40x128xf32, #tpu.memory_space<vmem>>, vector<1x16xf32>,
        %parallel_loop3A_352 = vector.shape_cast %parallel_loop3A_351 : vector<1x16xf32> to vector<16xf32>
        %parallel_loop3A_353 = arith.index_cast %parallel_loop3A_194 : i32 to index
        %parallel_loop3A_354 = arith.constant 112 : index
        %parallel_loop3A_355 = tpu.vector_load %arg12[%parallel_loop3A_353, %parallel_loop3A_354] {strides = array<i32>} : memref<40x128xf32, #tpu.memory_space<vmem>>, vector<1x16xf32>,
        %parallel_loop3A_356 = vector.shape_cast %parallel_loop3A_355 : vector<1x16xf32> to vector<16xf32>
        %parallel_loop3A_357 = arith.addf %parallel_loop3A_352, %parallel_loop3A_356 : vector<16xf32>
        %parallel_loop3A_358 = arith.index_cast %parallel_loop3A_194 : i32 to index
        %parallel_loop3A_359 = arith.constant 112 : index
        %parallel_loop3A_360 = tpu.vector_load %arg14[%parallel_loop3A_358, %parallel_loop3A_359] {strides = array<i32>} : memref<40x128xf32, #tpu.memory_space<vmem>>, vector<1x16xf32>,
        %parallel_loop3A_361 = vector.shape_cast %parallel_loop3A_360 : vector<1x16xf32> to vector<16xf32>
        %parallel_loop3A_362 = arith.addf %parallel_loop3A_357, %parallel_loop3A_361 : vector<16xf32>
        %parallel_loop3A_363 = arith.constant 0.000000e+00 : f32
        %parallel_loop3A_364 = vector.broadcast %parallel_loop3A_363 : f32 to vector<16xf32>
        %parallel_loop3A_365 = arith.maximumf %parallel_loop3A_362, %parallel_loop3A_364 : vector<16xf32>
        %parallel_loop3A_366 = arith.index_cast %parallel_loop3A_194 : i32 to index
        %parallel_loop3A_367 = arith.constant 112 : index
        %parallel_loop3A_368 = tpu.vector_load %arg14[%parallel_loop3A_366, %parallel_loop3A_367] {strides = array<i32>} : memref<40x128xf32, #tpu.memory_space<vmem>>, vector<1x16xf32>,
        %parallel_loop3A_369 = vector.shape_cast %parallel_loop3A_368 : vector<1x16xf32> to vector<16xf32>
        %parallel_loop3A_370 = vector.shape_cast %parallel_loop3A_365 : vector<16xf32> to vector<1x16xf32>
        tpu.vector_store %arg14[%parallel_loop3A_366, %parallel_loop3A_367], %parallel_loop3A_370 {strides = array<i32>} : memref<40x128xf32, #tpu.memory_space<vmem>>, vector<1x16xf32>,
      } {sc.loop_unroll_factor = 1 : i64, sc.parallel_access}
      %run_scoped3A_146 = arith.constant 0 : i32
      "tpu.region"() ({
        %run_scoped3A_194 = tpu.sem_alloc : memref<!tpu.dma_semaphore, #tpu.memory_space<semaphore_mem>>
        %dma_start3A_195 = arith.constant 0 : i32
        %dma_start3A_196 = tpu.memref_slice %arg8[%run_scoped3A_146, %dma_start3A_195] : memref<2x40xi32, #tpu.memory_space<vmem>> -> memref<1x40xi32, #tpu.memory_space<vmem>>
        %dma_start3A_197 = tpu.memref_squeeze %dma_start3A_196 : memref<1x40xi32, #tpu.memory_space<vmem>> -> memref<40xi32, #tpu.memory_space<vmem>>
        %dma_start3A_198 = arith.constant 0 : i32
        %dma_start3A_199 = arith.constant 0 : i32
        %dma_start3A_200 = tpu.memref_slice %arg16[%dma_start3A_198, %dma_start3A_199] : memref<10112x128xf32, #tpu.memory_space<vmem_shared>> -> memref<10112x128xf32, #tpu.memory_space<vmem_shared>>
        tpu.enqueue_indirect_dma source(%arg14 : memref<40x128xf32, #tpu.memory_space<vmem>>) target(%dma_start3A_200 : memref<10112x128xf32, #tpu.memory_space<vmem_shared>>) offsets(%dma_start3A_197 : memref<40xi32, #tpu.memory_space<vmem>>) semaphore(%run_scoped3A_194 : memref<!tpu.dma_semaphore, #tpu.memory_space<semaphore_mem>>) {add = true}
        %dma_wait3A_201 = arith.constant 0 : i32
        %dma_wait3A_202 = tpu.memref_slice %arg8[%run_scoped3A_146, %dma_wait3A_201] : memref<2x40xi32, #tpu.memory_space<vmem>> -> memref<1x40xi32, #tpu.memory_space<vmem>>
        %dma_wait3A_203 = tpu.memref_squeeze %dma_wait3A_202 : memref<1x40xi32, #tpu.memory_space<vmem>> -> memref<40xi32, #tpu.memory_space<vmem>>
        %dma_wait3A_204 = arith.constant 0 : i32
        %dma_wait3A_205 = arith.constant 0 : i32
        %dma_wait3A_206 = tpu.memref_slice %arg16[%dma_wait3A_204, %dma_wait3A_205] : memref<10112x128xf32, #tpu.memory_space<vmem_shared>> -> memref<10112x128xf32, #tpu.memory_space<vmem_shared>>
        tpu.wait_indirect_dma semaphore(%run_scoped3A_194 : memref<!tpu.dma_semaphore, #tpu.memory_space<semaphore_mem>>) src(%arg14 : memref<40x128xf32, #tpu.memory_space<vmem>>) dst(%dma_wait3A_206 : memref<10112x128xf32, #tpu.memory_space<vmem_shared>>)
        tpu.yield
      }) : () -> ()
      %add3A_147 = arith.constant 2 : i32
      %add3A_148 = arith.addi %mul3A_99, %add3A_147 : i32
      "tpu.region"() ({
        %run_scoped3A_194 = tpu.sem_alloc : memref<!tpu.dma_semaphore, #tpu.memory_space<semaphore_mem>>
        %dma_start3A_195 = arith.constant 0 : i32
        %dma_start3A_196 = arith.constant 0 : i32
        %dma_start3A_197 = tpu.memref_slice %arg5[%add3A, %add3A_148, %dma_start3A_195, %dma_start3A_196] : memref<32x250x2x40xi32, #tpu.memory_space<hbm>> -> memref<1x1x2x40xi32, #tpu.memory_space<hbm>>
        %dma_start3A_198 = tpu.memref_squeeze %dma_start3A_197 : memref<1x1x2x40xi32, #tpu.memory_space<hbm>> -> memref<2x40xi32, #tpu.memory_space<hbm>>
        %dma_start3A_199 = arith.constant 0 : i32
        %dma_start3A_200 = arith.constant 0 : i32
        %dma_start3A_201 = tpu.memref_slice %arg5[%add3A, %add3A_148, %dma_start3A_199, %dma_start3A_200] : memref<32x250x2x40xi32, #tpu.memory_space<hbm>> -> memref<1x1x2x40xi32, #tpu.memory_space<hbm>>
        %dma_start3A_202 = tpu.memref_squeeze %dma_start3A_201 : memref<1x1x2x40xi32, #tpu.memory_space<hbm>> -> memref<2x40xi32, #tpu.memory_space<hbm>>
        tpu.enqueue_dma source(%dma_start3A_202 : memref<2x40xi32, #tpu.memory_space<hbm>>) target(%arg8 : memref<2x40xi32, #tpu.memory_space<vmem>>) target_semaphore(%run_scoped3A_194 : memref<!tpu.dma_semaphore, #tpu.memory_space<semaphore_mem>>)
        %dma_wait3A_203 = arith.constant 0 : i32
        %dma_wait3A_204 = arith.constant 0 : i32
        %dma_wait3A_205 = tpu.memref_slice %arg5[%add3A, %add3A_148, %dma_wait3A_203, %dma_wait3A_204] : memref<32x250x2x40xi32, #tpu.memory_space<hbm>> -> memref<1x1x2x40xi32, #tpu.memory_space<hbm>>
        %dma_wait3A_206 = tpu.memref_squeeze %dma_wait3A_205 : memref<1x1x2x40xi32, #tpu.memory_space<hbm>> -> memref<2x40xi32, #tpu.memory_space<hbm>>
        %dma_wait3A_207 = arith.constant 0 : i32
        %dma_wait3A_208 = arith.constant 0 : i32
        %dma_wait3A_209 = tpu.memref_slice %arg5[%add3A, %add3A_148, %dma_wait3A_207, %dma_wait3A_208] : memref<32x250x2x40xi32, #tpu.memory_space<hbm>> -> memref<1x1x2x40xi32, #tpu.memory_space<hbm>>
        %dma_wait3A_210 = tpu.memref_squeeze %dma_wait3A_209 : memref<1x1x2x40xi32, #tpu.memory_space<hbm>> -> memref<2x40xi32, #tpu.memory_space<hbm>>
        tpu.wait_dma2 semaphore(%run_scoped3A_194 : memref<!tpu.dma_semaphore, #tpu.memory_space<semaphore_mem>>) src(%dma_wait3A_210 : memref<2x40xi32, #tpu.memory_space<hbm>>) dst(%arg8 : memref<2x40xi32, #tpu.memory_space<vmem>>)
        tpu.yield
      }) : () -> ()
      %add3A_149 = arith.constant 2 : i32
      %add3A_150 = arith.addi %mul3A_99, %add3A_149 : i32
      %dma_start3A_151 = arith.constant 0 : i32
      %dma_start3A_152 = arith.constant 0 : i32
      %dma_start3A_153 = tpu.memref_slice %arg8[%dma_start3A_151, %dma_start3A_152] : memref<2x40xi32, #tpu.memory_space<vmem>> -> memref<1x40xi32, #tpu.memory_space<vmem>>
      %dma_start3A_154 = tpu.memref_squeeze %dma_start3A_153 : memref<1x40xi32, #tpu.memory_space<vmem>> -> memref<40xi32, #tpu.memory_space<vmem>>
      %dma_start3A_155 = arith.constant 0 : i32
      %dma_start3A_156 = arith.constant 0 : i32
      %dma_start3A_157 = tpu.memref_slice %arg2[%dma_start3A_155, %dma_start3A_156] : memref<10000x128xf32, #tpu.memory_space<hbm>> -> memref<10000x128xf32, #tpu.memory_space<hbm>>
      tpu.enqueue_indirect_dma source(%dma_start3A_157 : memref<10000x128xf32, #tpu.memory_space<hbm>>) target(%arg10 : memref<40x128xf32, #tpu.memory_space<vmem>>) offsets(%dma_start3A_154 : memref<40xi32, #tpu.memory_space<vmem>>) semaphore(%arg17 : memref<!tpu.dma_semaphore, #tpu.memory_space<semaphore_mem>>)
      %dma_start3A_158 = arith.constant 1 : i32
      %dma_start3A_159 = arith.constant 0 : i32
      %dma_start3A_160 = tpu.memref_slice %arg8[%dma_start3A_158, %dma_start3A_159] : memref<2x40xi32, #tpu.memory_space<vmem>> -> memref<1x40xi32, #tpu.memory_space<vmem>>
      %dma_start3A_161 = tpu.memref_squeeze %dma_start3A_160 : memref<1x40xi32, #tpu.memory_space<vmem>> -> memref<40xi32, #tpu.memory_space<vmem>>
      %dma_start3A_162 = arith.constant 0 : i32
      %dma_start3A_163 = arith.constant 0 : i32
      %dma_start3A_164 = tpu.memref_slice %arg3[%dma_start3A_162, %dma_start3A_163] : memref<10000x128xf32, #tpu.memory_space<hbm>> -> memref<10000x128xf32, #tpu.memory_space<hbm>>
      tpu.enqueue_indirect_dma source(%dma_start3A_164 : memref<10000x128xf32, #tpu.memory_space<hbm>>) target(%arg12 : memref<40x128xf32, #tpu.memory_space<vmem>>) offsets(%dma_start3A_161 : memref<40xi32, #tpu.memory_space<vmem>>) semaphore(%arg17 : memref<!tpu.dma_semaphore, #tpu.memory_space<semaphore_mem>>)
      %mul3A_165 = arith.constant 40 : i32
      %mul3A_166 = arith.muli %add3A_150, %mul3A_165 : i32
      %add3A_167 = arith.addi %mul3A_2, %mul3A_166 : i32
      %dma_start3A_168 = arith.constant 0 : i32
      %dma_start3A_169 = tpu.memref_slice %arg4[%add3A_167, %dma_start3A_168] : memref<320000x128xf32, #tpu.memory_space<hbm>> -> memref<40x128xf32, #tpu.memory_space<hbm>>
      %dma_start3A_170 = arith.constant 0 : i32
      %dma_start3A_171 = tpu.memref_slice %arg4[%add3A_167, %dma_start3A_170] : memref<320000x128xf32, #tpu.memory_space<hbm>> -> memref<40x128xf32, #tpu.memory_space<hbm>>
      tpu.enqueue_dma source(%dma_start3A_171 : memref<40x128xf32, #tpu.memory_space<hbm>>) target(%arg14 : memref<40x128xf32, #tpu.memory_space<vmem>>) target_semaphore(%arg17 : memref<!tpu.dma_semaphore, #tpu.memory_space<semaphore_mem>>)
      %dma_wait3A_172 = arith.constant 0 : i32
      %dma_wait3A_173 = arith.constant 0 : i32
      %dma_wait3A_174 = tpu.memref_slice %arg9[%dma_wait3A_172, %dma_wait3A_173] : memref<2x40xi32, #tpu.memory_space<vmem>> -> memref<1x40xi32, #tpu.memory_space<vmem>>
      %dma_wait3A_175 = tpu.memref_squeeze %dma_wait3A_174 : memref<1x40xi32, #tpu.memory_space<vmem>> -> memref<40xi32, #tpu.memory_space<vmem>>
      %dma_wait3A_176 = arith.constant 0 : i32
      %dma_wait3A_177 = arith.constant 0 : i32
      %dma_wait3A_178 = tpu.memref_slice %arg2[%dma_wait3A_176, %dma_wait3A_177] : memref<10000x128xf32, #tpu.memory_space<hbm>> -> memref<10000x128xf32, #tpu.memory_space<hbm>>
      tpu.wait_indirect_dma semaphore(%arg18 : memref<!tpu.dma_semaphore, #tpu.memory_space<semaphore_mem>>) src(%dma_wait3A_178 : memref<10000x128xf32, #tpu.memory_space<hbm>>) dst(%arg11 : memref<40x128xf32, #tpu.memory_space<vmem>>)
      %dma_wait3A_179 = arith.constant 1 : i32
      %dma_wait3A_180 = arith.constant 0 : i32
      %dma_wait3A_181 = tpu.memref_slice %arg9[%dma_wait3A_179, %dma_wait3A_180] : memref<2x40xi32, #tpu.memory_space<vmem>> -> memref<1x40xi32, #tpu.memory_space<vmem>>
      %dma_wait3A_182 = tpu.memref_squeeze %dma_wait3A_181 : memref<1x40xi32, #tpu.memory_space<vmem>> -> memref<40xi32, #tpu.memory_space<vmem>>
      %dma_wait3A_183 = arith.constant 0 : i32
      %dma_wait3A_184 = arith.constant 0 : i32
      %dma_wait3A_185 = tpu.memref_slice %arg3[%dma_wait3A_183, %dma_wait3A_184] : memref<10000x128xf32, #tpu.memory_space<hbm>> -> memref<10000x128xf32, #tpu.memory_space<hbm>>
      tpu.wait_indirect_dma semaphore(%arg18 : memref<!tpu.dma_semaphore, #tpu.memory_space<semaphore_mem>>) src(%dma_wait3A_185 : memref<10000x128xf32, #tpu.memory_space<hbm>>) dst(%arg13 : memref<40x128xf32, #tpu.memory_space<vmem>>)
      %dma_wait3A_186 = arith.constant 0 : i32
      %dma_wait3A_187 = tpu.memref_slice %arg4[%mul3A_2, %dma_wait3A_186] : memref<320000x128xf32, #tpu.memory_space<hbm>> -> memref<40x128xf32, #tpu.memory_space<hbm>>
      %dma_wait3A_188 = arith.constant 0 : i32
      %dma_wait3A_189 = tpu.memref_slice %arg4[%mul3A_2, %dma_wait3A_188] : memref<320000x128xf32, #tpu.memory_space<hbm>> -> memref<40x128xf32, #tpu.memory_space<hbm>>
      tpu.wait_dma2 semaphore(%arg18 : memref<!tpu.dma_semaphore, #tpu.memory_space<semaphore_mem>>) src(%dma_wait3A_189 : memref<40x128xf32, #tpu.memory_space<hbm>>) dst(%arg15 : memref<40x128xf32, #tpu.memory_space<vmem>>)
      %parallel_loop3A_190 = arith.constant 0 : i32
      %parallel_loop3A_191 = arith.constant 40 : i32
      %parallel_loop3A_192 = arith.constant 1 : i32
      scf.for %parallel_loop3A_194 = %parallel_loop3A_190 to %parallel_loop3A_191 step %parallel_loop3A_192  : i32 {
        %parallel_loop3A_195 = arith.index_cast %parallel_loop3A_194 : i32 to index
        %parallel_loop3A_196 = arith.constant 0 : index
        %parallel_loop3A_197 = tpu.vector_load %arg11[%parallel_loop3A_195, %parallel_loop3A_196] {strides = array<i32>} : memref<40x128xf32, #tpu.memory_space<vmem>>, vector<1x16xf32>,
        %parallel_loop3A_198 = vector.shape_cast %parallel_loop3A_197 : vector<1x16xf32> to vector<16xf32>
        %parallel_loop3A_199 = arith.index_cast %parallel_loop3A_194 : i32 to index
        %parallel_loop3A_200 = arith.constant 0 : index
        %parallel_loop3A_201 = tpu.vector_load %arg13[%parallel_loop3A_199, %parallel_loop3A_200] {strides = array<i32>} : memref<40x128xf32, #tpu.memory_space<vmem>>, vector<1x16xf32>,
        %parallel_loop3A_202 = vector.shape_cast %parallel_loop3A_201 : vector<1x16xf32> to vector<16xf32>
        %parallel_loop3A_203 = arith.addf %parallel_loop3A_198, %parallel_loop3A_202 : vector<16xf32>
        %parallel_loop3A_204 = arith.index_cast %parallel_loop3A_194 : i32 to index
        %parallel_loop3A_205 = arith.constant 0 : index
        %parallel_loop3A_206 = tpu.vector_load %arg15[%parallel_loop3A_204, %parallel_loop3A_205] {strides = array<i32>} : memref<40x128xf32, #tpu.memory_space<vmem>>, vector<1x16xf32>,
        %parallel_loop3A_207 = vector.shape_cast %parallel_loop3A_206 : vector<1x16xf32> to vector<16xf32>
        %parallel_loop3A_208 = arith.addf %parallel_loop3A_203, %parallel_loop3A_207 : vector<16xf32>
        %parallel_loop3A_209 = arith.constant 0.000000e+00 : f32
        %parallel_loop3A_210 = vector.broadcast %parallel_loop3A_209 : f32 to vector<16xf32>
        %parallel_loop3A_211 = arith.maximumf %parallel_loop3A_208, %parallel_loop3A_210 : vector<16xf32>
        %parallel_loop3A_212 = arith.index_cast %parallel_loop3A_194 : i32 to index
        %parallel_loop3A_213 = arith.constant 0 : index
        %parallel_loop3A_214 = tpu.vector_load %arg15[%parallel_loop3A_212, %parallel_loop3A_213] {strides = array<i32>} : memref<40x128xf32, #tpu.memory_space<vmem>>, vector<1x16xf32>,
        %parallel_loop3A_215 = vector.shape_cast %parallel_loop3A_214 : vector<1x16xf32> to vector<16xf32>
        %parallel_loop3A_216 = vector.shape_cast %parallel_loop3A_211 : vector<16xf32> to vector<1x16xf32>
        tpu.vector_store %arg15[%parallel_loop3A_212, %parallel_loop3A_213], %parallel_loop3A_216 {strides = array<i32>} : memref<40x128xf32, #tpu.memory_space<vmem>>, vector<1x16xf32>,
        %parallel_loop3A_217 = arith.index_cast %parallel_loop3A_194 : i32 to index
        %parallel_loop3A_218 = arith.constant 16 : index
        %parallel_loop3A_219 = tpu.vector_load %arg11[%parallel_loop3A_217, %parallel_loop3A_218] {strides = array<i32>} : memref<40x128xf32, #tpu.memory_space<vmem>>, vector<1x16xf32>,
        %parallel_loop3A_220 = vector.shape_cast %parallel_loop3A_219 : vector<1x16xf32> to vector<16xf32>
        %parallel_loop3A_221 = arith.index_cast %parallel_loop3A_194 : i32 to index
        %parallel_loop3A_222 = arith.constant 16 : index
        %parallel_loop3A_223 = tpu.vector_load %arg13[%parallel_loop3A_221, %parallel_loop3A_222] {strides = array<i32>} : memref<40x128xf32, #tpu.memory_space<vmem>>, vector<1x16xf32>,
        %parallel_loop3A_224 = vector.shape_cast %parallel_loop3A_223 : vector<1x16xf32> to vector<16xf32>
        %parallel_loop3A_225 = arith.addf %parallel_loop3A_220, %parallel_loop3A_224 : vector<16xf32>
        %parallel_loop3A_226 = arith.index_cast %parallel_loop3A_194 : i32 to index
        %parallel_loop3A_227 = arith.constant 16 : index
        %parallel_loop3A_228 = tpu.vector_load %arg15[%parallel_loop3A_226, %parallel_loop3A_227] {strides = array<i32>} : memref<40x128xf32, #tpu.memory_space<vmem>>, vector<1x16xf32>,
        %parallel_loop3A_229 = vector.shape_cast %parallel_loop3A_228 : vector<1x16xf32> to vector<16xf32>
        %parallel_loop3A_230 = arith.addf %parallel_loop3A_225, %parallel_loop3A_229 : vector<16xf32>
        %parallel_loop3A_231 = arith.constant 0.000000e+00 : f32
        %parallel_loop3A_232 = vector.broadcast %parallel_loop3A_231 : f32 to vector<16xf32>
        %parallel_loop3A_233 = arith.maximumf %parallel_loop3A_230, %parallel_loop3A_232 : vector<16xf32>
        %parallel_loop3A_234 = arith.index_cast %parallel_loop3A_194 : i32 to index
        %parallel_loop3A_235 = arith.constant 16 : index
        %parallel_loop3A_236 = tpu.vector_load %arg15[%parallel_loop3A_234, %parallel_loop3A_235] {strides = array<i32>} : memref<40x128xf32, #tpu.memory_space<vmem>>, vector<1x16xf32>,
        %parallel_loop3A_237 = vector.shape_cast %parallel_loop3A_236 : vector<1x16xf32> to vector<16xf32>
        %parallel_loop3A_238 = vector.shape_cast %parallel_loop3A_233 : vector<16xf32> to vector<1x16xf32>
        tpu.vector_store %arg15[%parallel_loop3A_234, %parallel_loop3A_235], %parallel_loop3A_238 {strides = array<i32>} : memref<40x128xf32, #tpu.memory_space<vmem>>, vector<1x16xf32>,
        %parallel_loop3A_239 = arith.index_cast %parallel_loop3A_194 : i32 to index
        %parallel_loop3A_240 = arith.constant 32 : index
        %parallel_loop3A_241 = tpu.vector_load %arg11[%parallel_loop3A_239, %parallel_loop3A_240] {strides = array<i32>} : memref<40x128xf32, #tpu.memory_space<vmem>>, vector<1x16xf32>,
        %parallel_loop3A_242 = vector.shape_cast %parallel_loop3A_241 : vector<1x16xf32> to vector<16xf32>
        %parallel_loop3A_243 = arith.index_cast %parallel_loop3A_194 : i32 to index
        %parallel_loop3A_244 = arith.constant 32 : index
        %parallel_loop3A_245 = tpu.vector_load %arg13[%parallel_loop3A_243, %parallel_loop3A_244] {strides = array<i32>} : memref<40x128xf32, #tpu.memory_space<vmem>>, vector<1x16xf32>,
        %parallel_loop3A_246 = vector.shape_cast %parallel_loop3A_245 : vector<1x16xf32> to vector<16xf32>
        %parallel_loop3A_247 = arith.addf %parallel_loop3A_242, %parallel_loop3A_246 : vector<16xf32>
        %parallel_loop3A_248 = arith.index_cast %parallel_loop3A_194 : i32 to index
        %parallel_loop3A_249 = arith.constant 32 : index
        %parallel_loop3A_250 = tpu.vector_load %arg15[%parallel_loop3A_248, %parallel_loop3A_249] {strides = array<i32>} : memref<40x128xf32, #tpu.memory_space<vmem>>, vector<1x16xf32>,
        %parallel_loop3A_251 = vector.shape_cast %parallel_loop3A_250 : vector<1x16xf32> to vector<16xf32>
        %parallel_loop3A_252 = arith.addf %parallel_loop3A_247, %parallel_loop3A_251 : vector<16xf32>
        %parallel_loop3A_253 = arith.constant 0.000000e+00 : f32
        %parallel_loop3A_254 = vector.broadcast %parallel_loop3A_253 : f32 to vector<16xf32>
        %parallel_loop3A_255 = arith.maximumf %parallel_loop3A_252, %parallel_loop3A_254 : vector<16xf32>
        %parallel_loop3A_256 = arith.index_cast %parallel_loop3A_194 : i32 to index
        %parallel_loop3A_257 = arith.constant 32 : index
        %parallel_loop3A_258 = tpu.vector_load %arg15[%parallel_loop3A_256, %parallel_loop3A_257] {strides = array<i32>} : memref<40x128xf32, #tpu.memory_space<vmem>>, vector<1x16xf32>,
        %parallel_loop3A_259 = vector.shape_cast %parallel_loop3A_258 : vector<1x16xf32> to vector<16xf32>
        %parallel_loop3A_260 = vector.shape_cast %parallel_loop3A_255 : vector<16xf32> to vector<1x16xf32>
        tpu.vector_store %arg15[%parallel_loop3A_256, %parallel_loop3A_257], %parallel_loop3A_260 {strides = array<i32>} : memref<40x128xf32, #tpu.memory_space<vmem>>, vector<1x16xf32>,
        %parallel_loop3A_261 = arith.index_cast %parallel_loop3A_194 : i32 to index
        %parallel_loop3A_262 = arith.constant 48 : index
        %parallel_loop3A_263 = tpu.vector_load %arg11[%parallel_loop3A_261, %parallel_loop3A_262] {strides = array<i32>} : memref<40x128xf32, #tpu.memory_space<vmem>>, vector<1x16xf32>,
        %parallel_loop3A_264 = vector.shape_cast %parallel_loop3A_263 : vector<1x16xf32> to vector<16xf32>
        %parallel_loop3A_265 = arith.index_cast %parallel_loop3A_194 : i32 to index
        %parallel_loop3A_266 = arith.constant 48 : index
        %parallel_loop3A_267 = tpu.vector_load %arg13[%parallel_loop3A_265, %parallel_loop3A_266] {strides = array<i32>} : memref<40x128xf32, #tpu.memory_space<vmem>>, vector<1x16xf32>,
        %parallel_loop3A_268 = vector.shape_cast %parallel_loop3A_267 : vector<1x16xf32> to vector<16xf32>
        %parallel_loop3A_269 = arith.addf %parallel_loop3A_264, %parallel_loop3A_268 : vector<16xf32>
        %parallel_loop3A_270 = arith.index_cast %parallel_loop3A_194 : i32 to index
        %parallel_loop3A_271 = arith.constant 48 : index
        %parallel_loop3A_272 = tpu.vector_load %arg15[%parallel_loop3A_270, %parallel_loop3A_271] {strides = array<i32>} : memref<40x128xf32, #tpu.memory_space<vmem>>, vector<1x16xf32>,
        %parallel_loop3A_273 = vector.shape_cast %parallel_loop3A_272 : vector<1x16xf32> to vector<16xf32>
        %parallel_loop3A_274 = arith.addf %parallel_loop3A_269, %parallel_loop3A_273 : vector<16xf32>
        %parallel_loop3A_275 = arith.constant 0.000000e+00 : f32
        %parallel_loop3A_276 = vector.broadcast %parallel_loop3A_275 : f32 to vector<16xf32>
        %parallel_loop3A_277 = arith.maximumf %parallel_loop3A_274, %parallel_loop3A_276 : vector<16xf32>
        %parallel_loop3A_278 = arith.index_cast %parallel_loop3A_194 : i32 to index
        %parallel_loop3A_279 = arith.constant 48 : index
        %parallel_loop3A_280 = tpu.vector_load %arg15[%parallel_loop3A_278, %parallel_loop3A_279] {strides = array<i32>} : memref<40x128xf32, #tpu.memory_space<vmem>>, vector<1x16xf32>,
        %parallel_loop3A_281 = vector.shape_cast %parallel_loop3A_280 : vector<1x16xf32> to vector<16xf32>
        %parallel_loop3A_282 = vector.shape_cast %parallel_loop3A_277 : vector<16xf32> to vector<1x16xf32>
        tpu.vector_store %arg15[%parallel_loop3A_278, %parallel_loop3A_279], %parallel_loop3A_282 {strides = array<i32>} : memref<40x128xf32, #tpu.memory_space<vmem>>, vector<1x16xf32>,
        %parallel_loop3A_283 = arith.index_cast %parallel_loop3A_194 : i32 to index
        %parallel_loop3A_284 = arith.constant 64 : index
        %parallel_loop3A_285 = tpu.vector_load %arg11[%parallel_loop3A_283, %parallel_loop3A_284] {strides = array<i32>} : memref<40x128xf32, #tpu.memory_space<vmem>>, vector<1x16xf32>,
        %parallel_loop3A_286 = vector.shape_cast %parallel_loop3A_285 : vector<1x16xf32> to vector<16xf32>
        %parallel_loop3A_287 = arith.index_cast %parallel_loop3A_194 : i32 to index
        %parallel_loop3A_288 = arith.constant 64 : index
        %parallel_loop3A_289 = tpu.vector_load %arg13[%parallel_loop3A_287, %parallel_loop3A_288] {strides = array<i32>} : memref<40x128xf32, #tpu.memory_space<vmem>>, vector<1x16xf32>,
        %parallel_loop3A_290 = vector.shape_cast %parallel_loop3A_289 : vector<1x16xf32> to vector<16xf32>
        %parallel_loop3A_291 = arith.addf %parallel_loop3A_286, %parallel_loop3A_290 : vector<16xf32>
        %parallel_loop3A_292 = arith.index_cast %parallel_loop3A_194 : i32 to index
        %parallel_loop3A_293 = arith.constant 64 : index
        %parallel_loop3A_294 = tpu.vector_load %arg15[%parallel_loop3A_292, %parallel_loop3A_293] {strides = array<i32>} : memref<40x128xf32, #tpu.memory_space<vmem>>, vector<1x16xf32>,
        %parallel_loop3A_295 = vector.shape_cast %parallel_loop3A_294 : vector<1x16xf32> to vector<16xf32>
        %parallel_loop3A_296 = arith.addf %parallel_loop3A_291, %parallel_loop3A_295 : vector<16xf32>
        %parallel_loop3A_297 = arith.constant 0.000000e+00 : f32
        %parallel_loop3A_298 = vector.broadcast %parallel_loop3A_297 : f32 to vector<16xf32>
        %parallel_loop3A_299 = arith.maximumf %parallel_loop3A_296, %parallel_loop3A_298 : vector<16xf32>
        %parallel_loop3A_300 = arith.index_cast %parallel_loop3A_194 : i32 to index
        %parallel_loop3A_301 = arith.constant 64 : index
        %parallel_loop3A_302 = tpu.vector_load %arg15[%parallel_loop3A_300, %parallel_loop3A_301] {strides = array<i32>} : memref<40x128xf32, #tpu.memory_space<vmem>>, vector<1x16xf32>,
        %parallel_loop3A_303 = vector.shape_cast %parallel_loop3A_302 : vector<1x16xf32> to vector<16xf32>
        %parallel_loop3A_304 = vector.shape_cast %parallel_loop3A_299 : vector<16xf32> to vector<1x16xf32>
        tpu.vector_store %arg15[%parallel_loop3A_300, %parallel_loop3A_301], %parallel_loop3A_304 {strides = array<i32>} : memref<40x128xf32, #tpu.memory_space<vmem>>, vector<1x16xf32>,
        %parallel_loop3A_305 = arith.index_cast %parallel_loop3A_194 : i32 to index
        %parallel_loop3A_306 = arith.constant 80 : index
        %parallel_loop3A_307 = tpu.vector_load %arg11[%parallel_loop3A_305, %parallel_loop3A_306] {strides = array<i32>} : memref<40x128xf32, #tpu.memory_space<vmem>>, vector<1x16xf32>,
        %parallel_loop3A_308 = vector.shape_cast %parallel_loop3A_307 : vector<1x16xf32> to vector<16xf32>
        %parallel_loop3A_309 = arith.index_cast %parallel_loop3A_194 : i32 to index
        %parallel_loop3A_310 = arith.constant 80 : index
        %parallel_loop3A_311 = tpu.vector_load %arg13[%parallel_loop3A_309, %parallel_loop3A_310] {strides = array<i32>} : memref<40x128xf32, #tpu.memory_space<vmem>>, vector<1x16xf32>,
        %parallel_loop3A_312 = vector.shape_cast %parallel_loop3A_311 : vector<1x16xf32> to vector<16xf32>
        %parallel_loop3A_313 = arith.addf %parallel_loop3A_308, %parallel_loop3A_312 : vector<16xf32>
        %parallel_loop3A_314 = arith.index_cast %parallel_loop3A_194 : i32 to index
        %parallel_loop3A_315 = arith.constant 80 : index
        %parallel_loop3A_316 = tpu.vector_load %arg15[%parallel_loop3A_314, %parallel_loop3A_315] {strides = array<i32>} : memref<40x128xf32, #tpu.memory_space<vmem>>, vector<1x16xf32>,
        %parallel_loop3A_317 = vector.shape_cast %parallel_loop3A_316 : vector<1x16xf32> to vector<16xf32>
        %parallel_loop3A_318 = arith.addf %parallel_loop3A_313, %parallel_loop3A_317 : vector<16xf32>
        %parallel_loop3A_319 = arith.constant 0.000000e+00 : f32
        %parallel_loop3A_320 = vector.broadcast %parallel_loop3A_319 : f32 to vector<16xf32>
        %parallel_loop3A_321 = arith.maximumf %parallel_loop3A_318, %parallel_loop3A_320 : vector<16xf32>
        %parallel_loop3A_322 = arith.index_cast %parallel_loop3A_194 : i32 to index
        %parallel_loop3A_323 = arith.constant 80 : index
        %parallel_loop3A_324 = tpu.vector_load %arg15[%parallel_loop3A_322, %parallel_loop3A_323] {strides = array<i32>} : memref<40x128xf32, #tpu.memory_space<vmem>>, vector<1x16xf32>,
        %parallel_loop3A_325 = vector.shape_cast %parallel_loop3A_324 : vector<1x16xf32> to vector<16xf32>
        %parallel_loop3A_326 = vector.shape_cast %parallel_loop3A_321 : vector<16xf32> to vector<1x16xf32>
        tpu.vector_store %arg15[%parallel_loop3A_322, %parallel_loop3A_323], %parallel_loop3A_326 {strides = array<i32>} : memref<40x128xf32, #tpu.memory_space<vmem>>, vector<1x16xf32>,
        %parallel_loop3A_327 = arith.index_cast %parallel_loop3A_194 : i32 to index
        %parallel_loop3A_328 = arith.constant 96 : index
        %parallel_loop3A_329 = tpu.vector_load %arg11[%parallel_loop3A_327, %parallel_loop3A_328] {strides = array<i32>} : memref<40x128xf32, #tpu.memory_space<vmem>>, vector<1x16xf32>,
        %parallel_loop3A_330 = vector.shape_cast %parallel_loop3A_329 : vector<1x16xf32> to vector<16xf32>
        %parallel_loop3A_331 = arith.index_cast %parallel_loop3A_194 : i32 to index
        %parallel_loop3A_332 = arith.constant 96 : index
        %parallel_loop3A_333 = tpu.vector_load %arg13[%parallel_loop3A_331, %parallel_loop3A_332] {strides = array<i32>} : memref<40x128xf32, #tpu.memory_space<vmem>>, vector<1x16xf32>,
        %parallel_loop3A_334 = vector.shape_cast %parallel_loop3A_333 : vector<1x16xf32> to vector<16xf32>
        %parallel_loop3A_335 = arith.addf %parallel_loop3A_330, %parallel_loop3A_334 : vector<16xf32>
        %parallel_loop3A_336 = arith.index_cast %parallel_loop3A_194 : i32 to index
        %parallel_loop3A_337 = arith.constant 96 : index
        %parallel_loop3A_338 = tpu.vector_load %arg15[%parallel_loop3A_336, %parallel_loop3A_337] {strides = array<i32>} : memref<40x128xf32, #tpu.memory_space<vmem>>, vector<1x16xf32>,
        %parallel_loop3A_339 = vector.shape_cast %parallel_loop3A_338 : vector<1x16xf32> to vector<16xf32>
        %parallel_loop3A_340 = arith.addf %parallel_loop3A_335, %parallel_loop3A_339 : vector<16xf32>
        %parallel_loop3A_341 = arith.constant 0.000000e+00 : f32
        %parallel_loop3A_342 = vector.broadcast %parallel_loop3A_341 : f32 to vector<16xf32>
        %parallel_loop3A_343 = arith.maximumf %parallel_loop3A_340, %parallel_loop3A_342 : vector<16xf32>
        %parallel_loop3A_344 = arith.index_cast %parallel_loop3A_194 : i32 to index
        %parallel_loop3A_345 = arith.constant 96 : index
        %parallel_loop3A_346 = tpu.vector_load %arg15[%parallel_loop3A_344, %parallel_loop3A_345] {strides = array<i32>} : memref<40x128xf32, #tpu.memory_space<vmem>>, vector<1x16xf32>,
        %parallel_loop3A_347 = vector.shape_cast %parallel_loop3A_346 : vector<1x16xf32> to vector<16xf32>
        %parallel_loop3A_348 = vector.shape_cast %parallel_loop3A_343 : vector<16xf32> to vector<1x16xf32>
        tpu.vector_store %arg15[%parallel_loop3A_344, %parallel_loop3A_345], %parallel_loop3A_348 {strides = array<i32>} : memref<40x128xf32, #tpu.memory_space<vmem>>, vector<1x16xf32>,
        %parallel_loop3A_349 = arith.index_cast %parallel_loop3A_194 : i32 to index
        %parallel_loop3A_350 = arith.constant 112 : index
        %parallel_loop3A_351 = tpu.vector_load %arg11[%parallel_loop3A_349, %parallel_loop3A_350] {strides = array<i32>} : memref<40x128xf32, #tpu.memory_space<vmem>>, vector<1x16xf32>,
        %parallel_loop3A_352 = vector.shape_cast %parallel_loop3A_351 : vector<1x16xf32> to vector<16xf32>
        %parallel_loop3A_353 = arith.index_cast %parallel_loop3A_194 : i32 to index
        %parallel_loop3A_354 = arith.constant 112 : index
        %parallel_loop3A_355 = tpu.vector_load %arg13[%parallel_loop3A_353, %parallel_loop3A_354] {strides = array<i32>} : memref<40x128xf32, #tpu.memory_space<vmem>>, vector<1x16xf32>,
        %parallel_loop3A_356 = vector.shape_cast %parallel_loop3A_355 : vector<1x16xf32> to vector<16xf32>
        %parallel_loop3A_357 = arith.addf %parallel_loop3A_352, %parallel_loop3A_356 : vector<16xf32>
        %parallel_loop3A_358 = arith.index_cast %parallel_loop3A_194 : i32 to index
        %parallel_loop3A_359 = arith.constant 112 : index
        %parallel_loop3A_360 = tpu.vector_load %arg15[%parallel_loop3A_358, %parallel_loop3A_359] {strides = array<i32>} : memref<40x128xf32, #tpu.memory_space<vmem>>, vector<1x16xf32>,
        %parallel_loop3A_361 = vector.shape_cast %parallel_loop3A_360 : vector<1x16xf32> to vector<16xf32>
        %parallel_loop3A_362 = arith.addf %parallel_loop3A_357, %parallel_loop3A_361 : vector<16xf32>
        %parallel_loop3A_363 = arith.constant 0.000000e+00 : f32
        %parallel_loop3A_364 = vector.broadcast %parallel_loop3A_363 : f32 to vector<16xf32>
        %parallel_loop3A_365 = arith.maximumf %parallel_loop3A_362, %parallel_loop3A_364 : vector<16xf32>
        %parallel_loop3A_366 = arith.index_cast %parallel_loop3A_194 : i32 to index
        %parallel_loop3A_367 = arith.constant 112 : index
        %parallel_loop3A_368 = tpu.vector_load %arg15[%parallel_loop3A_366, %parallel_loop3A_367] {strides = array<i32>} : memref<40x128xf32, #tpu.memory_space<vmem>>, vector<1x16xf32>,
        %parallel_loop3A_369 = vector.shape_cast %parallel_loop3A_368 : vector<1x16xf32> to vector<16xf32>
        %parallel_loop3A_370 = vector.shape_cast %parallel_loop3A_365 : vector<16xf32> to vector<1x16xf32>
        tpu.vector_store %arg15[%parallel_loop3A_366, %parallel_loop3A_367], %parallel_loop3A_370 {strides = array<i32>} : memref<40x128xf32, #tpu.memory_space<vmem>>, vector<1x16xf32>,
      } {sc.loop_unroll_factor = 1 : i64, sc.parallel_access}
      %run_scoped3A_193 = arith.constant 0 : i32
      "tpu.region"() ({
        %run_scoped3A_194 = tpu.sem_alloc : memref<!tpu.dma_semaphore, #tpu.memory_space<semaphore_mem>>
        %dma_start3A_195 = arith.constant 0 : i32
        %dma_start3A_196 = tpu.memref_slice %arg9[%run_scoped3A_193, %dma_start3A_195] : memref<2x40xi32, #tpu.memory_space<vmem>> -> memref<1x40xi32, #tpu.memory_space<vmem>>
        %dma_start3A_197 = tpu.memref_squeeze %dma_start3A_196 : memref<1x40xi32, #tpu.memory_space<vmem>> -> memref<40xi32, #tpu.memory_space<vmem>>
        %dma_start3A_198 = arith.constant 0 : i32
        %dma_start3A_199 = arith.constant 0 : i32
        %dma_start3A_200 = tpu.memref_slice %arg16[%dma_start3A_198, %dma_start3A_199] : memref<10112x128xf32, #tpu.memory_space<vmem_shared>> -> memref<10112x128xf32, #tpu.memory_space<vmem_shared>>
        tpu.enqueue_indirect_dma source(%arg15 : memref<40x128xf32, #tpu.memory_space<vmem>>) target(%dma_start3A_200 : memref<10112x128xf32, #tpu.memory_space<vmem_shared>>) offsets(%dma_start3A_197 : memref<40xi32, #tpu.memory_space<vmem>>) semaphore(%run_scoped3A_194 : memref<!tpu.dma_semaphore, #tpu.memory_space<semaphore_mem>>) {add = true}
        %dma_wait3A_201 = arith.constant 0 : i32
        %dma_wait3A_202 = tpu.memref_slice %arg9[%run_scoped3A_193, %dma_wait3A_201] : memref<2x40xi32, #tpu.memory_space<vmem>> -> memref<1x40xi32, #tpu.memory_space<vmem>>
        %dma_wait3A_203 = tpu.memref_squeeze %dma_wait3A_202 : memref<1x40xi32, #tpu.memory_space<vmem>> -> memref<40xi32, #tpu.memory_space<vmem>>
        %dma_wait3A_204 = arith.constant 0 : i32
        %dma_wait3A_205 = arith.constant 0 : i32
        %dma_wait3A_206 = tpu.memref_slice %arg16[%dma_wait3A_204, %dma_wait3A_205] : memref<10112x128xf32, #tpu.memory_space<vmem_shared>> -> memref<10112x128xf32, #tpu.memory_space<vmem_shared>>
        tpu.wait_indirect_dma semaphore(%run_scoped3A_194 : memref<!tpu.dma_semaphore, #tpu.memory_space<semaphore_mem>>) src(%arg15 : memref<40x128xf32, #tpu.memory_space<vmem>>) dst(%dma_wait3A_206 : memref<10112x128xf32, #tpu.memory_space<vmem_shared>>)
        tpu.yield
      }) : () -> ()
    }
    %scan3A_28 = arith.constant 124 : i32
    %run_scoped3A_29 = arith.constant 249 : i32
    "tpu.region"() ({
      %run_scoped3A_97 = tpu.sem_alloc : memref<!tpu.dma_semaphore, #tpu.memory_space<semaphore_mem>>
      %dma_start3A_98 = arith.constant 0 : i32
      %dma_start3A_99 = arith.constant 0 : i32
      %dma_start3A_100 = tpu.memref_slice %arg5[%add3A, %run_scoped3A_29, %dma_start3A_98, %dma_start3A_99] : memref<32x250x2x40xi32, #tpu.memory_space<hbm>> -> memref<1x1x2x40xi32, #tpu.memory_space<hbm>>
      %dma_start3A_101 = tpu.memref_squeeze %dma_start3A_100 : memref<1x1x2x40xi32, #tpu.memory_space<hbm>> -> memref<2x40xi32, #tpu.memory_space<hbm>>
      %dma_start3A_102 = arith.constant 0 : i32
      %dma_start3A_103 = arith.constant 0 : i32
      %dma_start3A_104 = tpu.memref_slice %arg5[%add3A, %run_scoped3A_29, %dma_start3A_102, %dma_start3A_103] : memref<32x250x2x40xi32, #tpu.memory_space<hbm>> -> memref<1x1x2x40xi32, #tpu.memory_space<hbm>>
      %dma_start3A_105 = tpu.memref_squeeze %dma_start3A_104 : memref<1x1x2x40xi32, #tpu.memory_space<hbm>> -> memref<2x40xi32, #tpu.memory_space<hbm>>
      tpu.enqueue_dma source(%dma_start3A_105 : memref<2x40xi32, #tpu.memory_space<hbm>>) target(%arg9 : memref<2x40xi32, #tpu.memory_space<vmem>>) target_semaphore(%run_scoped3A_97 : memref<!tpu.dma_semaphore, #tpu.memory_space<semaphore_mem>>)
      %dma_wait3A_106 = arith.constant 0 : i32
      %dma_wait3A_107 = arith.constant 0 : i32
      %dma_wait3A_108 = tpu.memref_slice %arg5[%add3A, %run_scoped3A_29, %dma_wait3A_106, %dma_wait3A_107] : memref<32x250x2x40xi32, #tpu.memory_space<hbm>> -> memref<1x1x2x40xi32, #tpu.memory_space<hbm>>
      %dma_wait3A_109 = tpu.memref_squeeze %dma_wait3A_108 : memref<1x1x2x40xi32, #tpu.memory_space<hbm>> -> memref<2x40xi32, #tpu.memory_space<hbm>>
      %dma_wait3A_110 = arith.constant 0 : i32
      %dma_wait3A_111 = arith.constant 0 : i32
      %dma_wait3A_112 = tpu.memref_slice %arg5[%add3A, %run_scoped3A_29, %dma_wait3A_110, %dma_wait3A_111] : memref<32x250x2x40xi32, #tpu.memory_space<hbm>> -> memref<1x1x2x40xi32, #tpu.memory_space<hbm>>
      %dma_wait3A_113 = tpu.memref_squeeze %dma_wait3A_112 : memref<1x1x2x40xi32, #tpu.memory_space<hbm>> -> memref<2x40xi32, #tpu.memory_space<hbm>>
      tpu.wait_dma2 semaphore(%run_scoped3A_97 : memref<!tpu.dma_semaphore, #tpu.memory_space<semaphore_mem>>) src(%dma_wait3A_113 : memref<2x40xi32, #tpu.memory_space<hbm>>) dst(%arg9 : memref<2x40xi32, #tpu.memory_space<vmem>>)
      tpu.yield
    }) : () -> ()
    %dma_start3A_30 = arith.constant 0 : i32
    %dma_start3A_31 = arith.constant 0 : i32
    %dma_start3A_32 = tpu.memref_slice %arg9[%dma_start3A_30, %dma_start3A_31] : memref<2x40xi32, #tpu.memory_space<vmem>> -> memref<1x40xi32, #tpu.memory_space<vmem>>
    %dma_start3A_33 = tpu.memref_squeeze %dma_start3A_32 : memref<1x40xi32, #tpu.memory_space<vmem>> -> memref<40xi32, #tpu.memory_space<vmem>>
    %dma_start3A_34 = arith.constant 0 : i32
    %dma_start3A_35 = arith.constant 0 : i32
    %dma_start3A_36 = tpu.memref_slice %arg2[%dma_start3A_34, %dma_start3A_35] : memref<10000x128xf32, #tpu.memory_space<hbm>> -> memref<10000x128xf32, #tpu.memory_space<hbm>>
    tpu.enqueue_indirect_dma source(%dma_start3A_36 : memref<10000x128xf32, #tpu.memory_space<hbm>>) target(%arg11 : memref<40x128xf32, #tpu.memory_space<vmem>>) offsets(%dma_start3A_33 : memref<40xi32, #tpu.memory_space<vmem>>) semaphore(%arg18 : memref<!tpu.dma_semaphore, #tpu.memory_space<semaphore_mem>>)
    %dma_start3A_37 = arith.constant 1 : i32
    %dma_start3A_38 = arith.constant 0 : i32
    %dma_start3A_39 = tpu.memref_slice %arg9[%dma_start3A_37, %dma_start3A_38] : memref<2x40xi32, #tpu.memory_space<vmem>> -> memref<1x40xi32, #tpu.memory_space<vmem>>
    %dma_start3A_40 = tpu.memref_squeeze %dma_start3A_39 : memref<1x40xi32, #tpu.memory_space<vmem>> -> memref<40xi32, #tpu.memory_space<vmem>>
    %dma_start3A_41 = arith.constant 0 : i32
    %dma_start3A_42 = arith.constant 0 : i32
    %dma_start3A_43 = tpu.memref_slice %arg3[%dma_start3A_41, %dma_start3A_42] : memref<10000x128xf32, #tpu.memory_space<hbm>> -> memref<10000x128xf32, #tpu.memory_space<hbm>>
    tpu.enqueue_indirect_dma source(%dma_start3A_43 : memref<10000x128xf32, #tpu.memory_space<hbm>>) target(%arg13 : memref<40x128xf32, #tpu.memory_space<vmem>>) offsets(%dma_start3A_40 : memref<40xi32, #tpu.memory_space<vmem>>) semaphore(%arg18 : memref<!tpu.dma_semaphore, #tpu.memory_space<semaphore_mem>>)
    %add3A_44 = arith.constant 9960 : i32
    %add3A_45 = arith.addi %mul3A_2, %add3A_44 : i32
    %dma_start3A_46 = arith.constant 0 : i32
    %dma_start3A_47 = tpu.memref_slice %arg4[%add3A_45, %dma_start3A_46] : memref<320000x128xf32, #tpu.memory_space<hbm>> -> memref<40x128xf32, #tpu.memory_space<hbm>>
    %dma_start3A_48 = arith.constant 0 : i32
    %dma_start3A_49 = tpu.memref_slice %arg4[%add3A_45, %dma_start3A_48] : memref<320000x128xf32, #tpu.memory_space<hbm>> -> memref<40x128xf32, #tpu.memory_space<hbm>>
    tpu.enqueue_dma source(%dma_start3A_49 : memref<40x128xf32, #tpu.memory_space<hbm>>) target(%arg15 : memref<40x128xf32, #tpu.memory_space<vmem>>) target_semaphore(%arg18 : memref<!tpu.dma_semaphore, #tpu.memory_space<semaphore_mem>>)
    %dma_wait3A = arith.constant 0 : i32
    %dma_wait3A_50 = arith.constant 0 : i32
    %dma_wait3A_51 = tpu.memref_slice %arg8[%dma_wait3A, %dma_wait3A_50] : memref<2x40xi32, #tpu.memory_space<vmem>> -> memref<1x40xi32, #tpu.memory_space<vmem>>
    %dma_wait3A_52 = tpu.memref_squeeze %dma_wait3A_51 : memref<1x40xi32, #tpu.memory_space<vmem>> -> memref<40xi32, #tpu.memory_space<vmem>>
    %dma_wait3A_53 = arith.constant 0 : i32
    %dma_wait3A_54 = arith.constant 0 : i32
    %dma_wait3A_55 = tpu.memref_slice %arg2[%dma_wait3A_53, %dma_wait3A_54] : memref<10000x128xf32, #tpu.memory_space<hbm>> -> memref<10000x128xf32, #tpu.memory_space<hbm>>
    tpu.wait_indirect_dma semaphore(%arg17 : memref<!tpu.dma_semaphore, #tpu.memory_space<semaphore_mem>>) src(%dma_wait3A_55 : memref<10000x128xf32, #tpu.memory_space<hbm>>) dst(%arg10 : memref<40x128xf32, #tpu.memory_space<vmem>>)
    %dma_wait3A_56 = arith.constant 1 : i32
    %dma_wait3A_57 = arith.constant 0 : i32
    %dma_wait3A_58 = tpu.memref_slice %arg8[%dma_wait3A_56, %dma_wait3A_57] : memref<2x40xi32, #tpu.memory_space<vmem>> -> memref<1x40xi32, #tpu.memory_space<vmem>>
    %dma_wait3A_59 = tpu.memref_squeeze %dma_wait3A_58 : memref<1x40xi32, #tpu.memory_space<vmem>> -> memref<40xi32, #tpu.memory_space<vmem>>
    %dma_wait3A_60 = arith.constant 0 : i32
    %dma_wait3A_61 = arith.constant 0 : i32
    %dma_wait3A_62 = tpu.memref_slice %arg3[%dma_wait3A_60, %dma_wait3A_61] : memref<10000x128xf32, #tpu.memory_space<hbm>> -> memref<10000x128xf32, #tpu.memory_space<hbm>>
    tpu.wait_indirect_dma semaphore(%arg17 : memref<!tpu.dma_semaphore, #tpu.memory_space<semaphore_mem>>) src(%dma_wait3A_62 : memref<10000x128xf32, #tpu.memory_space<hbm>>) dst(%arg12 : memref<40x128xf32, #tpu.memory_space<vmem>>)
    %dma_wait3A_63 = arith.constant 0 : i32
    %dma_wait3A_64 = tpu.memref_slice %arg4[%mul3A_2, %dma_wait3A_63] : memref<320000x128xf32, #tpu.memory_space<hbm>> -> memref<40x128xf32, #tpu.memory_space<hbm>>
    %dma_wait3A_65 = arith.constant 0 : i32
    %dma_wait3A_66 = tpu.memref_slice %arg4[%mul3A_2, %dma_wait3A_65] : memref<320000x128xf32, #tpu.memory_space<hbm>> -> memref<40x128xf32, #tpu.memory_space<hbm>>
    tpu.wait_dma2 semaphore(%arg17 : memref<!tpu.dma_semaphore, #tpu.memory_space<semaphore_mem>>) src(%dma_wait3A_66 : memref<40x128xf32, #tpu.memory_space<hbm>>) dst(%arg14 : memref<40x128xf32, #tpu.memory_space<vmem>>)
    %parallel_loop3A = arith.constant 0 : i32
    %parallel_loop3A_67 = arith.constant 40 : i32
    %parallel_loop3A_68 = arith.constant 1 : i32
    scf.for %parallel_loop3A_97 = %parallel_loop3A to %parallel_loop3A_67 step %parallel_loop3A_68  : i32 {
      %parallel_loop3A_98 = arith.index_cast %parallel_loop3A_97 : i32 to index
      %parallel_loop3A_99 = arith.constant 0 : index
      %parallel_loop3A_100 = tpu.vector_load %arg10[%parallel_loop3A_98, %parallel_loop3A_99] {strides = array<i32>} : memref<40x128xf32, #tpu.memory_space<vmem>>, vector<1x16xf32>,
      %parallel_loop3A_101 = vector.shape_cast %parallel_loop3A_100 : vector<1x16xf32> to vector<16xf32>
      %parallel_loop3A_102 = arith.index_cast %parallel_loop3A_97 : i32 to index
      %parallel_loop3A_103 = arith.constant 0 : index
      %parallel_loop3A_104 = tpu.vector_load %arg12[%parallel_loop3A_102, %parallel_loop3A_103] {strides = array<i32>} : memref<40x128xf32, #tpu.memory_space<vmem>>, vector<1x16xf32>,
      %parallel_loop3A_105 = vector.shape_cast %parallel_loop3A_104 : vector<1x16xf32> to vector<16xf32>
      %parallel_loop3A_106 = arith.addf %parallel_loop3A_101, %parallel_loop3A_105 : vector<16xf32>
      %parallel_loop3A_107 = arith.index_cast %parallel_loop3A_97 : i32 to index
      %parallel_loop3A_108 = arith.constant 0 : index
      %parallel_loop3A_109 = tpu.vector_load %arg14[%parallel_loop3A_107, %parallel_loop3A_108] {strides = array<i32>} : memref<40x128xf32, #tpu.memory_space<vmem>>, vector<1x16xf32>,
      %parallel_loop3A_110 = vector.shape_cast %parallel_loop3A_109 : vector<1x16xf32> to vector<16xf32>
      %parallel_loop3A_111 = arith.addf %parallel_loop3A_106, %parallel_loop3A_110 : vector<16xf32>
      %parallel_loop3A_112 = arith.constant 0.000000e+00 : f32
      %parallel_loop3A_113 = vector.broadcast %parallel_loop3A_112 : f32 to vector<16xf32>
      %parallel_loop3A_114 = arith.maximumf %parallel_loop3A_111, %parallel_loop3A_113 : vector<16xf32>
      %parallel_loop3A_115 = arith.index_cast %parallel_loop3A_97 : i32 to index
      %parallel_loop3A_116 = arith.constant 0 : index
      %parallel_loop3A_117 = tpu.vector_load %arg14[%parallel_loop3A_115, %parallel_loop3A_116] {strides = array<i32>} : memref<40x128xf32, #tpu.memory_space<vmem>>, vector<1x16xf32>,
      %parallel_loop3A_118 = vector.shape_cast %parallel_loop3A_117 : vector<1x16xf32> to vector<16xf32>
      %parallel_loop3A_119 = vector.shape_cast %parallel_loop3A_114 : vector<16xf32> to vector<1x16xf32>
      tpu.vector_store %arg14[%parallel_loop3A_115, %parallel_loop3A_116], %parallel_loop3A_119 {strides = array<i32>} : memref<40x128xf32, #tpu.memory_space<vmem>>, vector<1x16xf32>,
      %parallel_loop3A_120 = arith.index_cast %parallel_loop3A_97 : i32 to index
      %parallel_loop3A_121 = arith.constant 16 : index
      %parallel_loop3A_122 = tpu.vector_load %arg10[%parallel_loop3A_120, %parallel_loop3A_121] {strides = array<i32>} : memref<40x128xf32, #tpu.memory_space<vmem>>, vector<1x16xf32>,
      %parallel_loop3A_123 = vector.shape_cast %parallel_loop3A_122 : vector<1x16xf32> to vector<16xf32>
      %parallel_loop3A_124 = arith.index_cast %parallel_loop3A_97 : i32 to index
      %parallel_loop3A_125 = arith.constant 16 : index
      %parallel_loop3A_126 = tpu.vector_load %arg12[%parallel_loop3A_124, %parallel_loop3A_125] {strides = array<i32>} : memref<40x128xf32, #tpu.memory_space<vmem>>, vector<1x16xf32>,
      %parallel_loop3A_127 = vector.shape_cast %parallel_loop3A_126 : vector<1x16xf32> to vector<16xf32>
      %parallel_loop3A_128 = arith.addf %parallel_loop3A_123, %parallel_loop3A_127 : vector<16xf32>
      %parallel_loop3A_129 = arith.index_cast %parallel_loop3A_97 : i32 to index
      %parallel_loop3A_130 = arith.constant 16 : index
      %parallel_loop3A_131 = tpu.vector_load %arg14[%parallel_loop3A_129, %parallel_loop3A_130] {strides = array<i32>} : memref<40x128xf32, #tpu.memory_space<vmem>>, vector<1x16xf32>,
      %parallel_loop3A_132 = vector.shape_cast %parallel_loop3A_131 : vector<1x16xf32> to vector<16xf32>
      %parallel_loop3A_133 = arith.addf %parallel_loop3A_128, %parallel_loop3A_132 : vector<16xf32>
      %parallel_loop3A_134 = arith.constant 0.000000e+00 : f32
      %parallel_loop3A_135 = vector.broadcast %parallel_loop3A_134 : f32 to vector<16xf32>
      %parallel_loop3A_136 = arith.maximumf %parallel_loop3A_133, %parallel_loop3A_135 : vector<16xf32>
      %parallel_loop3A_137 = arith.index_cast %parallel_loop3A_97 : i32 to index
      %parallel_loop3A_138 = arith.constant 16 : index
      %parallel_loop3A_139 = tpu.vector_load %arg14[%parallel_loop3A_137, %parallel_loop3A_138] {strides = array<i32>} : memref<40x128xf32, #tpu.memory_space<vmem>>, vector<1x16xf32>,
      %parallel_loop3A_140 = vector.shape_cast %parallel_loop3A_139 : vector<1x16xf32> to vector<16xf32>
      %parallel_loop3A_141 = vector.shape_cast %parallel_loop3A_136 : vector<16xf32> to vector<1x16xf32>
      tpu.vector_store %arg14[%parallel_loop3A_137, %parallel_loop3A_138], %parallel_loop3A_141 {strides = array<i32>} : memref<40x128xf32, #tpu.memory_space<vmem>>, vector<1x16xf32>,
      %parallel_loop3A_142 = arith.index_cast %parallel_loop3A_97 : i32 to index
      %parallel_loop3A_143 = arith.constant 32 : index
      %parallel_loop3A_144 = tpu.vector_load %arg10[%parallel_loop3A_142, %parallel_loop3A_143] {strides = array<i32>} : memref<40x128xf32, #tpu.memory_space<vmem>>, vector<1x16xf32>,
      %parallel_loop3A_145 = vector.shape_cast %parallel_loop3A_144 : vector<1x16xf32> to vector<16xf32>
      %parallel_loop3A_146 = arith.index_cast %parallel_loop3A_97 : i32 to index
      %parallel_loop3A_147 = arith.constant 32 : index
      %parallel_loop3A_148 = tpu.vector_load %arg12[%parallel_loop3A_146, %parallel_loop3A_147] {strides = array<i32>} : memref<40x128xf32, #tpu.memory_space<vmem>>, vector<1x16xf32>,
      %parallel_loop3A_149 = vector.shape_cast %parallel_loop3A_148 : vector<1x16xf32> to vector<16xf32>
      %parallel_loop3A_150 = arith.addf %parallel_loop3A_145, %parallel_loop3A_149 : vector<16xf32>
      %parallel_loop3A_151 = arith.index_cast %parallel_loop3A_97 : i32 to index
      %parallel_loop3A_152 = arith.constant 32 : index
      %parallel_loop3A_153 = tpu.vector_load %arg14[%parallel_loop3A_151, %parallel_loop3A_152] {strides = array<i32>} : memref<40x128xf32, #tpu.memory_space<vmem>>, vector<1x16xf32>,
      %parallel_loop3A_154 = vector.shape_cast %parallel_loop3A_153 : vector<1x16xf32> to vector<16xf32>
      %parallel_loop3A_155 = arith.addf %parallel_loop3A_150, %parallel_loop3A_154 : vector<16xf32>
      %parallel_loop3A_156 = arith.constant 0.000000e+00 : f32
      %parallel_loop3A_157 = vector.broadcast %parallel_loop3A_156 : f32 to vector<16xf32>
      %parallel_loop3A_158 = arith.maximumf %parallel_loop3A_155, %parallel_loop3A_157 : vector<16xf32>
      %parallel_loop3A_159 = arith.index_cast %parallel_loop3A_97 : i32 to index
      %parallel_loop3A_160 = arith.constant 32 : index
      %parallel_loop3A_161 = tpu.vector_load %arg14[%parallel_loop3A_159, %parallel_loop3A_160] {strides = array<i32>} : memref<40x128xf32, #tpu.memory_space<vmem>>, vector<1x16xf32>,
      %parallel_loop3A_162 = vector.shape_cast %parallel_loop3A_161 : vector<1x16xf32> to vector<16xf32>
      %parallel_loop3A_163 = vector.shape_cast %parallel_loop3A_158 : vector<16xf32> to vector<1x16xf32>
      tpu.vector_store %arg14[%parallel_loop3A_159, %parallel_loop3A_160], %parallel_loop3A_163 {strides = array<i32>} : memref<40x128xf32, #tpu.memory_space<vmem>>, vector<1x16xf32>,
      %parallel_loop3A_164 = arith.index_cast %parallel_loop3A_97 : i32 to index
      %parallel_loop3A_165 = arith.constant 48 : index
      %parallel_loop3A_166 = tpu.vector_load %arg10[%parallel_loop3A_164, %parallel_loop3A_165] {strides = array<i32>} : memref<40x128xf32, #tpu.memory_space<vmem>>, vector<1x16xf32>,
      %parallel_loop3A_167 = vector.shape_cast %parallel_loop3A_166 : vector<1x16xf32> to vector<16xf32>
      %parallel_loop3A_168 = arith.index_cast %parallel_loop3A_97 : i32 to index
      %parallel_loop3A_169 = arith.constant 48 : index
      %parallel_loop3A_170 = tpu.vector_load %arg12[%parallel_loop3A_168, %parallel_loop3A_169] {strides = array<i32>} : memref<40x128xf32, #tpu.memory_space<vmem>>, vector<1x16xf32>,
      %parallel_loop3A_171 = vector.shape_cast %parallel_loop3A_170 : vector<1x16xf32> to vector<16xf32>
      %parallel_loop3A_172 = arith.addf %parallel_loop3A_167, %parallel_loop3A_171 : vector<16xf32>
      %parallel_loop3A_173 = arith.index_cast %parallel_loop3A_97 : i32 to index
      %parallel_loop3A_174 = arith.constant 48 : index
      %parallel_loop3A_175 = tpu.vector_load %arg14[%parallel_loop3A_173, %parallel_loop3A_174] {strides = array<i32>} : memref<40x128xf32, #tpu.memory_space<vmem>>, vector<1x16xf32>,
      %parallel_loop3A_176 = vector.shape_cast %parallel_loop3A_175 : vector<1x16xf32> to vector<16xf32>
      %parallel_loop3A_177 = arith.addf %parallel_loop3A_172, %parallel_loop3A_176 : vector<16xf32>
      %parallel_loop3A_178 = arith.constant 0.000000e+00 : f32
      %parallel_loop3A_179 = vector.broadcast %parallel_loop3A_178 : f32 to vector<16xf32>
      %parallel_loop3A_180 = arith.maximumf %parallel_loop3A_177, %parallel_loop3A_179 : vector<16xf32>
      %parallel_loop3A_181 = arith.index_cast %parallel_loop3A_97 : i32 to index
      %parallel_loop3A_182 = arith.constant 48 : index
      %parallel_loop3A_183 = tpu.vector_load %arg14[%parallel_loop3A_181, %parallel_loop3A_182] {strides = array<i32>} : memref<40x128xf32, #tpu.memory_space<vmem>>, vector<1x16xf32>,
      %parallel_loop3A_184 = vector.shape_cast %parallel_loop3A_183 : vector<1x16xf32> to vector<16xf32>
      %parallel_loop3A_185 = vector.shape_cast %parallel_loop3A_180 : vector<16xf32> to vector<1x16xf32>
      tpu.vector_store %arg14[%parallel_loop3A_181, %parallel_loop3A_182], %parallel_loop3A_185 {strides = array<i32>} : memref<40x128xf32, #tpu.memory_space<vmem>>, vector<1x16xf32>,
      %parallel_loop3A_186 = arith.index_cast %parallel_loop3A_97 : i32 to index
      %parallel_loop3A_187 = arith.constant 64 : index
      %parallel_loop3A_188 = tpu.vector_load %arg10[%parallel_loop3A_186, %parallel_loop3A_187] {strides = array<i32>} : memref<40x128xf32, #tpu.memory_space<vmem>>, vector<1x16xf32>,
      %parallel_loop3A_189 = vector.shape_cast %parallel_loop3A_188 : vector<1x16xf32> to vector<16xf32>
      %parallel_loop3A_190 = arith.index_cast %parallel_loop3A_97 : i32 to index
      %parallel_loop3A_191 = arith.constant 64 : index
      %parallel_loop3A_192 = tpu.vector_load %arg12[%parallel_loop3A_190, %parallel_loop3A_191] {strides = array<i32>} : memref<40x128xf32, #tpu.memory_space<vmem>>, vector<1x16xf32>,
      %parallel_loop3A_193 = vector.shape_cast %parallel_loop3A_192 : vector<1x16xf32> to vector<16xf32>
      %parallel_loop3A_194 = arith.addf %parallel_loop3A_189, %parallel_loop3A_193 : vector<16xf32>
      %parallel_loop3A_195 = arith.index_cast %parallel_loop3A_97 : i32 to index
      %parallel_loop3A_196 = arith.constant 64 : index
      %parallel_loop3A_197 = tpu.vector_load %arg14[%parallel_loop3A_195, %parallel_loop3A_196] {strides = array<i32>} : memref<40x128xf32, #tpu.memory_space<vmem>>, vector<1x16xf32>,
      %parallel_loop3A_198 = vector.shape_cast %parallel_loop3A_197 : vector<1x16xf32> to vector<16xf32>
      %parallel_loop3A_199 = arith.addf %parallel_loop3A_194, %parallel_loop3A_198 : vector<16xf32>
      %parallel_loop3A_200 = arith.constant 0.000000e+00 : f32
      %parallel_loop3A_201 = vector.broadcast %parallel_loop3A_200 : f32 to vector<16xf32>
      %parallel_loop3A_202 = arith.maximumf %parallel_loop3A_199, %parallel_loop3A_201 : vector<16xf32>
      %parallel_loop3A_203 = arith.index_cast %parallel_loop3A_97 : i32 to index
      %parallel_loop3A_204 = arith.constant 64 : index
      %parallel_loop3A_205 = tpu.vector_load %arg14[%parallel_loop3A_203, %parallel_loop3A_204] {strides = array<i32>} : memref<40x128xf32, #tpu.memory_space<vmem>>, vector<1x16xf32>,
      %parallel_loop3A_206 = vector.shape_cast %parallel_loop3A_205 : vector<1x16xf32> to vector<16xf32>
      %parallel_loop3A_207 = vector.shape_cast %parallel_loop3A_202 : vector<16xf32> to vector<1x16xf32>
      tpu.vector_store %arg14[%parallel_loop3A_203, %parallel_loop3A_204], %parallel_loop3A_207 {strides = array<i32>} : memref<40x128xf32, #tpu.memory_space<vmem>>, vector<1x16xf32>,
      %parallel_loop3A_208 = arith.index_cast %parallel_loop3A_97 : i32 to index
      %parallel_loop3A_209 = arith.constant 80 : index
      %parallel_loop3A_210 = tpu.vector_load %arg10[%parallel_loop3A_208, %parallel_loop3A_209] {strides = array<i32>} : memref<40x128xf32, #tpu.memory_space<vmem>>, vector<1x16xf32>,
      %parallel_loop3A_211 = vector.shape_cast %parallel_loop3A_210 : vector<1x16xf32> to vector<16xf32>
      %parallel_loop3A_212 = arith.index_cast %parallel_loop3A_97 : i32 to index
      %parallel_loop3A_213 = arith.constant 80 : index
      %parallel_loop3A_214 = tpu.vector_load %arg12[%parallel_loop3A_212, %parallel_loop3A_213] {strides = array<i32>} : memref<40x128xf32, #tpu.memory_space<vmem>>, vector<1x16xf32>,
      %parallel_loop3A_215 = vector.shape_cast %parallel_loop3A_214 : vector<1x16xf32> to vector<16xf32>
      %parallel_loop3A_216 = arith.addf %parallel_loop3A_211, %parallel_loop3A_215 : vector<16xf32>
      %parallel_loop3A_217 = arith.index_cast %parallel_loop3A_97 : i32 to index
      %parallel_loop3A_218 = arith.constant 80 : index
      %parallel_loop3A_219 = tpu.vector_load %arg14[%parallel_loop3A_217, %parallel_loop3A_218] {strides = array<i32>} : memref<40x128xf32, #tpu.memory_space<vmem>>, vector<1x16xf32>,
      %parallel_loop3A_220 = vector.shape_cast %parallel_loop3A_219 : vector<1x16xf32> to vector<16xf32>
      %parallel_loop3A_221 = arith.addf %parallel_loop3A_216, %parallel_loop3A_220 : vector<16xf32>
      %parallel_loop3A_222 = arith.constant 0.000000e+00 : f32
      %parallel_loop3A_223 = vector.broadcast %parallel_loop3A_222 : f32 to vector<16xf32>
      %parallel_loop3A_224 = arith.maximumf %parallel_loop3A_221, %parallel_loop3A_223 : vector<16xf32>
      %parallel_loop3A_225 = arith.index_cast %parallel_loop3A_97 : i32 to index
      %parallel_loop3A_226 = arith.constant 80 : index
      %parallel_loop3A_227 = tpu.vector_load %arg14[%parallel_loop3A_225, %parallel_loop3A_226] {strides = array<i32>} : memref<40x128xf32, #tpu.memory_space<vmem>>, vector<1x16xf32>,
      %parallel_loop3A_228 = vector.shape_cast %parallel_loop3A_227 : vector<1x16xf32> to vector<16xf32>
      %parallel_loop3A_229 = vector.shape_cast %parallel_loop3A_224 : vector<16xf32> to vector<1x16xf32>
      tpu.vector_store %arg14[%parallel_loop3A_225, %parallel_loop3A_226], %parallel_loop3A_229 {strides = array<i32>} : memref<40x128xf32, #tpu.memory_space<vmem>>, vector<1x16xf32>,
      %parallel_loop3A_230 = arith.index_cast %parallel_loop3A_97 : i32 to index
      %parallel_loop3A_231 = arith.constant 96 : index
      %parallel_loop3A_232 = tpu.vector_load %arg10[%parallel_loop3A_230, %parallel_loop3A_231] {strides = array<i32>} : memref<40x128xf32, #tpu.memory_space<vmem>>, vector<1x16xf32>,
      %parallel_loop3A_233 = vector.shape_cast %parallel_loop3A_232 : vector<1x16xf32> to vector<16xf32>
      %parallel_loop3A_234 = arith.index_cast %parallel_loop3A_97 : i32 to index
      %parallel_loop3A_235 = arith.constant 96 : index
      %parallel_loop3A_236 = tpu.vector_load %arg12[%parallel_loop3A_234, %parallel_loop3A_235] {strides = array<i32>} : memref<40x128xf32, #tpu.memory_space<vmem>>, vector<1x16xf32>,
      %parallel_loop3A_237 = vector.shape_cast %parallel_loop3A_236 : vector<1x16xf32> to vector<16xf32>
      %parallel_loop3A_238 = arith.addf %parallel_loop3A_233, %parallel_loop3A_237 : vector<16xf32>
      %parallel_loop3A_239 = arith.index_cast %parallel_loop3A_97 : i32 to index
      %parallel_loop3A_240 = arith.constant 96 : index
      %parallel_loop3A_241 = tpu.vector_load %arg14[%parallel_loop3A_239, %parallel_loop3A_240] {strides = array<i32>} : memref<40x128xf32, #tpu.memory_space<vmem>>, vector<1x16xf32>,
      %parallel_loop3A_242 = vector.shape_cast %parallel_loop3A_241 : vector<1x16xf32> to vector<16xf32>
      %parallel_loop3A_243 = arith.addf %parallel_loop3A_238, %parallel_loop3A_242 : vector<16xf32>
      %parallel_loop3A_244 = arith.constant 0.000000e+00 : f32
      %parallel_loop3A_245 = vector.broadcast %parallel_loop3A_244 : f32 to vector<16xf32>
      %parallel_loop3A_246 = arith.maximumf %parallel_loop3A_243, %parallel_loop3A_245 : vector<16xf32>
      %parallel_loop3A_247 = arith.index_cast %parallel_loop3A_97 : i32 to index
      %parallel_loop3A_248 = arith.constant 96 : index
      %parallel_loop3A_249 = tpu.vector_load %arg14[%parallel_loop3A_247, %parallel_loop3A_248] {strides = array<i32>} : memref<40x128xf32, #tpu.memory_space<vmem>>, vector<1x16xf32>,
      %parallel_loop3A_250 = vector.shape_cast %parallel_loop3A_249 : vector<1x16xf32> to vector<16xf32>
      %parallel_loop3A_251 = vector.shape_cast %parallel_loop3A_246 : vector<16xf32> to vector<1x16xf32>
      tpu.vector_store %arg14[%parallel_loop3A_247, %parallel_loop3A_248], %parallel_loop3A_251 {strides = array<i32>} : memref<40x128xf32, #tpu.memory_space<vmem>>, vector<1x16xf32>,
      %parallel_loop3A_252 = arith.index_cast %parallel_loop3A_97 : i32 to index
      %parallel_loop3A_253 = arith.constant 112 : index
      %parallel_loop3A_254 = tpu.vector_load %arg10[%parallel_loop3A_252, %parallel_loop3A_253] {strides = array<i32>} : memref<40x128xf32, #tpu.memory_space<vmem>>, vector<1x16xf32>,
      %parallel_loop3A_255 = vector.shape_cast %parallel_loop3A_254 : vector<1x16xf32> to vector<16xf32>
      %parallel_loop3A_256 = arith.index_cast %parallel_loop3A_97 : i32 to index
      %parallel_loop3A_257 = arith.constant 112 : index
      %parallel_loop3A_258 = tpu.vector_load %arg12[%parallel_loop3A_256, %parallel_loop3A_257] {strides = array<i32>} : memref<40x128xf32, #tpu.memory_space<vmem>>, vector<1x16xf32>,
      %parallel_loop3A_259 = vector.shape_cast %parallel_loop3A_258 : vector<1x16xf32> to vector<16xf32>
      %parallel_loop3A_260 = arith.addf %parallel_loop3A_255, %parallel_loop3A_259 : vector<16xf32>
      %parallel_loop3A_261 = arith.index_cast %parallel_loop3A_97 : i32 to index
      %parallel_loop3A_262 = arith.constant 112 : index
      %parallel_loop3A_263 = tpu.vector_load %arg14[%parallel_loop3A_261, %parallel_loop3A_262] {strides = array<i32>} : memref<40x128xf32, #tpu.memory_space<vmem>>, vector<1x16xf32>,
      %parallel_loop3A_264 = vector.shape_cast %parallel_loop3A_263 : vector<1x16xf32> to vector<16xf32>
      %parallel_loop3A_265 = arith.addf %parallel_loop3A_260, %parallel_loop3A_264 : vector<16xf32>
      %parallel_loop3A_266 = arith.constant 0.000000e+00 : f32
      %parallel_loop3A_267 = vector.broadcast %parallel_loop3A_266 : f32 to vector<16xf32>
      %parallel_loop3A_268 = arith.maximumf %parallel_loop3A_265, %parallel_loop3A_267 : vector<16xf32>
      %parallel_loop3A_269 = arith.index_cast %parallel_loop3A_97 : i32 to index
      %parallel_loop3A_270 = arith.constant 112 : index
      %parallel_loop3A_271 = tpu.vector_load %arg14[%parallel_loop3A_269, %parallel_loop3A_270] {strides = array<i32>} : memref<40x128xf32, #tpu.memory_space<vmem>>, vector<1x16xf32>,
      %parallel_loop3A_272 = vector.shape_cast %parallel_loop3A_271 : vector<1x16xf32> to vector<16xf32>
      %parallel_loop3A_273 = vector.shape_cast %parallel_loop3A_268 : vector<16xf32> to vector<1x16xf32>
      tpu.vector_store %arg14[%parallel_loop3A_269, %parallel_loop3A_270], %parallel_loop3A_273 {strides = array<i32>} : memref<40x128xf32, #tpu.memory_space<vmem>>, vector<1x16xf32>,
    } {sc.loop_unroll_factor = 1 : i64, sc.parallel_access}
    %run_scoped3A_69 = arith.constant 0 : i32
    "tpu.region"() ({
      %run_scoped3A_97 = tpu.sem_alloc : memref<!tpu.dma_semaphore, #tpu.memory_space<semaphore_mem>>
      %dma_start3A_98 = arith.constant 0 : i32
      %dma_start3A_99 = tpu.memref_slice %arg8[%run_scoped3A_69, %dma_start3A_98] : memref<2x40xi32, #tpu.memory_space<vmem>> -> memref<1x40xi32, #tpu.memory_space<vmem>>
      %dma_start3A_100 = tpu.memref_squeeze %dma_start3A_99 : memref<1x40xi32, #tpu.memory_space<vmem>> -> memref<40xi32, #tpu.memory_space<vmem>>
      %dma_start3A_101 = arith.constant 0 : i32
      %dma_start3A_102 = arith.constant 0 : i32
      %dma_start3A_103 = tpu.memref_slice %arg16[%dma_start3A_101, %dma_start3A_102] : memref<10112x128xf32, #tpu.memory_space<vmem_shared>> -> memref<10112x128xf32, #tpu.memory_space<vmem_shared>>
      tpu.enqueue_indirect_dma source(%arg14 : memref<40x128xf32, #tpu.memory_space<vmem>>) target(%dma_start3A_103 : memref<10112x128xf32, #tpu.memory_space<vmem_shared>>) offsets(%dma_start3A_100 : memref<40xi32, #tpu.memory_space<vmem>>) semaphore(%run_scoped3A_97 : memref<!tpu.dma_semaphore, #tpu.memory_space<semaphore_mem>>) {add = true}
      %dma_wait3A_104 = arith.constant 0 : i32
      %dma_wait3A_105 = tpu.memref_slice %arg8[%run_scoped3A_69, %dma_wait3A_104] : memref<2x40xi32, #tpu.memory_space<vmem>> -> memref<1x40xi32, #tpu.memory_space<vmem>>
      %dma_wait3A_106 = tpu.memref_squeeze %dma_wait3A_105 : memref<1x40xi32, #tpu.memory_space<vmem>> -> memref<40xi32, #tpu.memory_space<vmem>>
      %dma_wait3A_107 = arith.constant 0 : i32
      %dma_wait3A_108 = arith.constant 0 : i32
      %dma_wait3A_109 = tpu.memref_slice %arg16[%dma_wait3A_107, %dma_wait3A_108] : memref<10112x128xf32, #tpu.memory_space<vmem_shared>> -> memref<10112x128xf32, #tpu.memory_space<vmem_shared>>
      tpu.wait_indirect_dma semaphore(%run_scoped3A_97 : memref<!tpu.dma_semaphore, #tpu.memory_space<semaphore_mem>>) src(%arg14 : memref<40x128xf32, #tpu.memory_space<vmem>>) dst(%dma_wait3A_109 : memref<10112x128xf32, #tpu.memory_space<vmem_shared>>)
      tpu.yield
    }) : () -> ()
    %dma_wait3A_70 = arith.constant 0 : i32
    %dma_wait3A_71 = arith.constant 0 : i32
    %dma_wait3A_72 = tpu.memref_slice %arg9[%dma_wait3A_70, %dma_wait3A_71] : memref<2x40xi32, #tpu.memory_space<vmem>> -> memref<1x40xi32, #tpu.memory_space<vmem>>
    %dma_wait3A_73 = tpu.memref_squeeze %dma_wait3A_72 : memref<1x40xi32, #tpu.memory_space<vmem>> -> memref<40xi32, #tpu.memory_space<vmem>>
    %dma_wait3A_74 = arith.constant 0 : i32
    %dma_wait3A_75 = arith.constant 0 : i32
    %dma_wait3A_76 = tpu.memref_slice %arg2[%dma_wait3A_74, %dma_wait3A_75] : memref<10000x128xf32, #tpu.memory_space<hbm>> -> memref<10000x128xf32, #tpu.memory_space<hbm>>
    tpu.wait_indirect_dma semaphore(%arg18 : memref<!tpu.dma_semaphore, #tpu.memory_space<semaphore_mem>>) src(%dma_wait3A_76 : memref<10000x128xf32, #tpu.memory_space<hbm>>) dst(%arg11 : memref<40x128xf32, #tpu.memory_space<vmem>>)
    %dma_wait3A_77 = arith.constant 1 : i32
    %dma_wait3A_78 = arith.constant 0 : i32
    %dma_wait3A_79 = tpu.memref_slice %arg9[%dma_wait3A_77, %dma_wait3A_78] : memref<2x40xi32, #tpu.memory_space<vmem>> -> memref<1x40xi32, #tpu.memory_space<vmem>>
    %dma_wait3A_80 = tpu.memref_squeeze %dma_wait3A_79 : memref<1x40xi32, #tpu.memory_space<vmem>> -> memref<40xi32, #tpu.memory_space<vmem>>
    %dma_wait3A_81 = arith.constant 0 : i32
    %dma_wait3A_82 = arith.constant 0 : i32
    %dma_wait3A_83 = tpu.memref_slice %arg3[%dma_wait3A_81, %dma_wait3A_82] : memref<10000x128xf32, #tpu.memory_space<hbm>> -> memref<10000x128xf32, #tpu.memory_space<hbm>>
    tpu.wait_indirect_dma semaphore(%arg18 : memref<!tpu.dma_semaphore, #tpu.memory_space<semaphore_mem>>) src(%dma_wait3A_83 : memref<10000x128xf32, #tpu.memory_space<hbm>>) dst(%arg13 : memref<40x128xf32, #tpu.memory_space<vmem>>)
    %dma_wait3A_84 = arith.constant 0 : i32
    %dma_wait3A_85 = tpu.memref_slice %arg4[%mul3A_2, %dma_wait3A_84] : memref<320000x128xf32, #tpu.memory_space<hbm>> -> memref<40x128xf32, #tpu.memory_space<hbm>>
    %dma_wait3A_86 = arith.constant 0 : i32
    %dma_wait3A_87 = tpu.memref_slice %arg4[%mul3A_2, %dma_wait3A_86] : memref<320000x128xf32, #tpu.memory_space<hbm>> -> memref<40x128xf32, #tpu.memory_space<hbm>>
    tpu.wait_dma2 semaphore(%arg18 : memref<!tpu.dma_semaphore, #tpu.memory_space<semaphore_mem>>) src(%dma_wait3A_87 : memref<40x128xf32, #tpu.memory_space<hbm>>) dst(%arg15 : memref<40x128xf32, #tpu.memory_space<vmem>>)
    %parallel_loop3A_88 = arith.constant 0 : i32
    %parallel_loop3A_89 = arith.constant 40 : i32
    %parallel_loop3A_90 = arith.constant 1 : i32
    scf.for %parallel_loop3A_97 = %parallel_loop3A_88 to %parallel_loop3A_89 step %parallel_loop3A_90  : i32 {
      %parallel_loop3A_98 = arith.index_cast %parallel_loop3A_97 : i32 to index
      %parallel_loop3A_99 = arith.constant 0 : index
      %parallel_loop3A_100 = tpu.vector_load %arg11[%parallel_loop3A_98, %parallel_loop3A_99] {strides = array<i32>} : memref<40x128xf32, #tpu.memory_space<vmem>>, vector<1x16xf32>,
      %parallel_loop3A_101 = vector.shape_cast %parallel_loop3A_100 : vector<1x16xf32> to vector<16xf32>
      %parallel_loop3A_102 = arith.index_cast %parallel_loop3A_97 : i32 to index
      %parallel_loop3A_103 = arith.constant 0 : index
      %parallel_loop3A_104 = tpu.vector_load %arg13[%parallel_loop3A_102, %parallel_loop3A_103] {strides = array<i32>} : memref<40x128xf32, #tpu.memory_space<vmem>>, vector<1x16xf32>,
      %parallel_loop3A_105 = vector.shape_cast %parallel_loop3A_104 : vector<1x16xf32> to vector<16xf32>
      %parallel_loop3A_106 = arith.addf %parallel_loop3A_101, %parallel_loop3A_105 : vector<16xf32>
      %parallel_loop3A_107 = arith.index_cast %parallel_loop3A_97 : i32 to index
      %parallel_loop3A_108 = arith.constant 0 : index
      %parallel_loop3A_109 = tpu.vector_load %arg15[%parallel_loop3A_107, %parallel_loop3A_108] {strides = array<i32>} : memref<40x128xf32, #tpu.memory_space<vmem>>, vector<1x16xf32>,
      %parallel_loop3A_110 = vector.shape_cast %parallel_loop3A_109 : vector<1x16xf32> to vector<16xf32>
      %parallel_loop3A_111 = arith.addf %parallel_loop3A_106, %parallel_loop3A_110 : vector<16xf32>
      %parallel_loop3A_112 = arith.constant 0.000000e+00 : f32
      %parallel_loop3A_113 = vector.broadcast %parallel_loop3A_112 : f32 to vector<16xf32>
      %parallel_loop3A_114 = arith.maximumf %parallel_loop3A_111, %parallel_loop3A_113 : vector<16xf32>
      %parallel_loop3A_115 = arith.index_cast %parallel_loop3A_97 : i32 to index
      %parallel_loop3A_116 = arith.constant 0 : index
      %parallel_loop3A_117 = tpu.vector_load %arg15[%parallel_loop3A_115, %parallel_loop3A_116] {strides = array<i32>} : memref<40x128xf32, #tpu.memory_space<vmem>>, vector<1x16xf32>,
      %parallel_loop3A_118 = vector.shape_cast %parallel_loop3A_117 : vector<1x16xf32> to vector<16xf32>
      %parallel_loop3A_119 = vector.shape_cast %parallel_loop3A_114 : vector<16xf32> to vector<1x16xf32>
      tpu.vector_store %arg15[%parallel_loop3A_115, %parallel_loop3A_116], %parallel_loop3A_119 {strides = array<i32>} : memref<40x128xf32, #tpu.memory_space<vmem>>, vector<1x16xf32>,
      %parallel_loop3A_120 = arith.index_cast %parallel_loop3A_97 : i32 to index
      %parallel_loop3A_121 = arith.constant 16 : index
      %parallel_loop3A_122 = tpu.vector_load %arg11[%parallel_loop3A_120, %parallel_loop3A_121] {strides = array<i32>} : memref<40x128xf32, #tpu.memory_space<vmem>>, vector<1x16xf32>,
      %parallel_loop3A_123 = vector.shape_cast %parallel_loop3A_122 : vector<1x16xf32> to vector<16xf32>
      %parallel_loop3A_124 = arith.index_cast %parallel_loop3A_97 : i32 to index
      %parallel_loop3A_125 = arith.constant 16 : index
      %parallel_loop3A_126 = tpu.vector_load %arg13[%parallel_loop3A_124, %parallel_loop3A_125] {strides = array<i32>} : memref<40x128xf32, #tpu.memory_space<vmem>>, vector<1x16xf32>,
      %parallel_loop3A_127 = vector.shape_cast %parallel_loop3A_126 : vector<1x16xf32> to vector<16xf32>
      %parallel_loop3A_128 = arith.addf %parallel_loop3A_123, %parallel_loop3A_127 : vector<16xf32>
      %parallel_loop3A_129 = arith.index_cast %parallel_loop3A_97 : i32 to index
      %parallel_loop3A_130 = arith.constant 16 : index
      %parallel_loop3A_131 = tpu.vector_load %arg15[%parallel_loop3A_129, %parallel_loop3A_130] {strides = array<i32>} : memref<40x128xf32, #tpu.memory_space<vmem>>, vector<1x16xf32>,
      %parallel_loop3A_132 = vector.shape_cast %parallel_loop3A_131 : vector<1x16xf32> to vector<16xf32>
      %parallel_loop3A_133 = arith.addf %parallel_loop3A_128, %parallel_loop3A_132 : vector<16xf32>
      %parallel_loop3A_134 = arith.constant 0.000000e+00 : f32
      %parallel_loop3A_135 = vector.broadcast %parallel_loop3A_134 : f32 to vector<16xf32>
      %parallel_loop3A_136 = arith.maximumf %parallel_loop3A_133, %parallel_loop3A_135 : vector<16xf32>
      %parallel_loop3A_137 = arith.index_cast %parallel_loop3A_97 : i32 to index
      %parallel_loop3A_138 = arith.constant 16 : index
      %parallel_loop3A_139 = tpu.vector_load %arg15[%parallel_loop3A_137, %parallel_loop3A_138] {strides = array<i32>} : memref<40x128xf32, #tpu.memory_space<vmem>>, vector<1x16xf32>,
      %parallel_loop3A_140 = vector.shape_cast %parallel_loop3A_139 : vector<1x16xf32> to vector<16xf32>
      %parallel_loop3A_141 = vector.shape_cast %parallel_loop3A_136 : vector<16xf32> to vector<1x16xf32>
      tpu.vector_store %arg15[%parallel_loop3A_137, %parallel_loop3A_138], %parallel_loop3A_141 {strides = array<i32>} : memref<40x128xf32, #tpu.memory_space<vmem>>, vector<1x16xf32>,
      %parallel_loop3A_142 = arith.index_cast %parallel_loop3A_97 : i32 to index
      %parallel_loop3A_143 = arith.constant 32 : index
      %parallel_loop3A_144 = tpu.vector_load %arg11[%parallel_loop3A_142, %parallel_loop3A_143] {strides = array<i32>} : memref<40x128xf32, #tpu.memory_space<vmem>>, vector<1x16xf32>,
      %parallel_loop3A_145 = vector.shape_cast %parallel_loop3A_144 : vector<1x16xf32> to vector<16xf32>
      %parallel_loop3A_146 = arith.index_cast %parallel_loop3A_97 : i32 to index
      %parallel_loop3A_147 = arith.constant 32 : index
      %parallel_loop3A_148 = tpu.vector_load %arg13[%parallel_loop3A_146, %parallel_loop3A_147] {strides = array<i32>} : memref<40x128xf32, #tpu.memory_space<vmem>>, vector<1x16xf32>,
      %parallel_loop3A_149 = vector.shape_cast %parallel_loop3A_148 : vector<1x16xf32> to vector<16xf32>
      %parallel_loop3A_150 = arith.addf %parallel_loop3A_145, %parallel_loop3A_149 : vector<16xf32>
      %parallel_loop3A_151 = arith.index_cast %parallel_loop3A_97 : i32 to index
      %parallel_loop3A_152 = arith.constant 32 : index
      %parallel_loop3A_153 = tpu.vector_load %arg15[%parallel_loop3A_151, %parallel_loop3A_152] {strides = array<i32>} : memref<40x128xf32, #tpu.memory_space<vmem>>, vector<1x16xf32>,
      %parallel_loop3A_154 = vector.shape_cast %parallel_loop3A_153 : vector<1x16xf32> to vector<16xf32>
      %parallel_loop3A_155 = arith.addf %parallel_loop3A_150, %parallel_loop3A_154 : vector<16xf32>
      %parallel_loop3A_156 = arith.constant 0.000000e+00 : f32
      %parallel_loop3A_157 = vector.broadcast %parallel_loop3A_156 : f32 to vector<16xf32>
      %parallel_loop3A_158 = arith.maximumf %parallel_loop3A_155, %parallel_loop3A_157 : vector<16xf32>
      %parallel_loop3A_159 = arith.index_cast %parallel_loop3A_97 : i32 to index
      %parallel_loop3A_160 = arith.constant 32 : index
      %parallel_loop3A_161 = tpu.vector_load %arg15[%parallel_loop3A_159, %parallel_loop3A_160] {strides = array<i32>} : memref<40x128xf32, #tpu.memory_space<vmem>>, vector<1x16xf32>,
      %parallel_loop3A_162 = vector.shape_cast %parallel_loop3A_161 : vector<1x16xf32> to vector<16xf32>
      %parallel_loop3A_163 = vector.shape_cast %parallel_loop3A_158 : vector<16xf32> to vector<1x16xf32>
      tpu.vector_store %arg15[%parallel_loop3A_159, %parallel_loop3A_160], %parallel_loop3A_163 {strides = array<i32>} : memref<40x128xf32, #tpu.memory_space<vmem>>, vector<1x16xf32>,
      %parallel_loop3A_164 = arith.index_cast %parallel_loop3A_97 : i32 to index
      %parallel_loop3A_165 = arith.constant 48 : index
      %parallel_loop3A_166 = tpu.vector_load %arg11[%parallel_loop3A_164, %parallel_loop3A_165] {strides = array<i32>} : memref<40x128xf32, #tpu.memory_space<vmem>>, vector<1x16xf32>,
      %parallel_loop3A_167 = vector.shape_cast %parallel_loop3A_166 : vector<1x16xf32> to vector<16xf32>
      %parallel_loop3A_168 = arith.index_cast %parallel_loop3A_97 : i32 to index
      %parallel_loop3A_169 = arith.constant 48 : index
      %parallel_loop3A_170 = tpu.vector_load %arg13[%parallel_loop3A_168, %parallel_loop3A_169] {strides = array<i32>} : memref<40x128xf32, #tpu.memory_space<vmem>>, vector<1x16xf32>,
      %parallel_loop3A_171 = vector.shape_cast %parallel_loop3A_170 : vector<1x16xf32> to vector<16xf32>
      %parallel_loop3A_172 = arith.addf %parallel_loop3A_167, %parallel_loop3A_171 : vector<16xf32>
      %parallel_loop3A_173 = arith.index_cast %parallel_loop3A_97 : i32 to index
      %parallel_loop3A_174 = arith.constant 48 : index
      %parallel_loop3A_175 = tpu.vector_load %arg15[%parallel_loop3A_173, %parallel_loop3A_174] {strides = array<i32>} : memref<40x128xf32, #tpu.memory_space<vmem>>, vector<1x16xf32>,
      %parallel_loop3A_176 = vector.shape_cast %parallel_loop3A_175 : vector<1x16xf32> to vector<16xf32>
      %parallel_loop3A_177 = arith.addf %parallel_loop3A_172, %parallel_loop3A_176 : vector<16xf32>
      %parallel_loop3A_178 = arith.constant 0.000000e+00 : f32
      %parallel_loop3A_179 = vector.broadcast %parallel_loop3A_178 : f32 to vector<16xf32>
      %parallel_loop3A_180 = arith.maximumf %parallel_loop3A_177, %parallel_loop3A_179 : vector<16xf32>
      %parallel_loop3A_181 = arith.index_cast %parallel_loop3A_97 : i32 to index
      %parallel_loop3A_182 = arith.constant 48 : index
      %parallel_loop3A_183 = tpu.vector_load %arg15[%parallel_loop3A_181, %parallel_loop3A_182] {strides = array<i32>} : memref<40x128xf32, #tpu.memory_space<vmem>>, vector<1x16xf32>,
      %parallel_loop3A_184 = vector.shape_cast %parallel_loop3A_183 : vector<1x16xf32> to vector<16xf32>
      %parallel_loop3A_185 = vector.shape_cast %parallel_loop3A_180 : vector<16xf32> to vector<1x16xf32>
      tpu.vector_store %arg15[%parallel_loop3A_181, %parallel_loop3A_182], %parallel_loop3A_185 {strides = array<i32>} : memref<40x128xf32, #tpu.memory_space<vmem>>, vector<1x16xf32>,
      %parallel_loop3A_186 = arith.index_cast %parallel_loop3A_97 : i32 to index
      %parallel_loop3A_187 = arith.constant 64 : index
      %parallel_loop3A_188 = tpu.vector_load %arg11[%parallel_loop3A_186, %parallel_loop3A_187] {strides = array<i32>} : memref<40x128xf32, #tpu.memory_space<vmem>>, vector<1x16xf32>,
      %parallel_loop3A_189 = vector.shape_cast %parallel_loop3A_188 : vector<1x16xf32> to vector<16xf32>
      %parallel_loop3A_190 = arith.index_cast %parallel_loop3A_97 : i32 to index
      %parallel_loop3A_191 = arith.constant 64 : index
      %parallel_loop3A_192 = tpu.vector_load %arg13[%parallel_loop3A_190, %parallel_loop3A_191] {strides = array<i32>} : memref<40x128xf32, #tpu.memory_space<vmem>>, vector<1x16xf32>,
      %parallel_loop3A_193 = vector.shape_cast %parallel_loop3A_192 : vector<1x16xf32> to vector<16xf32>
      %parallel_loop3A_194 = arith.addf %parallel_loop3A_189, %parallel_loop3A_193 : vector<16xf32>
      %parallel_loop3A_195 = arith.index_cast %parallel_loop3A_97 : i32 to index
      %parallel_loop3A_196 = arith.constant 64 : index
      %parallel_loop3A_197 = tpu.vector_load %arg15[%parallel_loop3A_195, %parallel_loop3A_196] {strides = array<i32>} : memref<40x128xf32, #tpu.memory_space<vmem>>, vector<1x16xf32>,
      %parallel_loop3A_198 = vector.shape_cast %parallel_loop3A_197 : vector<1x16xf32> to vector<16xf32>
      %parallel_loop3A_199 = arith.addf %parallel_loop3A_194, %parallel_loop3A_198 : vector<16xf32>
      %parallel_loop3A_200 = arith.constant 0.000000e+00 : f32
      %parallel_loop3A_201 = vector.broadcast %parallel_loop3A_200 : f32 to vector<16xf32>
      %parallel_loop3A_202 = arith.maximumf %parallel_loop3A_199, %parallel_loop3A_201 : vector<16xf32>
      %parallel_loop3A_203 = arith.index_cast %parallel_loop3A_97 : i32 to index
      %parallel_loop3A_204 = arith.constant 64 : index
      %parallel_loop3A_205 = tpu.vector_load %arg15[%parallel_loop3A_203, %parallel_loop3A_204] {strides = array<i32>} : memref<40x128xf32, #tpu.memory_space<vmem>>, vector<1x16xf32>,
      %parallel_loop3A_206 = vector.shape_cast %parallel_loop3A_205 : vector<1x16xf32> to vector<16xf32>
      %parallel_loop3A_207 = vector.shape_cast %parallel_loop3A_202 : vector<16xf32> to vector<1x16xf32>
      tpu.vector_store %arg15[%parallel_loop3A_203, %parallel_loop3A_204], %parallel_loop3A_207 {strides = array<i32>} : memref<40x128xf32, #tpu.memory_space<vmem>>, vector<1x16xf32>,
      %parallel_loop3A_208 = arith.index_cast %parallel_loop3A_97 : i32 to index
      %parallel_loop3A_209 = arith.constant 80 : index
      %parallel_loop3A_210 = tpu.vector_load %arg11[%parallel_loop3A_208, %parallel_loop3A_209] {strides = array<i32>} : memref<40x128xf32, #tpu.memory_space<vmem>>, vector<1x16xf32>,
      %parallel_loop3A_211 = vector.shape_cast %parallel_loop3A_210 : vector<1x16xf32> to vector<16xf32>
      %parallel_loop3A_212 = arith.index_cast %parallel_loop3A_97 : i32 to index
      %parallel_loop3A_213 = arith.constant 80 : index
      %parallel_loop3A_214 = tpu.vector_load %arg13[%parallel_loop3A_212, %parallel_loop3A_213] {strides = array<i32>} : memref<40x128xf32, #tpu.memory_space<vmem>>, vector<1x16xf32>,
      %parallel_loop3A_215 = vector.shape_cast %parallel_loop3A_214 : vector<1x16xf32> to vector<16xf32>
      %parallel_loop3A_216 = arith.addf %parallel_loop3A_211, %parallel_loop3A_215 : vector<16xf32>
      %parallel_loop3A_217 = arith.index_cast %parallel_loop3A_97 : i32 to index
      %parallel_loop3A_218 = arith.constant 80 : index
      %parallel_loop3A_219 = tpu.vector_load %arg15[%parallel_loop3A_217, %parallel_loop3A_218] {strides = array<i32>} : memref<40x128xf32, #tpu.memory_space<vmem>>, vector<1x16xf32>,
      %parallel_loop3A_220 = vector.shape_cast %parallel_loop3A_219 : vector<1x16xf32> to vector<16xf32>
      %parallel_loop3A_221 = arith.addf %parallel_loop3A_216, %parallel_loop3A_220 : vector<16xf32>
      %parallel_loop3A_222 = arith.constant 0.000000e+00 : f32
      %parallel_loop3A_223 = vector.broadcast %parallel_loop3A_222 : f32 to vector<16xf32>
      %parallel_loop3A_224 = arith.maximumf %parallel_loop3A_221, %parallel_loop3A_223 : vector<16xf32>
      %parallel_loop3A_225 = arith.index_cast %parallel_loop3A_97 : i32 to index
      %parallel_loop3A_226 = arith.constant 80 : index
      %parallel_loop3A_227 = tpu.vector_load %arg15[%parallel_loop3A_225, %parallel_loop3A_226] {strides = array<i32>} : memref<40x128xf32, #tpu.memory_space<vmem>>, vector<1x16xf32>,
      %parallel_loop3A_228 = vector.shape_cast %parallel_loop3A_227 : vector<1x16xf32> to vector<16xf32>
      %parallel_loop3A_229 = vector.shape_cast %parallel_loop3A_224 : vector<16xf32> to vector<1x16xf32>
      tpu.vector_store %arg15[%parallel_loop3A_225, %parallel_loop3A_226], %parallel_loop3A_229 {strides = array<i32>} : memref<40x128xf32, #tpu.memory_space<vmem>>, vector<1x16xf32>,
      %parallel_loop3A_230 = arith.index_cast %parallel_loop3A_97 : i32 to index
      %parallel_loop3A_231 = arith.constant 96 : index
      %parallel_loop3A_232 = tpu.vector_load %arg11[%parallel_loop3A_230, %parallel_loop3A_231] {strides = array<i32>} : memref<40x128xf32, #tpu.memory_space<vmem>>, vector<1x16xf32>,
      %parallel_loop3A_233 = vector.shape_cast %parallel_loop3A_232 : vector<1x16xf32> to vector<16xf32>
      %parallel_loop3A_234 = arith.index_cast %parallel_loop3A_97 : i32 to index
      %parallel_loop3A_235 = arith.constant 96 : index
      %parallel_loop3A_236 = tpu.vector_load %arg13[%parallel_loop3A_234, %parallel_loop3A_235] {strides = array<i32>} : memref<40x128xf32, #tpu.memory_space<vmem>>, vector<1x16xf32>,
      %parallel_loop3A_237 = vector.shape_cast %parallel_loop3A_236 : vector<1x16xf32> to vector<16xf32>
      %parallel_loop3A_238 = arith.addf %parallel_loop3A_233, %parallel_loop3A_237 : vector<16xf32>
      %parallel_loop3A_239 = arith.index_cast %parallel_loop3A_97 : i32 to index
      %parallel_loop3A_240 = arith.constant 96 : index
      %parallel_loop3A_241 = tpu.vector_load %arg15[%parallel_loop3A_239, %parallel_loop3A_240] {strides = array<i32>} : memref<40x128xf32, #tpu.memory_space<vmem>>, vector<1x16xf32>,
      %parallel_loop3A_242 = vector.shape_cast %parallel_loop3A_241 : vector<1x16xf32> to vector<16xf32>
      %parallel_loop3A_243 = arith.addf %parallel_loop3A_238, %parallel_loop3A_242 : vector<16xf32>
      %parallel_loop3A_244 = arith.constant 0.000000e+00 : f32
      %parallel_loop3A_245 = vector.broadcast %parallel_loop3A_244 : f32 to vector<16xf32>
      %parallel_loop3A_246 = arith.maximumf %parallel_loop3A_243, %parallel_loop3A_245 : vector<16xf32>
      %parallel_loop3A_247 = arith.index_cast %parallel_loop3A_97 : i32 to index
      %parallel_loop3A_248 = arith.constant 96 : index
      %parallel_loop3A_249 = tpu.vector_load %arg15[%parallel_loop3A_247, %parallel_loop3A_248] {strides = array<i32>} : memref<40x128xf32, #tpu.memory_space<vmem>>, vector<1x16xf32>,
      %parallel_loop3A_250 = vector.shape_cast %parallel_loop3A_249 : vector<1x16xf32> to vector<16xf32>
      %parallel_loop3A_251 = vector.shape_cast %parallel_loop3A_246 : vector<16xf32> to vector<1x16xf32>
      tpu.vector_store %arg15[%parallel_loop3A_247, %parallel_loop3A_248], %parallel_loop3A_251 {strides = array<i32>} : memref<40x128xf32, #tpu.memory_space<vmem>>, vector<1x16xf32>,
      %parallel_loop3A_252 = arith.index_cast %parallel_loop3A_97 : i32 to index
      %parallel_loop3A_253 = arith.constant 112 : index
      %parallel_loop3A_254 = tpu.vector_load %arg11[%parallel_loop3A_252, %parallel_loop3A_253] {strides = array<i32>} : memref<40x128xf32, #tpu.memory_space<vmem>>, vector<1x16xf32>,
      %parallel_loop3A_255 = vector.shape_cast %parallel_loop3A_254 : vector<1x16xf32> to vector<16xf32>
      %parallel_loop3A_256 = arith.index_cast %parallel_loop3A_97 : i32 to index
      %parallel_loop3A_257 = arith.constant 112 : index
      %parallel_loop3A_258 = tpu.vector_load %arg13[%parallel_loop3A_256, %parallel_loop3A_257] {strides = array<i32>} : memref<40x128xf32, #tpu.memory_space<vmem>>, vector<1x16xf32>,
      %parallel_loop3A_259 = vector.shape_cast %parallel_loop3A_258 : vector<1x16xf32> to vector<16xf32>
      %parallel_loop3A_260 = arith.addf %parallel_loop3A_255, %parallel_loop3A_259 : vector<16xf32>
      %parallel_loop3A_261 = arith.index_cast %parallel_loop3A_97 : i32 to index
      %parallel_loop3A_262 = arith.constant 112 : index
      %parallel_loop3A_263 = tpu.vector_load %arg15[%parallel_loop3A_261, %parallel_loop3A_262] {strides = array<i32>} : memref<40x128xf32, #tpu.memory_space<vmem>>, vector<1x16xf32>,
      %parallel_loop3A_264 = vector.shape_cast %parallel_loop3A_263 : vector<1x16xf32> to vector<16xf32>
      %parallel_loop3A_265 = arith.addf %parallel_loop3A_260, %parallel_loop3A_264 : vector<16xf32>
      %parallel_loop3A_266 = arith.constant 0.000000e+00 : f32
      %parallel_loop3A_267 = vector.broadcast %parallel_loop3A_266 : f32 to vector<16xf32>
      %parallel_loop3A_268 = arith.maximumf %parallel_loop3A_265, %parallel_loop3A_267 : vector<16xf32>
      %parallel_loop3A_269 = arith.index_cast %parallel_loop3A_97 : i32 to index
      %parallel_loop3A_270 = arith.constant 112 : index
      %parallel_loop3A_271 = tpu.vector_load %arg15[%parallel_loop3A_269, %parallel_loop3A_270] {strides = array<i32>} : memref<40x128xf32, #tpu.memory_space<vmem>>, vector<1x16xf32>,
      %parallel_loop3A_272 = vector.shape_cast %parallel_loop3A_271 : vector<1x16xf32> to vector<16xf32>
      %parallel_loop3A_273 = vector.shape_cast %parallel_loop3A_268 : vector<16xf32> to vector<1x16xf32>
      tpu.vector_store %arg15[%parallel_loop3A_269, %parallel_loop3A_270], %parallel_loop3A_273 {strides = array<i32>} : memref<40x128xf32, #tpu.memory_space<vmem>>, vector<1x16xf32>,
    } {sc.loop_unroll_factor = 1 : i64, sc.parallel_access}
    %run_scoped3A_91 = arith.constant 0 : i32
    "tpu.region"() ({
      %run_scoped3A_97 = tpu.sem_alloc : memref<!tpu.dma_semaphore, #tpu.memory_space<semaphore_mem>>
      %dma_start3A_98 = arith.constant 0 : i32
      %dma_start3A_99 = tpu.memref_slice %arg9[%run_scoped3A_91, %dma_start3A_98] : memref<2x40xi32, #tpu.memory_space<vmem>> -> memref<1x40xi32, #tpu.memory_space<vmem>>
      %dma_start3A_100 = tpu.memref_squeeze %dma_start3A_99 : memref<1x40xi32, #tpu.memory_space<vmem>> -> memref<40xi32, #tpu.memory_space<vmem>>
      %dma_start3A_101 = arith.constant 0 : i32
      %dma_start3A_102 = arith.constant 0 : i32
      %dma_start3A_103 = tpu.memref_slice %arg16[%dma_start3A_101, %dma_start3A_102] : memref<10112x128xf32, #tpu.memory_space<vmem_shared>> -> memref<10112x128xf32, #tpu.memory_space<vmem_shared>>
      tpu.enqueue_indirect_dma source(%arg15 : memref<40x128xf32, #tpu.memory_space<vmem>>) target(%dma_start3A_103 : memref<10112x128xf32, #tpu.memory_space<vmem_shared>>) offsets(%dma_start3A_100 : memref<40xi32, #tpu.memory_space<vmem>>) semaphore(%run_scoped3A_97 : memref<!tpu.dma_semaphore, #tpu.memory_space<semaphore_mem>>) {add = true}
      %dma_wait3A_104 = arith.constant 0 : i32
      %dma_wait3A_105 = tpu.memref_slice %arg9[%run_scoped3A_91, %dma_wait3A_104] : memref<2x40xi32, #tpu.memory_space<vmem>> -> memref<1x40xi32, #tpu.memory_space<vmem>>
      %dma_wait3A_106 = tpu.memref_squeeze %dma_wait3A_105 : memref<1x40xi32, #tpu.memory_space<vmem>> -> memref<40xi32, #tpu.memory_space<vmem>>
      %dma_wait3A_107 = arith.constant 0 : i32
      %dma_wait3A_108 = arith.constant 0 : i32
      %dma_wait3A_109 = tpu.memref_slice %arg16[%dma_wait3A_107, %dma_wait3A_108] : memref<10112x128xf32, #tpu.memory_space<vmem_shared>> -> memref<10112x128xf32, #tpu.memory_space<vmem_shared>>
      tpu.wait_indirect_dma semaphore(%run_scoped3A_97 : memref<!tpu.dma_semaphore, #tpu.memory_space<semaphore_mem>>) src(%arg15 : memref<40x128xf32, #tpu.memory_space<vmem>>) dst(%dma_wait3A_109 : memref<10112x128xf32, #tpu.memory_space<vmem_shared>>)
      tpu.yield
    }) : () -> ()
    %barrier3A_92 = arith.constant 0 : index
    tpu.barrier barrier_id(%barrier3A_92)
    %mul3A_93 = arith.constant 632 : i32
    %mul3A_94 = arith.muli %arg1, %mul3A_93 : i32
    %mul3A_95 = arith.constant 632 : i32
    %mul3A_96 = arith.muli %arg1, %mul3A_95 : i32
    "tpu.region"() ({
      %run_scoped3A_97 = tpu.sem_alloc : memref<!tpu.dma_semaphore, #tpu.memory_space<semaphore_mem>>
      %dma_start3A_98 = arith.constant 0 : i32
      %dma_start3A_99 = tpu.memref_slice %arg7[%arg0, %mul3A_96, %dma_start3A_98] : memref<2x10112x128xf32, #tpu.memory_space<hbm>> -> memref<1x632x128xf32, #tpu.memory_space<hbm>>
      %dma_start3A_100 = tpu.memref_squeeze %dma_start3A_99 : memref<1x632x128xf32, #tpu.memory_space<hbm>> -> memref<632x128xf32, #tpu.memory_space<hbm>>
      %dma_start3A_101 = arith.constant 0 : i32
      %dma_start3A_102 = tpu.memref_slice %arg16[%mul3A_94, %dma_start3A_101] : memref<10112x128xf32, #tpu.memory_space<vmem_shared>> -> memref<632x128xf32, #tpu.memory_space<vmem_shared>>
      tpu.enqueue_dma source(%dma_start3A_102 : memref<632x128xf32, #tpu.memory_space<vmem_shared>>) target(%dma_start3A_100 : memref<632x128xf32, #tpu.memory_space<hbm>>) target_semaphore(%run_scoped3A_97 : memref<!tpu.dma_semaphore, #tpu.memory_space<semaphore_mem>>)
      %dma_wait3A_103 = arith.constant 0 : i32
      %dma_wait3A_104 = tpu.memref_slice %arg7[%arg0, %mul3A_96, %dma_wait3A_103] : memref<2x10112x128xf32, #tpu.memory_space<hbm>> -> memref<1x632x128xf32, #tpu.memory_space<hbm>>
      %dma_wait3A_105 = tpu.memref_squeeze %dma_wait3A_104 : memref<1x632x128xf32, #tpu.memory_space<hbm>> -> memref<632x128xf32, #tpu.memory_space<hbm>>
      %dma_wait3A_106 = arith.constant 0 : i32
      %dma_wait3A_107 = tpu.memref_slice %arg16[%mul3A_94, %dma_wait3A_106] : memref<10112x128xf32, #tpu.memory_space<vmem_shared>> -> memref<632x128xf32, #tpu.memory_space<vmem_shared>>
      tpu.wait_dma2 semaphore(%run_scoped3A_97 : memref<!tpu.dma_semaphore, #tpu.memory_space<semaphore_mem>>) src(%dma_wait3A_107 : memref<632x128xf32, #tpu.memory_space<vmem_shared>>) dst(%dma_wait3A_105 : memref<632x128xf32, #tpu.memory_space<hbm>>)
      tpu.yield
    }) : () -> ()
    return
  }
}

module attributes {stable_mosaic.version = 14 : i64} {
  func.func @_hc_body(%arg0: i32, %arg1: memref<2000x128xf32, #tpu.memory_space<vmem>>, %arg2: memref<128x128xf32, #tpu.memory_space<vmem>>, %arg3: memref<2000x128xf32, #tpu.memory_space<vmem>>) attributes {dimension_semantics = [#tpu.dimension_semantics<arbitrary>], iteration_bounds = array<i64: 160>, scalar_prefetch = 0 : i64, scratch_operands = 0 : i64, tpu.core_type = #tpu.core_type<tc>, window_params = [{transform_indices = @transform_0, window_bounds = array<i64: 2000, 128>}, {pipeline_mode = #tpu.pipeline_mode<synchronous>, transform_indices = @transform_1, window_bounds = array<i64: 128, 128>}, {transform_indices = @transform_2, window_bounds = array<i64: 2000, 128>}]} {
    %get3A = arith.constant 0 : index
    %get3A_0 = arith.constant 0 : index
    %get3A_1 = vector.load %arg1[%get3A, %get3A_0] : memref<2000x128xf32, #tpu.memory_space<vmem>>, vector<2000x128xf32>
    %get3A_2 = arith.constant 0 : index
    %get3A_3 = arith.constant 0 : index
    %get3A_4 = vector.load %arg2[%get3A_2, %get3A_3] : memref<128x128xf32, #tpu.memory_space<vmem>>, vector<128x128xf32>
    %dot_general3A = arith.constant dense<0.000000e+00> : vector<2000x128xf32>
    %dot_general3A_5 = tpu.matmul %get3A_1, %get3A_4, %dot_general3A {dimension_numbers = #tpu.dot_dimension_numbers<[1], [0], [0], [1], [0, 0, 1, 1], [], []>, transpose_lhs_hint = false} : vector<2000x128xf32>, vector<128x128xf32>, vector<2000x128xf32> -> vector<2000x128xf32>
    %swap3A = arith.constant 0 : index
    %swap3A_6 = arith.constant 0 : index
    %swap3A_7 = vector.load %arg3[%swap3A, %swap3A_6] : memref<2000x128xf32, #tpu.memory_space<vmem>>, vector<2000x128xf32>
    tpu.vector_store %arg3[%swap3A, %swap3A_6], %dot_general3A_5 {strides = array<i32>} : memref<2000x128xf32, #tpu.memory_space<vmem>>, vector<2000x128xf32>,
    return
  }
  func.func @transform_0(%arg0: i32) -> (i32, i32) {
    %c0_i32 = arith.constant 0 : i32
    %c0_i32_0 = arith.constant 0 : i32
    return %arg0, %c0_i32 : i32, i32
  }
  func.func @transform_1(%arg0: i32) -> (i32, i32) {
    %c0_i32 = arith.constant 0 : i32
    %c0_i32_0 = arith.constant 0 : i32
    %c0_i32_1 = arith.constant 0 : i32
    return %c0_i32, %c0_i32_0 : i32, i32
  }
  func.func @transform_2(%arg0: i32) -> (i32, i32) {
    %c0_i32 = arith.constant 0 : i32
    %c0_i32_0 = arith.constant 0 : i32
    return %arg0, %c0_i32 : i32, i32
  }
}

module attributes {stable_mosaic.version = 14 : i64} {
  func.func @_pq_body(%arg0: memref<10000x128xf32, #tpu.memory_space<vmem>>, %arg1: memref<128x128xf32, #tpu.memory_space<vmem>>, %arg2: memref<128x128xf32, #tpu.memory_space<vmem>>, %arg3: memref<10000x128xf32, #tpu.memory_space<vmem>>, %arg4: memref<10000x128xf32, #tpu.memory_space<vmem>>) attributes {dimension_semantics = [], scalar_prefetch = 0 : i64, scratch_operands = 0 : i64, tpu.core_type = #tpu.core_type<tc>} {
    %get3A = arith.constant 0 : index
    %get3A_0 = arith.constant 0 : index
    %get3A_1 = vector.load %arg0[%get3A, %get3A_0] : memref<10000x128xf32, #tpu.memory_space<vmem>>, vector<10000x128xf32>
    %get3A_2 = arith.constant 0 : index
    %get3A_3 = arith.constant 0 : index
    %get3A_4 = vector.load %arg1[%get3A_2, %get3A_3] : memref<128x128xf32, #tpu.memory_space<vmem>>, vector<128x128xf32>
    %dot_general3A = arith.constant dense<0.000000e+00> : vector<10000x128xf32>
    %dot_general3A_5 = tpu.matmul %get3A_1, %get3A_4, %dot_general3A {dimension_numbers = #tpu.dot_dimension_numbers<[1], [0], [0], [1], [0, 0, 1, 1], [], []>, transpose_lhs_hint = false} : vector<10000x128xf32>, vector<128x128xf32>, vector<10000x128xf32> -> vector<10000x128xf32>
    %swap3A = arith.constant 0 : index
    %swap3A_6 = arith.constant 0 : index
    %swap3A_7 = vector.load %arg3[%swap3A, %swap3A_6] : memref<10000x128xf32, #tpu.memory_space<vmem>>, vector<10000x128xf32>
    tpu.vector_store %arg3[%swap3A, %swap3A_6], %dot_general3A_5 {strides = array<i32>} : memref<10000x128xf32, #tpu.memory_space<vmem>>, vector<10000x128xf32>,
    %get3A_8 = arith.constant 0 : index
    %get3A_9 = arith.constant 0 : index
    %get3A_10 = vector.load %arg2[%get3A_8, %get3A_9] : memref<128x128xf32, #tpu.memory_space<vmem>>, vector<128x128xf32>
    %dot_general3A_11 = arith.constant dense<0.000000e+00> : vector<10000x128xf32>
    %dot_general3A_12 = tpu.matmul %get3A_1, %get3A_10, %dot_general3A_11 {dimension_numbers = #tpu.dot_dimension_numbers<[1], [0], [0], [1], [0, 0, 1, 1], [], []>, transpose_lhs_hint = false} : vector<10000x128xf32>, vector<128x128xf32>, vector<10000x128xf32> -> vector<10000x128xf32>
    %swap3A_13 = arith.constant 0 : index
    %swap3A_14 = arith.constant 0 : index
    %swap3A_15 = vector.load %arg4[%swap3A_13, %swap3A_14] : memref<10000x128xf32, #tpu.memory_space<vmem>>, vector<10000x128xf32>
    tpu.vector_store %arg4[%swap3A_13, %swap3A_14], %dot_general3A_12 {strides = array<i32>} : memref<10000x128xf32, #tpu.memory_space<vmem>>, vector<10000x128xf32>,
    return
  }
}

module attributes {stable_mosaic.version = 14 : i64} {
  func.func @_out_body(%arg0: i32, %arg1: memref<1x2000x128xf32, #tpu.memory_space<vmem>>, %arg2: memref<1x2000x128xf32, #tpu.memory_space<vmem>>, %arg3: memref<128x128xf32, #tpu.memory_space<vmem>>, %arg4: memref<1x128xf32, #tpu.memory_space<vmem>>, %arg5: memref<1x128xf32, #tpu.memory_space<vmem>>, %arg6: memref<2000x128xf32, #tpu.memory_space<vmem>>) attributes {dimension_semantics = [#tpu.dimension_semantics<arbitrary>], iteration_bounds = array<i64: 5>, scalar_prefetch = 0 : i64, scratch_operands = 0 : i64, tpu.core_type = #tpu.core_type<tc>, window_params = [{transform_indices = @transform_0, window_bounds = array<i64: 1, 2000, 128>}, {transform_indices = @transform_1, window_bounds = array<i64: 1, 2000, 128>}, {pipeline_mode = #tpu.pipeline_mode<synchronous>, transform_indices = @transform_2, window_bounds = array<i64: 128, 128>}, {pipeline_mode = #tpu.pipeline_mode<synchronous>, transform_indices = @transform_3, window_bounds = array<i64: 1, 128>}, {pipeline_mode = #tpu.pipeline_mode<synchronous>, transform_indices = @transform_4, window_bounds = array<i64: 1, 128>}, {transform_indices = @transform_5, window_bounds = array<i64: 2000, 128>}]} {
    %get3A = arith.constant 0 : index
    %get3A_0 = arith.constant 0 : index
    %get3A_1 = arith.constant 0 : index
    %get3A_2 = vector.load %arg1[%get3A, %get3A_0, %get3A_1] : memref<1x2000x128xf32, #tpu.memory_space<vmem>>, vector<1x2000x128xf32>
    %get3A_3 = vector.shape_cast %get3A_2 : vector<1x2000x128xf32> to vector<2000x128xf32>
    %get3A_4 = arith.constant 0 : index
    %get3A_5 = arith.constant 0 : index
    %get3A_6 = arith.constant 0 : index
    %get3A_7 = vector.load %arg2[%get3A_4, %get3A_5, %get3A_6] : memref<1x2000x128xf32, #tpu.memory_space<vmem>>, vector<1x2000x128xf32>
    %get3A_8 = vector.shape_cast %get3A_7 : vector<1x2000x128xf32> to vector<2000x128xf32>
    %add3A = arith.addf %get3A_3, %get3A_8 : vector<2000x128xf32>
    %get3A_9 = arith.constant 0 : index
    %get3A_10 = arith.constant 0 : index
    %get3A_11 = vector.load %arg3[%get3A_9, %get3A_10] : memref<128x128xf32, #tpu.memory_space<vmem>>, vector<128x128xf32>
    %dot_general3A = arith.constant dense<0.000000e+00> : vector<2000x128xf32>
    %dot_general3A_12 = tpu.matmul %add3A, %get3A_11, %dot_general3A {dimension_numbers = #tpu.dot_dimension_numbers<[1], [0], [0], [1], [0, 0, 1, 1], [], []>, transpose_lhs_hint = false} : vector<2000x128xf32>, vector<128x128xf32>, vector<2000x128xf32> -> vector<2000x128xf32>
    %reduce_sum3A = arith.constant dense<0.000000e+00> : vector<2000xf32>
    %reduce_sum3A_13 = vector.multi_reduction <add>, %dot_general3A_12, %reduce_sum3A [1] : vector<2000x128xf32> to vector<2000xf32>
    %broadcast_in_dim3A = vector.shape_cast %reduce_sum3A_13 : vector<2000xf32> to vector<2000x1xf32>
    %div3A = arith.constant 1.280000e+02 : f32
    %div3A_14 = vector.broadcast %div3A : f32 to vector<2000x1xf32>
    %div3A_15 = arith.divf %broadcast_in_dim3A, %div3A_14 : vector<2000x1xf32>
    %sub3A = vector.broadcast %div3A_15 : vector<2000x1xf32> to vector<2000x128xf32>
    %sub3A_16 = arith.subf %dot_general3A_12, %sub3A : vector<2000x128xf32>
    %sub3A_17 = vector.broadcast %div3A_15 : vector<2000x1xf32> to vector<2000x128xf32>
    %sub3A_18 = arith.subf %dot_general3A_12, %sub3A_17 : vector<2000x128xf32>
    %mul3A = arith.mulf %sub3A_16, %sub3A_18 : vector<2000x128xf32>
    %reduce_sum3A_19 = arith.constant dense<0.000000e+00> : vector<2000xf32>
    %reduce_sum3A_20 = vector.multi_reduction <add>, %mul3A, %reduce_sum3A_19 [1] : vector<2000x128xf32> to vector<2000xf32>
    %broadcast_in_dim3A_21 = vector.shape_cast %reduce_sum3A_20 : vector<2000xf32> to vector<2000x1xf32>
    %div3A_22 = arith.constant 1.280000e+02 : f32
    %div3A_23 = vector.broadcast %div3A_22 : f32 to vector<2000x1xf32>
    %div3A_24 = arith.divf %broadcast_in_dim3A_21, %div3A_23 : vector<2000x1xf32>
    %sub3A_25 = vector.broadcast %div3A_15 : vector<2000x1xf32> to vector<2000x128xf32>
    %sub3A_26 = arith.subf %dot_general3A_12, %sub3A_25 : vector<2000x128xf32>
    %add3A_27 = arith.constant 9.99999974E-6 : f32
    %add3A_28 = vector.broadcast %add3A_27 : f32 to vector<2000x1xf32>
    %add3A_29 = arith.addf %div3A_24, %add3A_28 : vector<2000x1xf32>
    %rsqrt3A = math.rsqrt %add3A_29 : vector<2000x1xf32>
    %mul3A_30 = vector.broadcast %rsqrt3A : vector<2000x1xf32> to vector<2000x128xf32>
    %mul3A_31 = arith.mulf %sub3A_26, %mul3A_30 : vector<2000x128xf32>
    %get3A_32 = arith.constant 0 : index
    %get3A_33 = arith.constant 0 : index
    %get3A_34 = vector.load %arg4[%get3A_32, %get3A_33] : memref<1x128xf32, #tpu.memory_space<vmem>>, vector<1x128xf32>
    %mul3A_35 = vector.broadcast %get3A_34 : vector<1x128xf32> to vector<2000x128xf32>
    %mul3A_36 = arith.mulf %mul3A_31, %mul3A_35 : vector<2000x128xf32>
    %get3A_37 = arith.constant 0 : index
    %get3A_38 = arith.constant 0 : index
    %get3A_39 = vector.load %arg5[%get3A_37, %get3A_38] : memref<1x128xf32, #tpu.memory_space<vmem>>, vector<1x128xf32>
    %add3A_40 = vector.broadcast %get3A_39 : vector<1x128xf32> to vector<2000x128xf32>
    %add3A_41 = arith.addf %mul3A_36, %add3A_40 : vector<2000x128xf32>
    %max3A = arith.constant 0.000000e+00 : f32
    %max3A_42 = vector.broadcast %max3A : f32 to vector<2000x128xf32>
    %max3A_43 = arith.maximumf %add3A_41, %max3A_42 : vector<2000x128xf32>
    %swap3A = arith.constant 0 : index
    %swap3A_44 = arith.constant 0 : index
    %swap3A_45 = vector.load %arg6[%swap3A, %swap3A_44] : memref<2000x128xf32, #tpu.memory_space<vmem>>, vector<2000x128xf32>
    tpu.vector_store %arg6[%swap3A, %swap3A_44], %max3A_43 {strides = array<i32>} : memref<2000x128xf32, #tpu.memory_space<vmem>>, vector<2000x128xf32>,
    return
  }
  func.func @transform_0(%arg0: i32) -> (i32, i32, i32) {
    %c0_i32 = arith.constant 0 : i32
    %c0_i32_0 = arith.constant 0 : i32
    %c0_i32_1 = arith.constant 0 : i32
    return %c0_i32, %arg0, %c0_i32_0 : i32, i32, i32
  }
  func.func @transform_1(%arg0: i32) -> (i32, i32, i32) {
    %c1_i32 = arith.constant 1 : i32
    %c0_i32 = arith.constant 0 : i32
    %c0_i32_0 = arith.constant 0 : i32
    return %c1_i32, %arg0, %c0_i32 : i32, i32, i32
  }
  func.func @transform_2(%arg0: i32) -> (i32, i32) {
    %c0_i32 = arith.constant 0 : i32
    %c0_i32_0 = arith.constant 0 : i32
    %c0_i32_1 = arith.constant 0 : i32
    return %c0_i32, %c0_i32_0 : i32, i32
  }
  func.func @transform_3(%arg0: i32) -> (i32, i32) {
    %c0_i32 = arith.constant 0 : i32
    %c0_i32_0 = arith.constant 0 : i32
    %c0_i32_1 = arith.constant 0 : i32
    return %c0_i32, %c0_i32_0 : i32, i32
  }
  func.func @transform_4(%arg0: i32) -> (i32, i32) {
    %c0_i32 = arith.constant 0 : i32
    %c0_i32_0 = arith.constant 0 : i32
    %c0_i32_1 = arith.constant 0 : i32
    return %c0_i32, %c0_i32_0 : i32, i32
  }
  func.func @transform_5(%arg0: i32) -> (i32, i32) {
    %c0_i32 = arith.constant 0 : i32
    %c0_i32_0 = arith.constant 0 : i32
    return %arg0, %c0_i32 : i32, i32
  }
}

</mosaic_0001>

<sc_bundles>
// kernel: kernel.10.cloned.1.call-start
scs
__scs_entry_jumppad:
0x0: {  	(pc) =	sbr.rel $0x88, $3  }
0x1: {  	(tag) =	ssettag $0x0;
	lr =	simm.s32 $0x1  }
0x2: {  	[smem:$0x3F9A] =	sst lr;
	_ =	strace $0xD0000000  }
0x3: {  	_ = 	snop  }
0x4: {  	_ = 	snop  }
0x5: {  	_ = 	snop  }
0x6: {  	_ = 	snop  }
0x7: {  	_ = 	snop  }
__scs_overlays_trampoline_lowered:
0x8: {  	[smem:$0x3FA9] =	sst s0  }
0x9: {  	[smem:$0x3FAA] =	sst s1  }
0xa: {  	[smem:$0x3FAB] =	sst s2  }
0xb: {  	[smem:$0x3FAC] =	sst s3  }
0xc: {  	[smem:$0x3FAD] =	sst s4  }
0xd: {  	[smem:$0x3FAE] =	sst s5  }
0xe: {  	[smem:$0x3FAF] =	sst s6  }
0xf: {  	[smem:$0x3FB0] =	sst s7  }
0x10: {  	[smem:$0x3FB1] =	sst s8  }
0x11: {  	[smem:$0x3FB2] =	sst s9;
	s0 =	simm.s32 @!p0 $0x0  }
0x12: {  	s1 =	sld [smem:$0x3F98];
	s0 =	simm.s32 @p0 $0x1  }
0x13: {  	[smem:$0x3FB3] =	sst s0;
	s0 =	simm.s32 @!p1 $0x0  }
0x14: {  	s2 =	sld [smem:$0x3F97];
	s0 =	simm.s32 @p1 $0x1  }
0x15: {  	[smem:$0x3FB4] =	sst s0;
	s0 =	simm.s32 @!p2 $0x0  }
0x16: {  	s3 =	sld [smem:$0x3FDB];
	s0 =	simm.s32 @p2 $0x1  }
0x17: {  	s4 =	simm.s32 $0x1BF5;
	[smem:$0x3FB6] =	sst s0  }
0x18: {  	s0 =	sld [smem:$0x3F99];
	_ =	swait.ge [sflag:s4], $0x0  }
0x19: {  	s7 =	sld [smem:$0x3F9A]  }
0x1a: {  	s8 =	sadd.s32 $0xFFFFE003, lr  }
0x1b: {  	s9 =	sadd.s32 $0xFFFFFEF7, lr;
	s5 =	simm.s32 $0xFFFFFFFF;
	p2 =	slt.u32 s8, $0xFFFFF086  }
0x1c: {  	p1 =	slt.u32 s9, $0xF7A;
	s5 =	simm.s32 @!p2 $0x0  }
0x1d: {  	s5 =	simm.s32 @p1 $0x1;
	p0 =	seq.s32 s7, s2  }
0x1e: {  	s7 =	smul.u32 @!p0 $0xF7A, s2;
	p2 =	seq.s32 @!p0 s5, $0x0  }
0x1f: {  	s9 =	smul.u32 $0xF7A, s1;
	s8 =	simm.s32 @!p0 $0x1BF5;
	p2 =	por !p2, p0  }
0x20: {  	[sflag:s8] =	ssyncset.s32 @!p0 $0xFFFFF086;
	s6 =	sadd.s32 @!p0 s3, s7;
	s7 =	simm.s32 @!p0 $0x108  }
0x21: {  	s3 =	sadd.s32 s3, s9;
	s6 =	sadd.s32 @!p0 $0x88, s6;
	s7 =	simm.s32 @p2 $0x1082  }
0x22: {  	[simem:s7], [sflag:s8] =	dma.local @!p0 [hbm:s6], $0xF7A  }
0x23: {  	s9 =	sor.u32 $0xD0000000, s2;
	s6 =	simm.s32 $0x108;
	_ =	swait.ge @!p0 [sflag:s8], $0x0  }
0x24: {  	s3 =	sadd.s32 $0x88, s3;
	s6 =	simm.s32 @!p1 $0x1082;
	[sflag:s4] =	ssyncset.s32 $0xFFFFF086  }
0x25: {  	[simem:s6], [sflag:s4] =	dma.local [hbm:s3], $0xF7A  }
0x26: {  	[smem:$0x3F9A] =	sst s1;
	(tag) =	ssettag s2;
	_ =	strace s9  }
0x27: {  	s1 =	sld [smem:$0x3FAA]  }
0x28: {  	s2 =	sld [smem:$0x3FAB]  }
0x29: {  	s4 =	sld [smem:$0x3FAD]  }
0x2a: {  	p0 =	seq.s32 s5, $0x0;
	s5 =	sld [smem:$0x3FAE]  }
0x2b: {  	s6 =	sld [smem:$0x3FAF]  }
0x2c: {  	s7 =	sld [smem:$0x3FB0]  }
0x2d: {  	s3 =	simm.s32 $0x108;
	s8 =	sld [smem:$0x3FB1]  }
0x2e: {  	s3 =	simm.s32 @!p0 $0x1082;
	s9 =	sld [smem:$0x3FB2]  }
0x2f: {  	lr =	sadd.s32 s0, s3;
	s0 =	sld [smem:$0x3FA9]  }
0x30: {  	s3 =	sld [smem:$0x3FAC]  }
0x31: {  	[smem:$0x3FB5] =	sst s10  }
0x32: {  	s10 =	sld [smem:$0x3FB3];
	_ =	sdelay $0x3  }
0x33: {  	p0 =	seq.s32 s10, $0x1;
	s10 =	sld [smem:$0x3FB5];
	_ =	sdelay $0x3  }
0x34: {  	[smem:$0x3FB5] =	sst s10  }
0x35: {  	s10 =	sld [smem:$0x3FB4];
	_ =	sdelay $0x3  }
0x36: {  	p1 =	seq.s32 s10, $0x1;
	s10 =	sld [smem:$0x3FB5];
	_ =	sdelay $0x3  }
0x37: {  	[smem:$0x3FB5] =	sst s10  }
0x38: {  	s10 =	sld [smem:$0x3FB6]  }
0x39: {  	_ = 	snop;
	(pc) =	sbr.ind lr, $3  }
0x3a: {  	_ = 	snop  }
0x3b: {  	_ = 	snop  }
0x3c: {  	p2 =	seq.s32 s10, $0x1;
	s10 =	sld [smem:$0x3FB5]  }
0x3d: {  	_ =	shalt  }
0x3e: {  	_ =	shalt  }
0x3f: {  	_ =	shalt  }
0x40: {  	_ =	shalt  }
0x41: {  	_ =	shalt  }
0x42: {  	_ =	shalt  }
0x43: {  	_ =	shalt  }
0x44: {  	_ =	shalt  }
0x45: {  	_ =	shalt  }
0x46: {  	_ =	shalt  }
0x47: {  	_ =	shalt  }
0x48: {  	_ =	shalt  }
0x49: {  	_ =	shalt  }
0x4a: {  	_ =	shalt  }
0x4b: {  	_ =	shalt  }
0x4c: {  	_ =	shalt  }
0x4d: {  	_ =	shalt  }
0x4e: {  	_ =	shalt  }
0x4f: {  	_ =	shalt  }
0x50: {  	_ =	shalt  }
0x51: {  	_ =	shalt  }
0x52: {  	_ =	shalt  }
0x53: {  	_ =	shalt  }
0x54: {  	_ =	shalt  }
0x55: {  	_ =	shalt  }
0x56: {  	_ =	shalt  }
0x57: {  	_ =	shalt  }
0x58: {  	_ =	shalt  }
0x59: {  	_ =	shalt  }
0x5a: {  	_ =	shalt  }
0x5b: {  	_ =	shalt  }
0x5c: {  	_ =	shalt  }
0x5d: {  	_ =	shalt  }
0x5e: {  	_ =	shalt  }
0x5f: {  	_ =	shalt  }
0x60: {  	_ =	shalt  }
0x61: {  	_ =	shalt  }
0x62: {  	_ =	shalt  }
0x63: {  	_ =	shalt  }
0x64: {  	_ =	shalt  }
0x65: {  	_ =	shalt  }
0x66: {  	_ =	shalt  }
0x67: {  	_ =	shalt  }
0x68: {  	_ =	shalt  }
0x69: {  	_ =	shalt  }
0x6a: {  	_ =	shalt  }
0x6b: {  	_ =	shalt  }
0x6c: {  	_ =	shalt  }
0x6d: {  	_ =	shalt  }
0x6e: {  	_ =	shalt  }
0x6f: {  	_ =	shalt  }
0x70: {  	_ =	shalt  }
0x71: {  	_ =	shalt  }
0x72: {  	_ =	shalt  }
0x73: {  	_ =	shalt  }
0x74: {  	_ =	shalt  }
0x75: {  	_ =	shalt  }
0x76: {  	_ =	shalt  }
0x77: {  	_ =	shalt  }
0x78: {  	_ =	shalt  }
0x79: {  	_ =	shalt  }
0x7a: {  	_ =	shalt  }
0x7b: {  	_ =	shalt  }
0x7c: {  	_ =	shalt  }
0x7d: {  	_ =	shalt  }
0x7e: {  	_ =	shalt  }
0x7f: {  	_ =	shalt  }
0x80: {  	_ =	shalt  }
0x81: {  	_ =	shalt  }
0x82: {  	_ =	shalt  }
0x83: {  	_ =	shalt  }
0x84: {  	_ =	shalt  }
0x85: {  	_ =	shalt  }
0x86: {  	_ =	shalt  }
0x87: {  	_ =	shalt  }
.Lfunc_end0:
.L_simem_size_0:
called_computation.1_lowered:
.L_overlay_start_0:
0x88: {  	s2 =	sld [smem:$0x3FD9]  }
0x89: {  	s3 =	sld [smem:$0x3FFE];
	_ =	sdelay $0x1  }
0x8a: {  	s1 =	srdreg.scid  }
0x8b: {  	s0 =	sand.u32 $0x1, s1  }
0x8c: {  	s17 =	sshll.u32 s0, $0xA;
	s2 =	sadd.s32 s3, s2  }
0x8d: {  	s2 =	sadd.s32 s2, s17  }
0x8e: {  	[smem:$0x3FC1] =	sst s2  }
0x8f: {  	_ = 	snop  }
0x90: {  	s2 =	sld [smem:$0x3FD0];
	(tm) =	ssettm $0x1  }
0x91: {  	s18 =	sld [smem:$0x3FFB];
	_ =	sdelay $0x3  }
0x92: {  	_ =	strace s18  }
0x93: {  	s3 =	sld [smem:$0x3FFC];
	_ =	sdelay $0x3  }
0x94: {  	_ =	strace s3  }
0x95: {  	s3 =	sld [smem:$0x3FFD];
	_ =	sdelay $0x3  }
0x96: {  	_ =	strace s3  }
0x97: {  	_ =	strace $0x8FFFFFFF  }
0x98: {  	s19 =	sld [smem:$0x3FDB];
	_ =	sdelay $0x1  }
0x99: {  	s4 =	simm.s32 $_scs_section_size  }
0x9a: {  	s5 =	simm.s32 $_size__tile_overlayer_lowered;
	s6 =	simm.s32 $_tile_overlayer_lowered  }
0x9b: {  	s22 =	simm.s32 $0x1BFF;
	s21 =	sshll.u32 s6, $0x1;
	s3 =	sadd.s32 s4, s19  }
0x9c: {  	s7 =	simm.s32 $0x0;
	s20 =	sshll.u32 s5, $0x1;
	s5 =	sadd.s32 s21, s3  }
0x9d: {  	[timem:s7], [sflag:s22] =	dma.local [hbm:s5], s20  }
0x9e: {  	_ =	swait.ge [sflag:s22], s20  }
0x9f: {  	s4 =	ssub.s32 $0x0, s20;
	[sflag:s22] =	ssyncset.done $0x0  }
0xa0: {  	[sflag:s22] =	ssyncadd.s32 s4;
	_ =	sdelay $0x1  }
0xa1: {  	s23 =	simm.s32 $0x1B8B  }
0xa2: {  	_ =	swait.ge [sflag:s23], $0x1  }
0xa3: {  	[sflag:s23] =	ssyncset.done $0x0  }
0xa4: {  	s25 =	simm.s32 $0x1B8E;
	s24 =	sld [smem:$0x3FFE];
	[sflag:s23] =	ssyncadd.s32 $0xFFFFFFFF  }
0xa5: {  	s26 =	simm.s32 $execute0_lowered;
	[smem:$0x3FD2] =	sst s25  }
0xa6: {  	s5 =	sshll.u32 s26, $0x1;
	_ =	strace $0x80000049;
	[dreg:$0x1] =	wrdreg $0xFFFFFFFF  }
0xa7: {  	s28 =	simm.s32 $_size_execute0_lowered;
	s3 =	sadd.s32 s3, s5;
	[dreg:$0x0] =	wrdreg $0x0  }
0xa8: {  	s5 =	sshll.u32 s28, $0x1;
	[dreg:$0x2] =	wrdreg s3  }
0xa9: {  	[dreg:$0x3] =	wrdreg s5  }
0xaa: {  	[dreg:$0x4] =	wrdreg $0xC0  }
0xab: {  	_ =	task [dreg:s7], $0x5FFFF  }
0xac: {  	[dreg:$0x1] =	wrdreg $0xFFFFFFFF  }
0xad: {  	[dreg:$0x0] =	wrdreg $0x60  }
0xae: {  	[dreg:$0x2] =	wrdreg s24  }
0xaf: {  	[dreg:$0x3] =	wrdreg s2  }
0xb0: {  	[dreg:$0x4] =	wrdreg $0x9  }
0xb1: {  	_ =	task.clear_ibuf [dreg:s7], $0x5FFFF;
	_ =	strace $0x90000049  }
0xb2: {  	s29 =	simm.s32 $0x9;
	_ =	strace $0x8000004B  }
0xb3: {  	_ =	swait.ge [sflag:s29], $0x1  }
0xb4: {  	[sflag:s29] =	ssyncadd.s32 $0xFFFFFFFF  }
0xb5: {  	_ =	strace $0x9000004B  }
0xb6: {  	_ =	sfence  }
0xb7: {  	s30 =	sld [smem:$0x0];
	_ =	sdelay $0x2  }
0xb8: {  	s31 =	sshll.u32 s1, $0xD;
	s1 =	sshrl.u32 s1, $0x2  }
0xb9: {  	s3 =	sand.u32 $0x4000, s31;
	s1 =	sadd.s32 s1, s30  }
0xba: {  	s0 =	sor.u32 s3, s0;
	s1 =	sshll.u32 s1, $0x11  }
0xbb: {  	s0 =	sor.u32 s1, s0  }
0xbc: {  	s0 =	sadd.s32 $0x8F2B, s0  }
0xbd: {  	[sflag:s0] =	ssyncadd.remote.s32 $0x1  }
0xbe: {  	_ =	sfence.sel $0xFFFF  }
0xbf: {  	[dreg:$0x0] =	wrdreg $0xFFFFFFFF;
	(pc) =	sbr.abs _section_cstart, $3  }
0xc0: {  	[dreg:$0x1] =	wrdreg $0xFFFFFFFF  }
0xc1: {  	_ =	task.clear_ibuf [dreg:s7], $0x2FFFF;
	_ =	strace $0x9FFFFFFF  }
0xc2: {  	(tm) =	ssettm $0x7FFFFFFF  }
0xc3: {  	_ =	shalt  }
tec
execute0_lowered:
.L_overlay_start_1:
0x0: {  	(tag) =	ssettag $0x1  }
0x1: {  	s0 =	rddreg [dreg:$0x0]  }
0x2: {  	s2 =	rddreg [dreg:$0x1];
	s1 =	simm.s32 $0x0;
	s3 =	srdreg.scid  }
0x3: {  	s11 =	stileid.u32;
	s12 =	simm.s32 $0x9;
	s13 =	simm.s32 $0x50  }
0x4: {  	s14 =	simm.s32 $0x4000;
	s16 =	simm.s32 $0x6800;
	s17 =	simm.s32 $0x1  }
0x5: {  	s19 =	simm.s32 $0x9000;
	s20 =	simm.s32 $0x2;
	s21 =	simm.s32 $0x180  }
0x6: {  	s22 =	simm.s32 $0xB800;
	s28 =	simm.s32 $0x7;
	s29 =	simm.s32 $0x8  }
0x7: {  	s30 =	simm.s32 $0x3E00;
	s31 =	simm.s32 $0x0;
	s5 =	sand.u32 $0x1, s3  }
0x8: {  	[smem:$0x7FF] =	sst s1;
	s3 =	sadd.s32 $0x1E00, s0;
	s4 =	sshll.u32 s5, $0x4  }
0x9: {  	s6 =	ssub.s32 $0x2, s5;
	s25 =	smul.u32 $0x271000, s5;
	s4 =	sor.u32 s11, s4  }
0xa: {  	_ =	strace $0x8000004A;
	s8 =	sshrl.u32 s6, $0x1;
	s9 =	smul.u32 $0x138800, s4  }
0xb: {  	s7 =	sshll.u32 s4, $0xB;
	s10 =	ssub.s32 s6, s8;
	s23 =	smul.u32 $0x27100, s4  }
0xc: {  	s11 =	smul.u32 $0x27100, s11;
	s0 =	sadd.s32 s7, s0;
	s10 =	smax.u32 s10, $0x1  }
0xd: {  	s4 =	sadd.s32 $0xEA000, s0;
	s24 =	sshrl.u32 s9, $0x3;
	s5 =	sadd.s32 s2, s23  }
0xe: {  	s23 =	simm.s32 $0x3;
	s0 =	sadd.s32 s2, s24;
	s2 =	sadd.s32 s25, s2  }
0xf: {  	s24 =	simm.s32 $0x5;
	s25 =	simm.s32 $0x4;
	s6 =	sadd.s32 $0x500, s0  }
0x10: {  	s7 =	sadd.s32 $0x26200, s0;
	s8 =	sadd.s32 $0x26700, s0;
	s26 =	sadd.s32 s11, s2  }
0x11: {  	s9 =	sadd.s32 $0x26C00, s0;
	s11 =	sadd.s32 $0xF00, s26;
	s26 =	simm.s32 $0x6  }
.LBB2_1:
0x12: {  	[tilespmem:s1], [sflag:$0x9] =	stream.linear.gather [hbm4b:s4+s1], $0x3E80, $0x38;
	[tilespmem:$0xE000] =	vst v63  }
0x13: {  	_ =	swait.ge [sflag:s12], $0x3E80  }
0x14: {  	[sflag:s12] =	ssyncset.done $0x0  }
0x15: {  	[sflag:s12] =	ssyncadd.s32 $0xFFFFC180  }
0x16: {  	[tilespmem:s14], [sflag:$0x1] =	stream.indirect.gather [hbm4b:s3+s13], $0x80, s1, s13, $0xb8;
	[tilespmem:$0xE000] =	vst v63  }
0x17: {  	s0 =	simm.s32 $0x80  }
0x18: {  	[tilespmem:s16], [sflag:$0x2] =	stream.indirect.gather [hbm4b:s3+s13], $0x80, s0, s13, $0xb8;
	[tilespmem:$0xE000] =	vst v63  }
0x19: {  	_ =	swait.ge [sflag:s17], $0x2800  }
0x1a: {  	[sflag:s17] =	ssyncset.done $0x0  }
0x1b: {  	[sflag:s17] =	ssyncadd.s32 $0xFFFFD800  }
0x1c: {  	[hbm4b:s5+s1] =	stream.linear.scatter [tilespmem:s14], [sflag:$0x5], $0x2800, $0x38;
	[tilespmem:$0xE000] =	vst v63  }
0x1d: {  	s18 =	simm.s32 $0x100  }
0x1e: {  	[tilespmem:s19], [sflag:$0x3] =	stream.indirect.gather [hbm4b:s3+s13], $0x80, s18, s13, $0xb8;
	[tilespmem:$0xE000] =	vst v63  }
0x1f: {  	_ =	swait.ge [sflag:s20], $0x2800  }
0x20: {  	[sflag:s20] =	ssyncset.done $0x0  }
0x21: {  	[sflag:s20] =	ssyncadd.s32 $0xFFFFD800  }
0x22: {  	[hbm4b:s6+s1] =	stream.linear.scatter [tilespmem:s16], [sflag:$0x6], $0x2800, $0x38;
	[tilespmem:$0xE000] =	vst v63  }
0x23: {  	_ = 	snop  }
0x24: {  	[tilespmem:s22], [sflag:$0x4] =	stream.indirect.gather [hbm4b:s3+s13], $0x80, s21, s13, $0xb8;
	[tilespmem:$0xE000] =	vst v63  }
0x25: {  	_ =	swait.ge [sflag:s23], $0x2800  }
0x26: {  	[sflag:s23] =	ssyncset.done $0x0  }
0x27: {  	s2 =	sadd.s32 $0xFFFFFB00, s11;
	[sflag:s23] =	ssyncadd.s32 $0xFFFFD800  }
0x28: {  	[hbm4b:s2+s1] =	stream.linear.scatter [tilespmem:s19], [sflag:$0x7], $0x2800, $0x38;
	[tilespmem:$0xE000] =	vst v63  }
0x29: {  	_ =	swait.ge [sflag:s24], $0x2800  }
0x2a: {  	[sflag:s24] =	ssyncset.done $0x0  }
0x2b: {  	s15 =	simm.s32 $0x200;
	[sflag:s24] =	ssyncadd.s32 $0xFFFFD800  }
0x2c: {  	[tilespmem:s14], [sflag:$0x1] =	stream.indirect.gather [hbm4b:s3+s13], $0x80, s15, s13, $0xb8;
	[tilespmem:$0xE000] =	vst v63  }
0x2d: {  	_ =	swait.ge [sflag:s25], $0x2800  }
0x2e: {  	[sflag:s25] =	ssyncset.done $0x0  }
0x2f: {  	[sflag:s25] =	ssyncadd.s32 $0xFFFFD800  }
0x30: {  	[hbm4b:s11+s1] =	stream.linear.scatter [tilespmem:s22], [sflag:$0x8], $0x2800, $0x38;
	[tilespmem:$0xE000] =	vst v63  }
0x31: {  	_ =	swait.ge [sflag:s26], $0x2800  }
0x32: {  	[sflag:s26] =	ssyncset.done $0x0  }
0x33: {  	s18 =	simm.s32 $0x280;
	[sflag:s26] =	ssyncadd.s32 $0xFFFFD800  }
0x34: {  	[tilespmem:s16], [sflag:$0x2] =	stream.indirect.gather [hbm4b:s3+s13], $0x80, s18, s13, $0xb8;
	[tilespmem:$0xE000] =	vst v63  }
0x35: {  	_ =	swait.ge [sflag:s17], $0x2800  }
0x36: {  	[sflag:s17] =	ssyncset.done $0x0  }
0x37: {  	s2 =	sadd.s32 $0x500, s11;
	[sflag:s17] =	ssyncadd.s32 $0xFFFFD800  }
0x38: {  	[hbm4b:s2+s1] =	stream.linear.scatter [tilespmem:s14], [sflag:$0x5], $0x2800, $0x38;
	[tilespmem:$0xE000] =	vst v63  }
0x39: {  	_ =	swait.ge [sflag:s28], $0x2800  }
0x3a: {  	[sflag:s28] =	ssyncset.done $0x0  }
0x3b: {  	s15 =	simm.s32 $0x300;
	[sflag:s28] =	ssyncadd.s32 $0xFFFFD800  }
0x3c: {  	[tilespmem:s19], [sflag:$0x3] =	stream.indirect.gather [hbm4b:s3+s13], $0x80, s15, s13, $0xb8;
	[tilespmem:$0xE000] =	vst v63  }
0x3d: {  	_ =	swait.ge [sflag:s20], $0x2800  }
0x3e: {  	[sflag:s20] =	ssyncset.done $0x0  }
0x3f: {  	s18 =	sadd.s32 $0xA00, s11;
	[sflag:s20] =	ssyncadd.s32 $0xFFFFD800  }
0x40: {  	[hbm4b:s18+s1] =	stream.linear.scatter [tilespmem:s16], [sflag:$0x6], $0x2800, $0x38;
	[tilespmem:$0xE000] =	vst v63  }
0x41: {  	_ =	swait.ge [sflag:s29], $0x2800  }
0x42: {  	s0 =	simm.s32 $0x800;
	[sflag:s29] =	ssyncset.done $0x0  }
0x43: {  	s2 =	sadd.s32 $0x1400, s11;
	s15 =	simm.s32 $0x380;
	[sflag:s29] =	ssyncadd.s32 $0xFFFFD800  }
.LBB2_2:
0x44: {  	[tilespmem:s22], [sflag:$0x4] =	stream.indirect.gather [hbm4b:s3+s13], $0x80, s15, s13, $0xb8;
	[tilespmem:$0xE000] =	vst v63  }
0x45: {  	s15 =	smov.u32 s0  }
0x46: {  	p0 =	sne.s32 s0, $0xE800;
	s0 =	sadd.s32 $0x800, s0;
	_ =	swait.ge [sflag:s23], $0x2800  }
0x47: {  	[sflag:s23] =	ssyncset.done $0x0  }
0x48: {  	s18 =	sadd.s32 $0xFFFFFB00, s2;
	[sflag:s23] =	ssyncadd.s32 $0xFFFFD800  }
0x49: {  	[hbm4b:s18+s1] =	stream.linear.scatter [tilespmem:s19], [sflag:$0x7], $0x2800, $0x38;
	[tilespmem:$0xE000] =	vst v63  }
0x4a: {  	_ =	swait.ge [sflag:s24], $0x2800  }
0x4b: {  	s15 =	sshra.s32 s15, $0x2;
	[sflag:s24] =	ssyncset.done $0x0  }
0x4c: {  	s18 =	sadd.s32 $0x200, s15;
	[sflag:s24] =	ssyncadd.s32 $0xFFFFD800  }
0x4d: {  	[tilespmem:s14], [sflag:$0x1] =	stream.indirect.gather [hbm4b:s3+s13], $0x80, s18, s13, $0xb8;
	[tilespmem:$0xE000] =	vst v63  }
0x4e: {  	_ =	swait.ge [sflag:s25], $0x2800  }
0x4f: {  	[sflag:s25] =	ssyncset.done $0x0  }
0x50: {  	[sflag:s25] =	ssyncadd.s32 $0xFFFFD800  }
0x51: {  	[hbm4b:s2+s1] =	stream.linear.scatter [tilespmem:s22], [sflag:$0x8], $0x2800, $0x38;
	[tilespmem:$0xE000] =	vst v63  }
0x52: {  	_ =	swait.ge [sflag:s26], $0x2800  }
0x53: {  	[sflag:s26] =	ssyncset.done $0x0  }
0x54: {  	s18 =	sadd.s32 $0x280, s15;
	[sflag:s26] =	ssyncadd.s32 $0xFFFFD800  }
0x55: {  	[tilespmem:s16], [sflag:$0x2] =	stream.indirect.gather [hbm4b:s3+s13], $0x80, s18, s13, $0xb8;
	[tilespmem:$0xE000] =	vst v63  }
0x56: {  	_ =	swait.ge [sflag:s17], $0x2800  }
0x57: {  	[sflag:s17] =	ssyncset.done $0x0  }
0x58: {  	s18 =	sadd.s32 $0x500, s2;
	[sflag:s17] =	ssyncadd.s32 $0xFFFFD800  }
0x59: {  	[hbm4b:s18+s1] =	stream.linear.scatter [tilespmem:s14], [sflag:$0x5], $0x2800, $0x38;
	[tilespmem:$0xE000] =	vst v63  }
0x5a: {  	_ =	swait.ge [sflag:s28], $0x2800  }
0x5b: {  	[sflag:s28] =	ssyncset.done $0x0  }
0x5c: {  	s18 =	sadd.s32 $0x300, s15;
	[sflag:s28] =	ssyncadd.s32 $0xFFFFD800  }
0x5d: {  	[tilespmem:s19], [sflag:$0x3] =	stream.indirect.gather [hbm4b:s3+s13], $0x80, s18, s13, $0xb8;
	[tilespmem:$0xE000] =	vst v63  }
0x5e: {  	_ =	swait.ge [sflag:s20], $0x2800  }
0x5f: {  	[sflag:s20] =	ssyncset.done $0x0  }
.Ltmp0:
0x60: {  	s18 =	sadd.s32 $0xA00, s2;
	[sflag:s20] =	ssyncadd.s32 $0xFFFFD800;
	(pc) =	sbr.rel @p0 .LBB2_2-.Ltmp0, $4  }
0x61: {  	[hbm4b:s18+s1] =	stream.linear.scatter [tilespmem:s16], [sflag:$0x6], $0x2800, $0x38;
	[tilespmem:$0xE000] =	vst v63  }
0x62: {  	_ =	swait.ge [sflag:s29], $0x2800  }
0x63: {  	[sflag:s29] =	ssyncset.done $0x0  }
0x64: {  	s15 =	sadd.s32 $0x380, s15;
	s2 =	sadd.s32 $0x1400, s2;
	[sflag:s29] =	ssyncadd.s32 $0xFFFFD800  }
0x65: {  	[tilespmem:s22], [sflag:$0x4] =	stream.indirect.gather [hbm4b:s3+s13], $0x80, s15, s13, $0xb8;
	[tilespmem:$0xE000] =	vst v63  }
0x66: {  	_ =	swait.ge [sflag:s23], $0x2800  }
0x67: {  	[sflag:s23] =	ssyncset.done $0x0  }
0x68: {  	[sflag:s23] =	ssyncadd.s32 $0xFFFFD800  }
0x69: {  	[hbm4b:s7+s1] =	stream.linear.scatter [tilespmem:s19], [sflag:$0x7], $0x2800, $0x38;
	[tilespmem:$0xE000] =	vst v63  }
0x6a: {  	_ =	swait.ge [sflag:s24], $0x2800  }
0x6b: {  	[sflag:s24] =	ssyncset.done $0x0  }
0x6c: {  	[sflag:s24] =	ssyncadd.s32 $0xFFFFD800  }
0x6d: {  	[tilespmem:s14], [sflag:$0x1] =	stream.indirect.gather [hbm4b:s3+s13], $0x80, s30, s13, $0xb8;
	[tilespmem:$0xE000] =	vst v63  }
0x6e: {  	_ =	swait.ge [sflag:s25], $0x2800  }
0x6f: {  	[sflag:s25] =	ssyncset.done $0x0  }
0x70: {  	[sflag:s25] =	ssyncadd.s32 $0xFFFFD800  }
0x71: {  	[hbm4b:s8+s1] =	stream.linear.scatter [tilespmem:s22], [sflag:$0x8], $0x2800, $0x38;
	[tilespmem:$0xE000] =	vst v63  }
0x72: {  	_ =	swait.ge [sflag:s17], $0x2800  }
0x73: {  	[sflag:s17] =	ssyncset.done $0x0  }
0x74: {  	[sflag:s17] =	ssyncadd.s32 $0xFFFFD800  }
0x75: {  	[hbm4b:s9+s1] =	stream.linear.scatter [tilespmem:s14], [sflag:$0x5], $0x2800, $0x38;
	[tilespmem:$0xE000] =	vst v63  }
0x76: {  	_ =	swait.ge [sflag:s26], $0x2800  }
0x77: {  	[sflag:s26] =	ssyncset.done $0x0  }
0x78: {  	[sflag:s26] =	ssyncadd.s32 $0xFFFFD800  }
0x79: {  	_ =	swait.ge [sflag:s28], $0x2800  }
0x7a: {  	[sflag:s28] =	ssyncset.done $0x0  }
0x7b: {  	s31 =	sadd.s32 $0x1, s31;
	[sflag:s28] =	ssyncadd.s32 $0xFFFFD800  }
0x7c: {  	p0 =	sne.s32 s31, s10;
	_ =	swait.ge [sflag:s29], $0x2800  }
.Ltmp1:
0x7d: {  	[sflag:s29] =	ssyncset.done $0x0;
	(pc) =	sbr.rel @p0 .LBB2_1-.Ltmp1, $4  }
0x7e: {  	[sflag:s29] =	ssyncadd.s32 $0xFFFFD800  }
0x7f: {  	_ =	swait.ge [sflag:s24], $0x2800  }
0x80: {  	[sflag:s24] =	ssyncset.done $0x0  }
0x81: {  	[sflag:s24] =	ssyncadd.s32 $0xFFFFD800  }
0x82: {  	_ =	sfence.sel $0x180000  }
0x83: {  	[bflag:$0x0] =	sbarrier.arrive $0xFFFF  }
0x84: {  	_ =	strace $0x9000004A  }
0x85: {  	s0 =	stileid.u32;
	[bflag:$0x2] =	sbarrier.arrive $0xFFFF  }
0x86: {  	p0 =	sne.s32 s0, $0x0;
	s0 =	rddreg [dreg:$0x2]  }
0x87: {  	s0 =	sadd.s32 @!p0 $0x100000, s0  }
0x88: {  	[sflag:s0] =	ssyncadd.tile.s32 @!p0 $0x1;
	_ =	shalt  }
.Lfunc_end2:
_tile_overlayer_lowered:
.L_overlay_start_2:
0x89: {  	(tag) =	ssettag $0x2  }
0x8a: {  	s0 =	rddreg [dreg:$0x0];
	s2 =	stileid.u32  }
0x8b: {  	s1 =	rddreg [dreg:$0x1];
	p0 =	sne.s32 s2, $0x0  }
0x8c: {  	s3 =	rddreg [dreg:$0x2];
	[bflag:$0x3] =	sbarrier.arrive $0xFFFF;
	s2 =	simm.s32 @!p0 $0x1C09  }
0x8d: {  	[timem:s3], [sflag:s2] =	dma.local @!p0 [hbm:s0], s1  }
0x8e: {  	s0 =	simm.s32 @!p0 $0x9  }
0x8f: {  	_ =	swait.ge @!p0 [sflag:s0], s1  }
0x90: {  	s1 =	ssub.s32 @!p0 $0x0, s1;
	[sflag:s0] =	ssyncset.done @!p0 $0x0  }
0x91: {  	[sflag:s0] =	ssyncadd.s32 @!p0 s1  }
0x92: {  	[bflag:$0x3] =	sbarrier.arrive $0xFFFF  }
0x93: {  	_ =	shalt  }

// kernel: kernel.7.cloned.1.call-start
scs
__scs_entry_jumppad:
0x0: {  	(pc) =	sbr.rel $0x88, $3  }
0x1: {  	(tag) =	ssettag $0x0;
	lr =	simm.s32 $0x1  }
0x2: {  	[smem:$0x3F9A] =	sst lr;
	_ =	strace $0xD0000000  }
0x3: {  	_ = 	snop  }
0x4: {  	_ = 	snop  }
0x5: {  	_ = 	snop  }
0x6: {  	_ = 	snop  }
0x7: {  	_ = 	snop  }
__scs_overlays_trampoline_lowered:
0x8: {  	[smem:$0x3FA9] =	sst s0  }
0x9: {  	[smem:$0x3FAA] =	sst s1  }
0xa: {  	[smem:$0x3FAB] =	sst s2  }
0xb: {  	[smem:$0x3FAC] =	sst s3  }
0xc: {  	[smem:$0x3FAD] =	sst s4  }
0xd: {  	[smem:$0x3FAE] =	sst s5  }
0xe: {  	[smem:$0x3FAF] =	sst s6  }
0xf: {  	[smem:$0x3FB0] =	sst s7  }
0x10: {  	[smem:$0x3FB1] =	sst s8  }
0x11: {  	[smem:$0x3FB2] =	sst s9;
	s0 =	simm.s32 @!p0 $0x0  }
0x12: {  	s1 =	sld [smem:$0x3F98];
	s0 =	simm.s32 @p0 $0x1  }
0x13: {  	[smem:$0x3FB3] =	sst s0;
	s0 =	simm.s32 @!p1 $0x0  }
0x14: {  	s2 =	sld [smem:$0x3F97];
	s0 =	simm.s32 @p1 $0x1  }
0x15: {  	[smem:$0x3FB4] =	sst s0;
	s0 =	simm.s32 @!p2 $0x0  }
0x16: {  	s3 =	sld [smem:$0x3FDB];
	s0 =	simm.s32 @p2 $0x1  }
0x17: {  	s4 =	simm.s32 $0x1BF5;
	[smem:$0x3FB6] =	sst s0  }
0x18: {  	s0 =	sld [smem:$0x3F99];
	_ =	swait.ge [sflag:s4], $0x0  }
0x19: {  	s7 =	sld [smem:$0x3F9A]  }
0x1a: {  	s8 =	sadd.s32 $0xFFFFE003, lr  }
0x1b: {  	s9 =	sadd.s32 $0xFFFFFEF7, lr;
	s5 =	simm.s32 $0xFFFFFFFF;
	p2 =	slt.u32 s8, $0xFFFFF086  }
0x1c: {  	p1 =	slt.u32 s9, $0xF7A;
	s5 =	simm.s32 @!p2 $0x0  }
0x1d: {  	s5 =	simm.s32 @p1 $0x1;
	p0 =	seq.s32 s7, s2  }
0x1e: {  	s7 =	smul.u32 @!p0 $0xF7A, s2;
	p2 =	seq.s32 @!p0 s5, $0x0  }
0x1f: {  	s9 =	smul.u32 $0xF7A, s1;
	s8 =	simm.s32 @!p0 $0x1BF5;
	p2 =	por !p2, p0  }
0x20: {  	[sflag:s8] =	ssyncset.s32 @!p0 $0xFFFFF086;
	s6 =	sadd.s32 @!p0 s3, s7;
	s7 =	simm.s32 @!p0 $0x108  }
0x21: {  	s3 =	sadd.s32 s3, s9;
	s6 =	sadd.s32 @!p0 $0x88, s6;
	s7 =	simm.s32 @p2 $0x1082  }
0x22: {  	[simem:s7], [sflag:s8] =	dma.local @!p0 [hbm:s6], $0xF7A  }
0x23: {  	s9 =	sor.u32 $0xD0000000, s2;
	s6 =	simm.s32 $0x108;
	_ =	swait.ge @!p0 [sflag:s8], $0x0  }
0x24: {  	s3 =	sadd.s32 $0x88, s3;
	s6 =	simm.s32 @!p1 $0x1082;
	[sflag:s4] =	ssyncset.s32 $0xFFFFF086  }
0x25: {  	[simem:s6], [sflag:s4] =	dma.local [hbm:s3], $0xF7A  }
0x26: {  	[smem:$0x3F9A] =	sst s1;
	(tag) =	ssettag s2;
	_ =	strace s9  }
0x27: {  	s1 =	sld [smem:$0x3FAA]  }
0x28: {  	s2 =	sld [smem:$0x3FAB]  }
0x29: {  	s4 =	sld [smem:$0x3FAD]  }
0x2a: {  	p0 =	seq.s32 s5, $0x0;
	s5 =	sld [smem:$0x3FAE]  }
0x2b: {  	s6 =	sld [smem:$0x3FAF]  }
0x2c: {  	s7 =	sld [smem:$0x3FB0]  }
0x2d: {  	s3 =	simm.s32 $0x108;
	s8 =	sld [smem:$0x3FB1]  }
0x2e: {  	s3 =	simm.s32 @!p0 $0x1082;
	s9 =	sld [smem:$0x3FB2]  }
0x2f: {  	lr =	sadd.s32 s0, s3;
	s0 =	sld [smem:$0x3FA9]  }
0x30: {  	s3 =	sld [smem:$0x3FAC]  }
0x31: {  	[smem:$0x3FB5] =	sst s10  }
0x32: {  	s10 =	sld [smem:$0x3FB3];
	_ =	sdelay $0x3  }
0x33: {  	p0 =	seq.s32 s10, $0x1;
	s10 =	sld [smem:$0x3FB5];
	_ =	sdelay $0x3  }
0x34: {  	[smem:$0x3FB5] =	sst s10  }
0x35: {  	s10 =	sld [smem:$0x3FB4];
	_ =	sdelay $0x3  }
0x36: {  	p1 =	seq.s32 s10, $0x1;
	s10 =	sld [smem:$0x3FB5];
	_ =	sdelay $0x3  }
0x37: {  	[smem:$0x3FB5] =	sst s10  }
0x38: {  	s10 =	sld [smem:$0x3FB6]  }
0x39: {  	_ = 	snop;
	(pc) =	sbr.ind lr, $3  }
0x3a: {  	_ = 	snop  }
0x3b: {  	_ = 	snop  }
0x3c: {  	p2 =	seq.s32 s10, $0x1;
	s10 =	sld [smem:$0x3FB5]  }
0x3d: {  	_ =	shalt  }
0x3e: {  	_ =	shalt  }
0x3f: {  	_ =	shalt  }
0x40: {  	_ =	shalt  }
0x41: {  	_ =	shalt  }
0x42: {  	_ =	shalt  }
0x43: {  	_ =	shalt  }
0x44: {  	_ =	shalt  }
0x45: {  	_ =	shalt  }
0x46: {  	_ =	shalt  }
0x47: {  	_ =	shalt  }
0x48: {  	_ =	shalt  }
0x49: {  	_ =	shalt  }
0x4a: {  	_ =	shalt  }
0x4b: {  	_ =	shalt  }
0x4c: {  	_ =	shalt  }
0x4d: {  	_ =	shalt  }
0x4e: {  	_ =	shalt  }
0x4f: {  	_ =	shalt  }
0x50: {  	_ =	shalt  }
0x51: {  	_ =	shalt  }
0x52: {  	_ =	shalt  }
0x53: {  	_ =	shalt  }
0x54: {  	_ =	shalt  }
0x55: {  	_ =	shalt  }
0x56: {  	_ =	shalt  }
0x57: {  	_ =	shalt  }
0x58: {  	_ =	shalt  }
0x59: {  	_ =	shalt  }
0x5a: {  	_ =	shalt  }
0x5b: {  	_ =	shalt  }
0x5c: {  	_ =	shalt  }
0x5d: {  	_ =	shalt  }
0x5e: {  	_ =	shalt  }
0x5f: {  	_ =	shalt  }
0x60: {  	_ =	shalt  }
0x61: {  	_ =	shalt  }
0x62: {  	_ =	shalt  }
0x63: {  	_ =	shalt  }
0x64: {  	_ =	shalt  }
0x65: {  	_ =	shalt  }
0x66: {  	_ =	shalt  }
0x67: {  	_ =	shalt  }
0x68: {  	_ =	shalt  }
0x69: {  	_ =	shalt  }
0x6a: {  	_ =	shalt  }
0x6b: {  	_ =	shalt  }
0x6c: {  	_ =	shalt  }
0x6d: {  	_ =	shalt  }
0x6e: {  	_ =	shalt  }
0x6f: {  	_ =	shalt  }
0x70: {  	_ =	shalt  }
0x71: {  	_ =	shalt  }
0x72: {  	_ =	shalt  }
0x73: {  	_ =	shalt  }
0x74: {  	_ =	shalt  }
0x75: {  	_ =	shalt  }
0x76: {  	_ =	shalt  }
0x77: {  	_ =	shalt  }
0x78: {  	_ =	shalt  }
0x79: {  	_ =	shalt  }
0x7a: {  	_ =	shalt  }
0x7b: {  	_ =	shalt  }
0x7c: {  	_ =	shalt  }
0x7d: {  	_ =	shalt  }
0x7e: {  	_ =	shalt  }
0x7f: {  	_ =	shalt  }
0x80: {  	_ =	shalt  }
0x81: {  	_ =	shalt  }
0x82: {  	_ =	shalt  }
0x83: {  	_ =	shalt  }
0x84: {  	_ =	shalt  }
0x85: {  	_ =	shalt  }
0x86: {  	_ =	shalt  }
0x87: {  	_ =	shalt  }
.Lfunc_end0:
.L_simem_size_0:
called_computation_lowered:
.L_overlay_start_0:
0x88: {  	s2 =	sld [smem:$0x3FD9]  }
0x89: {  	s3 =	sld [smem:$0x3FFE];
	_ =	sdelay $0x1  }
0x8a: {  	s1 =	srdreg.scid  }
0x8b: {  	s0 =	sand.u32 $0x1, s1  }
0x8c: {  	s17 =	sshll.u32 s0, $0xA;
	s2 =	sadd.s32 s3, s2  }
0x8d: {  	s2 =	sadd.s32 s2, s17  }
0x8e: {  	[smem:$0x3FC1] =	sst s2  }
0x8f: {  	_ = 	snop  }
0x90: {  	s2 =	sld [smem:$0x3FD0];
	(tm) =	ssettm $0x1  }
0x91: {  	s18 =	sld [smem:$0x3FFB];
	_ =	sdelay $0x3  }
0x92: {  	_ =	strace s18  }
0x93: {  	s3 =	sld [smem:$0x3FFC];
	_ =	sdelay $0x3  }
0x94: {  	_ =	strace s3  }
0x95: {  	s3 =	sld [smem:$0x3FFD];
	_ =	sdelay $0x3  }
0x96: {  	_ =	strace s3  }
0x97: {  	_ =	strace $0x8FFFFFFF  }
0x98: {  	s19 =	sld [smem:$0x3FDB];
	_ =	sdelay $0x1  }
0x99: {  	s4 =	simm.s32 $_scs_section_size  }
0x9a: {  	s5 =	simm.s32 $_size__tile_overlayer_lowered;
	s6 =	simm.s32 $_tile_overlayer_lowered  }
0x9b: {  	s22 =	simm.s32 $0x1BFF;
	s21 =	sshll.u32 s6, $0x1;
	s3 =	sadd.s32 s4, s19  }
0x9c: {  	s7 =	simm.s32 $0x0;
	s20 =	sshll.u32 s5, $0x1;
	s5 =	sadd.s32 s21, s3  }
0x9d: {  	[timem:s7], [sflag:s22] =	dma.local [hbm:s5], s20  }
0x9e: {  	_ =	swait.ge [sflag:s22], s20  }
0x9f: {  	s4 =	ssub.s32 $0x0, s20;
	[sflag:s22] =	ssyncset.done $0x0  }
0xa0: {  	[sflag:s22] =	ssyncadd.s32 s4;
	_ =	sdelay $0x1  }
0xa1: {  	s23 =	simm.s32 $0x1B8B  }
0xa2: {  	_ =	swait.ge [sflag:s23], $0x1  }
0xa3: {  	[sflag:s23] =	ssyncset.done $0x0  }
0xa4: {  	s25 =	simm.s32 $0x1B8E;
	s24 =	sld [smem:$0x3FFE];
	[sflag:s23] =	ssyncadd.s32 $0xFFFFFFFF  }
0xa5: {  	s26 =	simm.s32 $execute0_lowered;
	[smem:$0x3FD2] =	sst s25  }
0xa6: {  	s5 =	sshll.u32 s26, $0x1;
	_ =	strace $0x80000046;
	[dreg:$0x1] =	wrdreg $0xFFFFFFFF  }
0xa7: {  	s28 =	simm.s32 $_size_execute0_lowered;
	s3 =	sadd.s32 s3, s5;
	[dreg:$0x0] =	wrdreg $0x0  }
0xa8: {  	s5 =	sshll.u32 s28, $0x1;
	[dreg:$0x2] =	wrdreg s3  }
0xa9: {  	[dreg:$0x3] =	wrdreg s5  }
0xaa: {  	[dreg:$0x4] =	wrdreg $0xC0  }
0xab: {  	_ =	task [dreg:s7], $0x5FFFF  }
0xac: {  	[dreg:$0x1] =	wrdreg $0xFFFFFFFF  }
0xad: {  	[dreg:$0x0] =	wrdreg $0x60  }
0xae: {  	[dreg:$0x2] =	wrdreg s24  }
0xaf: {  	[dreg:$0x3] =	wrdreg s2  }
0xb0: {  	[dreg:$0x4] =	wrdreg $0x7A000  }
0xb1: {  	[dreg:$0x5] =	wrdreg $0x9  }
0xb2: {  	_ =	task.clear_ibuf [dreg:s7], $0x6FFFF;
	_ =	strace $0x90000046  }
0xb3: {  	s29 =	simm.s32 $0x9;
	_ =	strace $0x80000048  }
0xb4: {  	_ =	swait.ge [sflag:s29], $0x1  }
0xb5: {  	[sflag:s29] =	ssyncadd.s32 $0xFFFFFFFF  }
0xb6: {  	_ =	strace $0x90000048  }
0xb7: {  	_ =	sfence  }
0xb8: {  	s30 =	sld [smem:$0x0];
	_ =	sdelay $0x2  }
0xb9: {  	s31 =	sshll.u32 s1, $0xD;
	s1 =	sshrl.u32 s1, $0x2  }
0xba: {  	s3 =	sand.u32 $0x4000, s31;
	s1 =	sadd.s32 s1, s30  }
0xbb: {  	s0 =	sor.u32 s3, s0;
	s1 =	sshll.u32 s1, $0x11  }
0xbc: {  	s0 =	sor.u32 s1, s0  }
0xbd: {  	s0 =	sadd.s32 $0x8F2B, s0  }
0xbe: {  	[sflag:s0] =	ssyncadd.remote.s32 $0x1  }
0xbf: {  	_ =	sfence.sel $0xFFFF  }
0xc0: {  	[dreg:$0x0] =	wrdreg $0xFFFFFFFF;
	(pc) =	sbr.abs _section_cstart, $3  }
0xc1: {  	[dreg:$0x1] =	wrdreg $0xFFFFFFFF  }
0xc2: {  	_ =	task.clear_ibuf [dreg:s7], $0x2FFFF;
	_ =	strace $0x9FFFFFFF  }
0xc3: {  	(tm) =	ssettm $0x7FFFFFFF  }
tec
execute0_lowered:
.L_overlay_start_1:
0x0: {  	(tag) =	ssettag $0x1  }
0x1: {  	s0 =	rddreg [dreg:$0x0]  }
0x2: {  	s1 =	rddreg [dreg:$0x1]  }
0x3: {  	s2 =	rddreg [dreg:$0x2];
	s4 =	simm.s32 $0x0  }
0x4: {  	s3 =	srdreg.scid;
	s14 =	stileid.u32;
	s28 =	simm.s32 $0x180  }
0x5: {  	s29 =	simm.s32 $0x3E00;
	s30 =	simm.s32 $0x6600;
	s31 =	simm.s32 $0x1  }
0x6: {  	[smem:$0x7FF] =	sst s4;
	s3 =	sand.u32 $0x1, s3;
	s9 =	smul.u32 $0x13C00, s14  }
0x7: {  	s5 =	sadd.s32 $0x4A400, s0;
	s6 =	sadd.s32 $0x71600, s0;
	s7 =	sadd.s32 $0xBC00, s0  }
0x8: {  	s10 =	sadd.s32 $0x98800, s0;
	s20 =	smul.u32 $0x4F000, s14;
	s23 =	sshll.u32 s14, $0x6  }
0x9: {  	s8 =	smul.u32 $0x13C000, s3;
	_ =	strace $0x80000047;
	s19 =	sshll.u32 s3, $0x4  }
0xa: {  	[dreg:$0x4] =	wrdreg s10;
	s3 =	ssub.s32 $0x2, s3;
	s11 =	sor.u32 s14, s19  }
0xb: {  	s21 =	sshrl.u32 s3, $0x1;
	s8 =	sadd.s32 s9, s8;
	s9 =	smul.u32 $0x2710, s11  }
0xc: {  	s12 =	sshrl.u32 s20, $0x2;
	s19 =	simm.s32 $0x3;
	s10 =	smul.u32 $0xFA00, s11  }
0xd: {  	s20 =	simm.s32 $0x28;
	s3 =	ssub.s32 s3, s21;
	s13 =	smul.u32 $0x138800, s11  }
0xe: {  	s22 =	sadd.s32 s12, s2;
	s15 =	smul.u32 $0x27100, s11;
	s11 =	sor.u32 $0x1C03, s23  }
0xf: {  	s21 =	simm.s32 $0x200;
	s23 =	simm.s32 $0x2A00;
	s8 =	sshrl.u32 s8, $0x3  }
0x10: {  	s17 =	smax.u32 s3, $0x1;
	s18 =	sshrl.u32 s22, $0x3;
	s22 =	simm.s32 $0x80  }
0x11: {  	s3 =	simm.s32 $0x0;
	s0 =	sadd.s32 s8, s0;
	s24 =	sshrl.u32 s10, $0x3  }
0x12: {  	s13 =	sshrl.u32 s13, $0x3;
	s25 =	sadd.s32 s1, s15;
	s12 =	sadd.s32 s7, s24  }
0x13: {  	[dreg:$0x5] =	wrdreg s25;
	s13 =	sadd.s32 s1, s13;
	s0 =	sadd.s32 $0x9B000, s0  }
0x14: {  	s24 =	simm.s32 $0x5200;
	s26 =	sadd.s32 $0x1F20, s12;
	[dreg:$0x8] =	wrdreg s0  }
0x15: {  	s25 =	simm.s32 $0x100;
	s13 =	sadd.s32 $0x26E80, s13;
	[dreg:$0x6] =	wrdreg s26  }
0x16: {  	s0 =	simm.s32 $0x2;
	[dreg:$0x7] =	wrdreg s13;
	s26 =	simm.s32 $0x1600  }
.LBB2_1:
0x17: {  	s8 =	rddreg [dreg:$0x4]  }
0x18: {  	[spmem:s18], [sflag:s11] =	dma.local [hbm:s8], $0x2780  }
0x19: {  	_ =	swait.ge [sflag:s19], $0x2780  }
0x1a: {  	[sflag:s19] =	ssyncset.done $0x0  }
0x1b: {  	[sflag:s19] =	ssyncadd.s32 $0xFFFFD880  }
0x1c: {  	[tilespmem:s4], [sflag:$0x3] =	stream.linear.gather [hbm4b:s12+s4], $0x100, $0x38;
	[tilespmem:$0x1B600] =	vst v63  }
0x1d: {  	_ =	swait.ge [sflag:s19], $0x100  }
0x1e: {  	[sflag:s19] =	ssyncset.done $0x0  }
0x1f: {  	[sflag:s19] =	ssyncadd.s32 $0xFFFFFF00  }
0x20: {  	[tilespmem:s21], [sflag:$0x1] =	stream.indirect.gather [hbm4b:s5+s20], $0x80, s4, s20, $0xb8;
	[tilespmem:$0x1B600] =	vst v63  }
0x21: {  	_ = 	snop  }
0x22: {  	[tilespmem:s23], [sflag:$0x1] =	stream.indirect.gather [hbm4b:s6+s20], $0x80, s22, s20, $0xb8;
	[tilespmem:$0x1B600] =	vst v63  }
0x23: {  	s16 =	rddreg [dreg:$0x5]  }
0x24: {  	[tilespmem:s24], [sflag:$0x1] =	stream.linear.gather [hbm4b:s16+s4], $0x1400, $0x38;
	[tilespmem:$0x1B600] =	vst v63  }
0x25: {  	s8 =	simm.s32 $0x0;
	[bflag:$0x0] =	sbarrier.arrive $0xFFFF  }
.LBB2_2:
0x26: {  	s13 =	sshllo.u32 s8, $0x1  }
0x27: {  	s14 =	sshll.u32 s13, $0x8  }
0x28: {  	s14 =	sadd.s32 s10, s14  }
0x29: {  	s14 =	sshrl.u32 s14, $0x3  }
0x2a: {  	s15 =	simm.s32 $0x0;
	s14 =	sadd.s32 s7, s14  }
0x2b: {  	[tilespmem:s25], [sflag:$0x3] =	stream.linear.gather [hbm4b:s14+s15], $0x100, $0x38;
	[tilespmem:$0x1B600] =	vst v63  }
0x2c: {  	s13 =	smul.u32 $0x28, s13;
	_ =	swait.ge [sflag:s19], $0x100  }
0x2d: {  	[sflag:s19] =	ssyncset.done $0x0  }
0x2e: {  	s13 =	sadd.s32 s9, s13;
	[sflag:s19] =	ssyncadd.s32 $0xFFFFFF00  }
0x2f: {  	[tilespmem:s26], [sflag:$0x2] =	stream.indirect.gather [hbm4b:s5+s20], $0x80, s25, s20, $0xb8;
	[tilespmem:$0x1B600] =	vst v63  }
0x30: {  	s13 =	sshll.u32 s13, $0x4  }
0x31: {  	[tilespmem:s29], [sflag:$0x2] =	stream.indirect.gather [hbm4b:s6+s20], $0x80, s28, s20, $0xb8;
	[tilespmem:$0x1B600] =	vst v63  }
0x32: {  	s13 =	sadd.s32 s1, s13  }
0x33: {  	[tilespmem:s30], [sflag:$0x2] =	stream.linear.gather [hbm4b:s13+s15], $0x1400, $0x38;
	[tilespmem:$0x1B600] =	vst v63  }
0x34: {  	_ =	swait.ge [sflag:s31], $0x1400  }
0x35: {  	[sflag:s31] =	ssyncset.done $0x0  }
0x36: {  	[sflag:s31] =	ssyncadd.s32 $0xFFFFEC00  }
0x37: {  	_ =	swait.ge [sflag:s31], $0x1400  }
0x38: {  	[sflag:s31] =	ssyncset.done $0x0  }
0x39: {  	[sflag:s31] =	ssyncadd.s32 $0xFFFFEC00  }
0x3a: {  	_ =	swait.ge [sflag:s31], $0x1400  }
0x3b: {  	[sflag:s31] =	ssyncset.done $0x0  }
0x3c: {  	s13 =	simm.s32 $0x0;
	[sflag:s31] =	ssyncadd.s32 $0xFFFFEC00  }
0x3d: {  	v0 =	vld [tilespmem:s13+$0x270]  }
0x3e: {  	v1 =	vld [tilespmem:s13+$0x2A70]  }
0x3f: {  	v2 =	vld [tilespmem:s13+$0x200]  }
0x40: {  	v3 =	vld [tilespmem:s13+$0x5270]  }
0x41: {  	v4 =	vld [tilespmem:s13+$0x2A00]  }
0x42: {  	v5 =	vld [tilespmem:s13+$0x210]  }
0x43: {  	v6 =	vld [tilespmem:s13+$0x2A10]  }
0x44: {  	v8 =	vld [tilespmem:s13+$0x2A20]  }
0x45: {  	v9 =	vld [tilespmem:s13+$0x2A30]  }
0x46: {  	v10 =	vld [tilespmem:s13+$0x240]  }
0x47: {  	v11 =	vld [tilespmem:s13+$0x250]  }
0x48: {  	v12 =	vld [tilespmem:s13+$0x2A50]  }
0x49: {  	v13 =	vld [tilespmem:s13+$0x260];
	v0 =	vadd.f32 v1, v0  }
0x4a: {  	v14 =	vld [tilespmem:s13+$0x2A60]  }
0x4b: {  	v15 =	vld [tilespmem:s13+$0x5200];
	v0 =	vadd.f32 v3, v0  }
0x4c: {  	v1 =	vld [tilespmem:s13+$0x220]  }
0x4d: {  	v3 =	vld [tilespmem:s13+$0x230];
	v0 =	vmax.f32 v0, $0.0e+00  }
0x4e: {  	[tilespmem:s13+$0x5270] =	vst v0;
	v0 =	vld [tilespmem:s13+$0x2A40]  }
0x4f: {  	v16 =	vld [tilespmem:s13+$0x5210]  }
0x50: {  	v17 =	vld [tilespmem:s13+$0x5220]  }
0x51: {  	v7 =	vld [tilespmem:s13+$0x5230];
	v2 =	vadd.f32 v4, v2;
	v18 =	vadd.f32 v6, v5  }
0x52: {  	v6 =	vld [tilespmem:s13+$0x5240];
	v19 =	vadd.f32 v8, v1;
	v3 =	vadd.f32 v9, v3  }
0x53: {  	v5 =	vld [tilespmem:s13+$0x5250];
	v1 =	vadd.f32 v0, v10;
	v10 =	vadd.f32 v15, v2  }
0x54: {  	s15 =	simm.s32 $0x80;
	v4 =	vld [tilespmem:s13+$0x5260];
	v9 =	vadd.f32 v16, v18;
	v2 =	vadd.f32 v12, v11  }
0x55: {  	s16 =	simm.s32 $0x400;
	s14 =	sshll.u32 s8, $0x1;
	v8 =	vld [tilespmem:s15+$0x270];
	v0 =	vadd.f32 v14, v13;
	v11 =	vmax.f32 v10, $0.0e+00;
	v10 =	vadd.f32 v17, v19  }
.LBB2_3:
0x56: {  	p0 =	sne.s32 s16, $0x4E00;
	v12 =	vld [tilespmem:s15+$0x2A70];
	[tilespmem:s13+$0x5200] =	vst v11;
	v9 =	vmax.f32 v9, $0.0e+00;
	v3 =	vadd.f32 v7, v3  }
0x57: {  	v7 =	vld [tilespmem:s15+$0x200];
	[tilespmem:s13+$0x5210] =	vst v9;
	v9 =	vmax.f32 v10, $0.0e+00;
	v1 =	vadd.f32 v6, v1  }
0x58: {  	v6 =	vld [tilespmem:s15+$0x5270];
	[tilespmem:s13+$0x5220] =	vst v9;
	v3 =	vmax.f32 v3, $0.0e+00;
	v2 =	vadd.f32 v5, v2  }
0x59: {  	v5 =	vld [tilespmem:s15+$0x2A00];
	[tilespmem:s13+$0x5230] =	vst v3;
	v1 =	vmax.f32 v1, $0.0e+00;
	v0 =	vadd.f32 v4, v0  }
0x5a: {  	v3 =	vld [tilespmem:s15+$0x210];
	[tilespmem:s13+$0x5240] =	vst v1;
	v1 =	vmax.f32 v2, $0.0e+00  }
0x5b: {  	v2 =	vld [tilespmem:s15+$0x2A10];
	v4 =	vadd.f32 v12, v8;
	[tilespmem:s13+$0x5250] =	vst v1;
	v0 =	vmax.f32 v0, $0.0e+00  }
0x5c: {  	v1 =	vld [tilespmem:s15+$0x220];
	[tilespmem:s13+$0x5260] =	vst v0;
	s13 =	smov.u32 s15  }
0x5d: {  	v0 =	vld [tilespmem:s13+$0x2A20];
	v4 =	vadd.f32 v6, v4  }
0x5e: {  	v5 =	vadd.f32 v5, v7;
	v6 =	vld [tilespmem:s13+$0x230]  }
0x5f: {  	v7 =	vld [tilespmem:s13+$0x2A30];
	v4 =	vmax.f32 v4, $0.0e+00  }
0x60: {  	v8 =	vadd.f32 v2, v3;
	v2 =	vld [tilespmem:s13+$0x240];
	[tilespmem:s13+$0x5270] =	vst v4  }
0x61: {  	v4 =	vld [tilespmem:s13+$0x2A40]  }
0x62: {  	v10 =	vadd.f32 v0, v1;
	v0 =	vld [tilespmem:s13+$0x250]  }
0x63: {  	v9 =	vld [tilespmem:s13+$0x2A50]  }
0x64: {  	v3 =	vadd.f32 v7, v6;
	v11 =	vld [tilespmem:s13+$0x260]  }
0x65: {  	v12 =	vld [tilespmem:s13+$0x2A60]  }
0x66: {  	v13 =	vld [tilespmem:s13+$0x5200];
	v1 =	vadd.f32 v4, v2  }
0x67: {  	v4 =	vld [tilespmem:s13+$0x5210]  }
0x68: {  	v14 =	vld [tilespmem:s13+$0x5220];
	v2 =	vadd.f32 v9, v0  }
.Ltmp0:
0x69: {  	v7 =	vld [tilespmem:s13+$0x5230];
	(pc) =	sbr.rel @p0 .LBB2_3-.Ltmp0, $4  }
0x6a: {  	v6 =	vld [tilespmem:s13+$0x5240];
	v0 =	vadd.f32 v12, v11  }
0x6b: {  	v11 =	vadd.f32 v13, v5;
	v5 =	vld [tilespmem:s13+$0x5250]  }
0x6c: {  	s15 =	sshra.s32 s16, $0x2;
	v9 =	vadd.f32 v4, v8;
	v4 =	vld [tilespmem:s13+$0x5260]  }
0x6d: {  	s16 =	sadd.s32 $0x200, s16;
	v8 =	vld [tilespmem:s15+$0x270];
	v11 =	vmax.f32 v11, $0.0e+00;
	v10 =	vadd.f32 v14, v10  }
0x6e: {  	v12 =	vld [tilespmem:s15+$0x2A70]  }
0x6f: {  	v13 =	vld [tilespmem:s15+$0x200]  }
0x70: {  	v14 =	vld [tilespmem:s15+$0x5270]  }
0x71: {  	v15 =	vld [tilespmem:s15+$0x2A00]  }
0x72: {  	v16 =	vld [tilespmem:s15+$0x210]  }
0x73: {  	v17 =	vld [tilespmem:s15+$0x2A10]  }
0x74: {  	v54 =	vld [tilespmem:s15+$0x220]  }
0x75: {  	v18 =	vld [tilespmem:s15+$0x2A20]  }
0x76: {  	v55 =	vld [tilespmem:s15+$0x230]  }
0x77: {  	v19 =	vld [tilespmem:s15+$0x2A30]  }
0x78: {  	v20 =	vld [tilespmem:s15+$0x240]  }
0x79: {  	v21 =	vld [tilespmem:s15+$0x250]  }
0x7a: {  	v22 =	vld [tilespmem:s15+$0x2A50]  }
0x7b: {  	v23 =	vld [tilespmem:s15+$0x260];
	v8 =	vadd.f32 v12, v8  }
0x7c: {  	v24 =	vld [tilespmem:s15+$0x2A60]  }
0x7d: {  	v25 =	vld [tilespmem:s15+$0x5200];
	v8 =	vadd.f32 v14, v8  }
0x7e: {  	[tilespmem:s13+$0x5200] =	vst v11;
	v9 =	vmax.f32 v9, $0.0e+00;
	v3 =	vadd.f32 v7, v3;
	v7 =	vld [tilespmem:s15+$0x5210]  }
0x7f: {  	[tilespmem:s13+$0x5210] =	vst v9;
	v1 =	vadd.f32 v6, v1;
	v6 =	vld [tilespmem:s15+$0x5220];
	v8 =	vmax.f32 v8, $0.0e+00  }
0x80: {  	v9 =	vmax.f32 v10, $0.0e+00;
	[tilespmem:s15+$0x5270] =	vst v8;
	v8 =	vld [tilespmem:s15+$0x2A40]  }
0x81: {  	[tilespmem:s13+$0x5220] =	vst v9;
	v2 =	vadd.f32 v5, v2;
	v3 =	vmax.f32 v3, $0.0e+00;
	v9 =	vld [tilespmem:s15+$0x5230];
	v5 =	vadd.f32 v15, v13  }
0x82: {  	[tilespmem:s13+$0x5230] =	vst v3;
	v0 =	vadd.f32 v4, v0;
	v1 =	vmax.f32 v1, $0.0e+00;
	v4 =	vld [tilespmem:s15+$0x5240];
	v3 =	vadd.f32 v17, v16  }
0x83: {  	v10 =	vld [tilespmem:s15+$0x5250];
	[tilespmem:s13+$0x5240] =	vst v1;
	v2 =	vmax.f32 v2, $0.0e+00;
	v1 =	vadd.f32 v18, v54;
	v5 =	vadd.f32 v25, v5  }
0x84: {  	[tilespmem:s13+$0x5250] =	vst v2;
	v0 =	vmax.f32 v0, $0.0e+00;
	v2 =	vadd.f32 v19, v55;
	v3 =	vadd.f32 v7, v3;
	v7 =	vld [tilespmem:s15+$0x5260]  }
0x85: {  	[tilespmem:s13+$0x5260] =	vst v0;
	v1 =	vadd.f32 v6, v1;
	v5 =	vmax.f32 v5, $0.0e+00;
	v0 =	vadd.f32 v8, v20  }
0x86: {  	v6 =	vadd.f32 v22, v21;
	v2 =	vadd.f32 v9, v2;
	v3 =	vmax.f32 v3, $0.0e+00;
	[tilespmem:s15+$0x5200] =	vst v5  }
0x87: {  	v1 =	vmax.f32 v1, $0.0e+00;
	v5 =	vadd.f32 v24, v23;
	[tilespmem:s15+$0x5210] =	vst v3;
	v0 =	vadd.f32 v4, v0  }
0x88: {  	[tilespmem:s15+$0x5220] =	vst v1;
	v1 =	vmax.f32 v2, $0.0e+00;
	v2 =	vadd.f32 v10, v6  }
0x89: {  	[tilespmem:s15+$0x5230] =	vst v1;
	v1 =	vadd.f32 v7, v5;
	v0 =	vmax.f32 v0, $0.0e+00  }
0x8a: {  	[tilespmem:s15+$0x5240] =	vst v0;
	v0 =	vmax.f32 v2, $0.0e+00  }
0x8b: {  	s14 =	sadd.s32 $0x2, s14;
	[tilespmem:s15+$0x5250] =	vst v0;
	v0 =	vmax.f32 v1, $0.0e+00  }
0x8c: {  	s16 =	sshll.u32 s14, $0x8;
	s13 =	simm.s32 $0x0;
	[tilespmem:s15+$0x5260] =	vst v0  }
0x8d: {  	[spmem:s2] =	stream.indirect.scatter.add.f32 [tilespmem:s24], [sflag:$0x3], $0x80, s13, s20, $0xb8;
	[tilespmem:$0x1B600] =	vst v63  }
0x8e: {  	s15 =	sadd.s32 s10, s16;
	_ =	swait.ge [sflag:s19], $0x1400  }
0x8f: {  	s15 =	sshrl.u32 s15, $0x3;
	[sflag:s19] =	ssyncset.done $0x0  }
0x90: {  	s15 =	sadd.s32 s7, s15;
	[sflag:s19] =	ssyncadd.s32 $0xFFFFEC00  }
0x91: {  	[tilespmem:s13], [sflag:$0x3] =	stream.linear.gather [hbm4b:s15+s13], $0x100, $0x38;
	[tilespmem:$0x1B600] =	vst v63  }
0x92: {  	s14 =	smul.u32 $0x28, s14;
	_ =	swait.ge [sflag:s19], $0x100  }
0x93: {  	[sflag:s19] =	ssyncset.done $0x0  }
0x94: {  	s14 =	sadd.s32 s9, s14;
	[sflag:s19] =	ssyncadd.s32 $0xFFFFFF00  }
0x95: {  	[tilespmem:s21], [sflag:$0x1] =	stream.indirect.gather [hbm4b:s5+s20], $0x80, s13, s20, $0xb8;
	[tilespmem:$0x1B600] =	vst v63  }
0x96: {  	s14 =	sshll.u32 s14, $0x4  }
0x97: {  	[tilespmem:s23], [sflag:$0x1] =	stream.indirect.gather [hbm4b:s6+s20], $0x80, s22, s20, $0xb8;
	[tilespmem:$0x1B600] =	vst v63  }
0x98: {  	s14 =	sadd.s32 s1, s14  }
0x99: {  	[tilespmem:s24], [sflag:$0x1] =	stream.linear.gather [hbm4b:s14+s13], $0x1400, $0x38;
	[tilespmem:$0x1B600] =	vst v63  }
0x9a: {  	_ =	swait.ge [sflag:s0], $0x1400  }
0x9b: {  	[sflag:s0] =	ssyncset.done $0x0  }
0x9c: {  	[sflag:s0] =	ssyncadd.s32 $0xFFFFEC00  }
0x9d: {  	_ =	swait.ge [sflag:s0], $0x1400  }
0x9e: {  	[sflag:s0] =	ssyncset.done $0x0  }
0x9f: {  	[sflag:s0] =	ssyncadd.s32 $0xFFFFEC00  }
0xa0: {  	_ =	swait.ge [sflag:s0], $0x1400  }
0xa1: {  	[sflag:s0] =	ssyncset.done $0x0  }
0xa2: {  	s13 =	simm.s32 $0x0;
	[sflag:s0] =	ssyncadd.s32 $0xFFFFEC00  }
0xa3: {  	v0 =	vld [tilespmem:s13+$0x1670]  }
0xa4: {  	v1 =	vld [tilespmem:s13+$0x3E70]  }
0xa5: {  	v2 =	vld [tilespmem:s13+$0x1600]  }
0xa6: {  	v3 =	vld [tilespmem:s13+$0x6670]  }
0xa7: {  	v4 =	vld [tilespmem:s13+$0x3E00]  }
0xa8: {  	v5 =	vld [tilespmem:s13+$0x1610]  }
0xa9: {  	v6 =	vld [tilespmem:s13+$0x3E10]  }
0xaa: {  	v8 =	vld [tilespmem:s13+$0x3E20]  }
0xab: {  	v9 =	vld [tilespmem:s13+$0x3E30]  }
0xac: {  	v10 =	vld [tilespmem:s13+$0x1640]  }
0xad: {  	v11 =	vld [tilespmem:s13+$0x1650]  }
0xae: {  	v56 =	vld [tilespmem:s13+$0x3E50]  }
0xaf: {  	v57 =	vld [tilespmem:s13+$0x1660];
	v0 =	vadd.f32 v1, v0  }
0xb0: {  	v58 =	vld [tilespmem:s13+$0x3E60]  }
0xb1: {  	v59 =	vld [tilespmem:s13+$0x6600];
	v0 =	vadd.f32 v3, v0  }
0xb2: {  	v1 =	vld [tilespmem:s13+$0x1620]  }
0xb3: {  	v3 =	vld [tilespmem:s13+$0x1630];
	v0 =	vmax.f32 v0, $0.0e+00  }
0xb4: {  	[tilespmem:s13+$0x6670] =	vst v0;
	v0 =	vld [tilespmem:s13+$0x3E40]  }
0xb5: {  	v60 =	vld [tilespmem:s13+$0x6610]  }
0xb6: {  	v61 =	vld [tilespmem:s13+$0x6620]  }
0xb7: {  	v7 =	vld [tilespmem:s13+$0x6630];
	v2 =	vadd.f32 v4, v2;
	v62 =	vadd.f32 v6, v5  }
0xb8: {  	v6 =	vld [tilespmem:s13+$0x6640];
	v63 =	vadd.f32 v8, v1;
	v3 =	vadd.f32 v9, v3  }
0xb9: {  	v5 =	vld [tilespmem:s13+$0x6650];
	v1 =	vadd.f32 v0, v10;
	v10 =	vadd.f32 v59, v2  }
0xba: {  	s14 =	simm.s32 $0x80;
	v4 =	vld [tilespmem:s13+$0x6660];
	v9 =	vadd.f32 v60, v62;
	v2 =	vadd.f32 v56, v11  }
0xbb: {  	s15 =	simm.s32 $0x400;
	v8 =	vld [tilespmem:s14+$0x1670];
	v0 =	vadd.f32 v58, v57;
	v11 =	vmax.f32 v10, $0.0e+00;
	v10 =	vadd.f32 v61, v63  }
.LBB2_5:
0xbc: {  	p0 =	sne.s32 s15, $0x4E00;
	v12 =	vld [tilespmem:s14+$0x3E70];
	[tilespmem:s13+$0x6600] =	vst v11;
	v9 =	vmax.f32 v9, $0.0e+00;
	v3 =	vadd.f32 v7, v3  }
0xbd: {  	v7 =	vld [tilespmem:s14+$0x1600];
	[tilespmem:s13+$0x6610] =	vst v9;
	v9 =	vmax.f32 v10, $0.0e+00;
	v1 =	vadd.f32 v6, v1  }
0xbe: {  	v6 =	vld [tilespmem:s14+$0x6670];
	[tilespmem:s13+$0x6620] =	vst v9;
	v3 =	vmax.f32 v3, $0.0e+00;
	v2 =	vadd.f32 v5, v2  }
0xbf: {  	v5 =	vld [tilespmem:s14+$0x3E00];
	[tilespmem:s13+$0x6630] =	vst v3;
	v1 =	vmax.f32 v1, $0.0e+00;
	v0 =	vadd.f32 v4, v0  }
0xc0: {  	v3 =	vld [tilespmem:s14+$0x1610];
	[tilespmem:s13+$0x6640] =	vst v1;
	v1 =	vmax.f32 v2, $0.0e+00  }
0xc1: {  	v2 =	vld [tilespmem:s14+$0x3E10];
	v4 =	vadd.f32 v12, v8;
	[tilespmem:s13+$0x6650] =	vst v1;
	v0 =	vmax.f32 v0, $0.0e+00  }
0xc2: {  	v1 =	vld [tilespmem:s14+$0x1620];
	[tilespmem:s13+$0x6660] =	vst v0;
	s13 =	smov.u32 s14  }
0xc3: {  	v0 =	vld [tilespmem:s13+$0x3E20];
	v4 =	vadd.f32 v6, v4  }
0xc4: {  	v5 =	vadd.f32 v5, v7;
	v6 =	vld [tilespmem:s13+$0x1630]  }
0xc5: {  	v7 =	vld [tilespmem:s13+$0x3E30];
	v4 =	vmax.f32 v4, $0.0e+00  }
0xc6: {  	v8 =	vadd.f32 v2, v3;
	v2 =	vld [tilespmem:s13+$0x1640];
	[tilespmem:s13+$0x6670] =	vst v4  }
0xc7: {  	v4 =	vld [tilespmem:s13+$0x3E40]  }
0xc8: {  	v10 =	vadd.f32 v0, v1;
	v0 =	vld [tilespmem:s13+$0x1650]  }
0xc9: {  	v9 =	vld [tilespmem:s13+$0x3E50]  }
0xca: {  	v3 =	vadd.f32 v7, v6;
	v11 =	vld [tilespmem:s13+$0x1660]  }
0xcb: {  	v12 =	vld [tilespmem:s13+$0x3E60]  }
0xcc: {  	v13 =	vld [tilespmem:s13+$0x6600];
	v1 =	vadd.f32 v4, v2  }
0xcd: {  	v4 =	vld [tilespmem:s13+$0x6610]  }
0xce: {  	v14 =	vld [tilespmem:s13+$0x6620];
	v2 =	vadd.f32 v9, v0  }
.Ltmp1:
0xcf: {  	v7 =	vld [tilespmem:s13+$0x6630];
	(pc) =	sbr.rel @p0 .LBB2_5-.Ltmp1, $4  }
0xd0: {  	v6 =	vld [tilespmem:s13+$0x6640];
	v0 =	vadd.f32 v12, v11  }
0xd1: {  	v11 =	vadd.f32 v13, v5;
	v5 =	vld [tilespmem:s13+$0x6650]  }
0xd2: {  	s14 =	sshra.s32 s15, $0x2;
	v9 =	vadd.f32 v4, v8;
	v4 =	vld [tilespmem:s13+$0x6660]  }
0xd3: {  	s15 =	sadd.s32 $0x200, s15;
	v8 =	vld [tilespmem:s14+$0x1670];
	v11 =	vmax.f32 v11, $0.0e+00;
	v10 =	vadd.f32 v14, v10  }
0xd4: {  	v12 =	vld [tilespmem:s14+$0x3E70]  }
0xd5: {  	v13 =	vld [tilespmem:s14+$0x1600]  }
0xd6: {  	v14 =	vld [tilespmem:s14+$0x6670]  }
0xd7: {  	v15 =	vld [tilespmem:s14+$0x3E00]  }
0xd8: {  	v16 =	vld [tilespmem:s14+$0x1610]  }
0xd9: {  	v17 =	vld [tilespmem:s14+$0x3E10]  }
0xda: {  	v42 =	vld [tilespmem:s14+$0x1620]  }
0xdb: {  	v18 =	vld [tilespmem:s14+$0x3E20]  }
0xdc: {  	v43 =	vld [tilespmem:s14+$0x1630]  }
0xdd: {  	v19 =	vld [tilespmem:s14+$0x3E30]  }
0xde: {  	v20 =	vld [tilespmem:s14+$0x1640]  }
0xdf: {  	v44 =	vld [tilespmem:s14+$0x3E40]  }
0xe0: {  	v21 =	vld [tilespmem:s14+$0x1650]  }
0xe1: {  	v22 =	vld [tilespmem:s14+$0x3E50]  }
0xe2: {  	v23 =	vld [tilespmem:s14+$0x1660]  }
0xe3: {  	v24 =	vld [tilespmem:s14+$0x3E60]  }
0xe4: {  	v25 =	vld [tilespmem:s14+$0x6600];
	[tilespmem:s13+$0x6600] =	vst v11;
	v9 =	vmax.f32 v9, $0.0e+00;
	v3 =	vadd.f32 v7, v3  }
0xe5: {  	v45 =	vld [tilespmem:s14+$0x6610];
	[tilespmem:s13+$0x6610] =	vst v9;
	v46 =	vmax.f32 v10, $0.0e+00;
	v1 =	vadd.f32 v6, v1  }
0xe6: {  	v47 =	vld [tilespmem:s14+$0x6620];
	[tilespmem:s13+$0x6620] =	vst v46;
	v2 =	vadd.f32 v5, v2;
	v3 =	vmax.f32 v3, $0.0e+00;
	v8 =	vadd.f32 v12, v8  }
0xe7: {  	v49 =	vld [tilespmem:s14+$0x6630];
	[tilespmem:s13+$0x6630] =	vst v3;
	v0 =	vadd.f32 v4, v0;
	v1 =	vmax.f32 v1, $0.0e+00;
	v48 =	vadd.f32 v15, v13  }
0xe8: {  	v51 =	vld [tilespmem:s14+$0x6640];
	[tilespmem:s13+$0x6640] =	vst v1;
	v2 =	vmax.f32 v2, $0.0e+00;
	v50 =	vadd.f32 v17, v16;
	v8 =	vadd.f32 v14, v8  }
0xe9: {  	v53 =	vld [tilespmem:s14+$0x6650];
	v52 =	vadd.f32 v18, v42;
	[tilespmem:s13+$0x6650] =	vst v2;
	v0 =	vmax.f32 v0, $0.0e+00;
	v5 =	vadd.f32 v25, v48  }
0xea: {  	v55 =	vld [tilespmem:s14+$0x6660];
	v54 =	vadd.f32 v19, v43;
	[tilespmem:s13+$0x6660] =	vst v0;
	v3 =	vadd.f32 v45, v50;
	v8 =	vmax.f32 v8, $0.0e+00  }
0xeb: {  	v56 =	vadd.f32 v44, v20;
	v1 =	vadd.f32 v47, v52;
	v5 =	vmax.f32 v5, $0.0e+00;
	[tilespmem:s14+$0x6670] =	vst v8  }
0xec: {  	v57 =	vadd.f32 v22, v21;
	v2 =	vadd.f32 v49, v54;
	v3 =	vmax.f32 v3, $0.0e+00;
	[tilespmem:s14+$0x6600] =	vst v5  }
0xed: {  	v58 =	vadd.f32 v24, v23;
	v0 =	vadd.f32 v51, v56;
	v1 =	vmax.f32 v1, $0.0e+00;
	[tilespmem:s14+$0x6610] =	vst v3  }
0xee: {  	v60 =	vadd.f32 v53, v57;
	v59 =	vmax.f32 v2, $0.0e+00;
	[tilespmem:s14+$0x6620] =	vst v1  }
0xef: {  	v61 =	vadd.f32 v55, v58;
	v0 =	vmax.f32 v0, $0.0e+00;
	[tilespmem:s14+$0x6630] =	vst v59  }
0xf0: {  	s8 =	sadd.s32 $0x1, s8;
	v62 =	vmax.f32 v60, $0.0e+00;
	[tilespmem:s14+$0x6640] =	vst v0  }
0xf1: {  	p0 =	sne.s32 s8, $0x7C;
	v63 =	vmax.f32 v61, $0.0e+00;
	[tilespmem:s14+$0x6650] =	vst v62  }
.Ltmp2:
0xf2: {  	[tilespmem:s14+$0x6660] =	vst v63;
	(pc) =	sbr.rel @p0 .LBB2_2-.Ltmp2, $4  }
0xf3: {  	[spmem:s2] =	stream.indirect.scatter.add.f32 [tilespmem:s30], [sflag:$0x3], $0x80, s25, s20, $0xb8;
	[tilespmem:$0x1B600] =	vst v63  }
0xf4: {  	_ =	swait.ge [sflag:s19], $0x1400  }
0xf5: {  	[sflag:s19] =	ssyncset.done $0x0  }
0xf6: {  	[sflag:s19] =	ssyncadd.s32 $0xFFFFEC00  }
0xf7: {  	s8 =	simm.s32 $0x0;
	s13 =	rddreg [dreg:$0x6]  }
0xf8: {  	[tilespmem:s25], [sflag:$0x3] =	stream.linear.gather [hbm4b:s13+s8], $0x100, $0x38;
	[tilespmem:$0x1B600] =	vst v63  }
0xf9: {  	_ =	swait.ge [sflag:s19], $0x100  }
0xfa: {  	[sflag:s19] =	ssyncset.done $0x0  }
0xfb: {  	[sflag:s19] =	ssyncadd.s32 $0xFFFFFF00  }
0xfc: {  	[tilespmem:s26], [sflag:$0x2] =	stream.indirect.gather [hbm4b:s5+s20], $0x80, s25, s20, $0xb8;
	[tilespmem:$0x1B600] =	vst v63  }
0xfd: {  	_ = 	snop  }
0xfe: {  	[tilespmem:s29], [sflag:$0x2] =	stream.indirect.gather [hbm4b:s6+s20], $0x80, s28, s20, $0xb8;
	[tilespmem:$0x1B600] =	vst v63  }
0xff: {  	s16 =	rddreg [dreg:$0x7]  }
0x100: {  	[tilespmem:s30], [sflag:$0x2] =	stream.linear.gather [hbm4b:s16+s8], $0x1400, $0x38;
	[tilespmem:$0x1B600] =	vst v63  }
0x101: {  	_ =	swait.ge [sflag:s31], $0x1400  }
0x102: {  	[sflag:s31] =	ssyncset.done $0x0  }
0x103: {  	[sflag:s31] =	ssyncadd.s32 $0xFFFFEC00  }
0x104: {  	_ =	swait.ge [sflag:s31], $0x1400  }
0x105: {  	[sflag:s31] =	ssyncset.done $0x0  }
0x106: {  	[sflag:s31] =	ssyncadd.s32 $0xFFFFEC00  }
0x107: {  	_ =	swait.ge [sflag:s31], $0x1400  }
0x108: {  	[sflag:s31] =	ssyncset.done $0x0  }
0x109: {  	s8 =	simm.s32 $0x0;
	[sflag:s31] =	ssyncadd.s32 $0xFFFFEC00  }
0x10a: {  	v0 =	vld [tilespmem:s8+$0x270]  }
0x10b: {  	v1 =	vld [tilespmem:s8+$0x2A70]  }
0x10c: {  	v2 =	vld [tilespmem:s8+$0x200]  }
0x10d: {  	v3 =	vld [tilespmem:s8+$0x5270]  }
0x10e: {  	v4 =	vld [tilespmem:s8+$0x2A00]  }
0x10f: {  	v5 =	vld [tilespmem:s8+$0x210]  }
0x110: {  	v6 =	vld [tilespmem:s8+$0x2A10]  }
0x111: {  	v8 =	vld [tilespmem:s8+$0x2A20]  }
0x112: {  	v9 =	vld [tilespmem:s8+$0x2A30]  }
0x113: {  	v10 =	vld [tilespmem:s8+$0x240]  }
0x114: {  	v11 =	vld [tilespmem:s8+$0x250]  }
0x115: {  	v12 =	vld [tilespmem:s8+$0x2A50]  }
0x116: {  	v13 =	vld [tilespmem:s8+$0x260];
	v0 =	vadd.f32 v1, v0  }
0x117: {  	v14 =	vld [tilespmem:s8+$0x2A60]  }
0x118: {  	v15 =	vld [tilespmem:s8+$0x5200];
	v0 =	vadd.f32 v3, v0  }
0x119: {  	v1 =	vld [tilespmem:s8+$0x220]  }
0x11a: {  	v3 =	vld [tilespmem:s8+$0x230];
	v0 =	vmax.f32 v0, $0.0e+00  }
0x11b: {  	[tilespmem:s8+$0x5270] =	vst v0;
	v0 =	vld [tilespmem:s8+$0x2A40]  }
0x11c: {  	v16 =	vld [tilespmem:s8+$0x5210]  }
0x11d: {  	v17 =	vld [tilespmem:s8+$0x5220]  }
0x11e: {  	v7 =	vld [tilespmem:s8+$0x5230];
	v2 =	vadd.f32 v4, v2;
	v18 =	vadd.f32 v6, v5  }
0x11f: {  	v6 =	vld [tilespmem:s8+$0x5240];
	v19 =	vadd.f32 v8, v1;
	v3 =	vadd.f32 v9, v3  }
0x120: {  	v5 =	vld [tilespmem:s8+$0x5250];
	v1 =	vadd.f32 v0, v10;
	v10 =	vadd.f32 v15, v2  }
0x121: {  	s13 =	simm.s32 $0x80;
	v4 =	vld [tilespmem:s8+$0x5260];
	v9 =	vadd.f32 v16, v18;
	v2 =	vadd.f32 v12, v11  }
0x122: {  	s14 =	simm.s32 $0x400;
	v8 =	vld [tilespmem:s13+$0x270];
	v0 =	vadd.f32 v14, v13;
	v11 =	vmax.f32 v10, $0.0e+00;
	v10 =	vadd.f32 v17, v19  }
.LBB2_8:
0x123: {  	p0 =	sne.s32 s14, $0x4E00;
	v12 =	vld [tilespmem:s13+$0x2A70];
	[tilespmem:s8+$0x5200] =	vst v11;
	v9 =	vmax.f32 v9, $0.0e+00;
	v3 =	vadd.f32 v7, v3  }
0x124: {  	v7 =	vld [tilespmem:s13+$0x200];
	[tilespmem:s8+$0x5210] =	vst v9;
	v9 =	vmax.f32 v10, $0.0e+00;
	v1 =	vadd.f32 v6, v1  }
0x125: {  	v6 =	vld [tilespmem:s13+$0x5270];
	[tilespmem:s8+$0x5220] =	vst v9;
	v3 =	vmax.f32 v3, $0.0e+00;
	v2 =	vadd.f32 v5, v2  }
0x126: {  	v5 =	vld [tilespmem:s13+$0x2A00];
	[tilespmem:s8+$0x5230] =	vst v3;
	v1 =	vmax.f32 v1, $0.0e+00;
	v0 =	vadd.f32 v4, v0  }
0x127: {  	v3 =	vld [tilespmem:s13+$0x210];
	[tilespmem:s8+$0x5240] =	vst v1;
	v1 =	vmax.f32 v2, $0.0e+00  }
0x128: {  	v2 =	vld [tilespmem:s13+$0x2A10];
	v4 =	vadd.f32 v12, v8;
	[tilespmem:s8+$0x5250] =	vst v1;
	v0 =	vmax.f32 v0, $0.0e+00  }
0x129: {  	v1 =	vld [tilespmem:s13+$0x220];
	[tilespmem:s8+$0x5260] =	vst v0;
	s8 =	smov.u32 s13  }
0x12a: {  	v0 =	vld [tilespmem:s8+$0x2A20];
	v4 =	vadd.f32 v6, v4  }
0x12b: {  	v5 =	vadd.f32 v5, v7;
	v6 =	vld [tilespmem:s8+$0x230]  }
0x12c: {  	v7 =	vld [tilespmem:s8+$0x2A30];
	v4 =	vmax.f32 v4, $0.0e+00  }
0x12d: {  	v8 =	vadd.f32 v2, v3;
	v2 =	vld [tilespmem:s8+$0x240];
	[tilespmem:s8+$0x5270] =	vst v4  }
0x12e: {  	v4 =	vld [tilespmem:s8+$0x2A40]  }
0x12f: {  	v10 =	vadd.f32 v0, v1;
	v0 =	vld [tilespmem:s8+$0x250]  }
0x130: {  	v9 =	vld [tilespmem:s8+$0x2A50]  }
0x131: {  	v3 =	vadd.f32 v7, v6;
	v11 =	vld [tilespmem:s8+$0x260]  }
0x132: {  	v12 =	vld [tilespmem:s8+$0x2A60]  }
0x133: {  	v13 =	vld [tilespmem:s8+$0x5200];
	v1 =	vadd.f32 v4, v2  }
0x134: {  	v4 =	vld [tilespmem:s8+$0x5210]  }
0x135: {  	v14 =	vld [tilespmem:s8+$0x5220];
	v2 =	vadd.f32 v9, v0  }
.Ltmp3:
0x136: {  	v7 =	vld [tilespmem:s8+$0x5230];
	(pc) =	sbr.rel @p0 .LBB2_8-.Ltmp3, $4  }
0x137: {  	v6 =	vld [tilespmem:s8+$0x5240];
	v0 =	vadd.f32 v12, v11  }
0x138: {  	v11 =	vadd.f32 v13, v5;
	v5 =	vld [tilespmem:s8+$0x5250]  }
0x139: {  	s13 =	sshra.s32 s14, $0x2;
	v9 =	vadd.f32 v4, v8;
	v4 =	vld [tilespmem:s8+$0x5260]  }
0x13a: {  	s14 =	sadd.s32 $0x200, s14;
	v8 =	vld [tilespmem:s13+$0x270];
	v11 =	vmax.f32 v11, $0.0e+00;
	v10 =	vadd.f32 v14, v10  }
0x13b: {  	v12 =	vld [tilespmem:s13+$0x2A70]  }
0x13c: {  	v13 =	vld [tilespmem:s13+$0x200]  }
0x13d: {  	v14 =	vld [tilespmem:s13+$0x5270]  }
0x13e: {  	v15 =	vld [tilespmem:s13+$0x2A00]  }
0x13f: {  	v16 =	vld [tilespmem:s13+$0x210]  }
0x140: {  	v17 =	vld [tilespmem:s13+$0x2A10]  }
0x141: {  	v54 =	vld [tilespmem:s13+$0x220]  }
0x142: {  	v18 =	vld [tilespmem:s13+$0x2A20]  }
0x143: {  	v55 =	vld [tilespmem:s13+$0x230]  }
0x144: {  	v19 =	vld [tilespmem:s13+$0x2A30]  }
0x145: {  	v20 =	vld [tilespmem:s13+$0x240]  }
0x146: {  	v21 =	vld [tilespmem:s13+$0x250]  }
0x147: {  	v22 =	vld [tilespmem:s13+$0x2A50]  }
0x148: {  	v23 =	vld [tilespmem:s13+$0x260];
	v8 =	vadd.f32 v12, v8  }
0x149: {  	v24 =	vld [tilespmem:s13+$0x2A60]  }
0x14a: {  	v25 =	vld [tilespmem:s13+$0x5200];
	v8 =	vadd.f32 v14, v8  }
0x14b: {  	[tilespmem:s8+$0x5200] =	vst v11;
	v9 =	vmax.f32 v9, $0.0e+00;
	v3 =	vadd.f32 v7, v3;
	v7 =	vld [tilespmem:s13+$0x5210]  }
0x14c: {  	[tilespmem:s8+$0x5210] =	vst v9;
	v1 =	vadd.f32 v6, v1;
	v6 =	vld [tilespmem:s13+$0x5220];
	v8 =	vmax.f32 v8, $0.0e+00  }
0x14d: {  	v9 =	vmax.f32 v10, $0.0e+00;
	[tilespmem:s13+$0x5270] =	vst v8;
	v8 =	vld [tilespmem:s13+$0x2A40]  }
0x14e: {  	[tilespmem:s8+$0x5220] =	vst v9;
	v2 =	vadd.f32 v5, v2;
	v3 =	vmax.f32 v3, $0.0e+00;
	v9 =	vld [tilespmem:s13+$0x5230];
	v5 =	vadd.f32 v15, v13  }
0x14f: {  	[tilespmem:s8+$0x5230] =	vst v3;
	v0 =	vadd.f32 v4, v0;
	v1 =	vmax.f32 v1, $0.0e+00;
	v4 =	vld [tilespmem:s13+$0x5240];
	v3 =	vadd.f32 v17, v16  }
0x150: {  	v10 =	vld [tilespmem:s13+$0x5250];
	[tilespmem:s8+$0x5240] =	vst v1;
	v2 =	vmax.f32 v2, $0.0e+00;
	v1 =	vadd.f32 v18, v54;
	v5 =	vadd.f32 v25, v5  }
0x151: {  	[tilespmem:s8+$0x5250] =	vst v2;
	v0 =	vmax.f32 v0, $0.0e+00;
	v2 =	vadd.f32 v19, v55;
	v3 =	vadd.f32 v7, v3;
	v7 =	vld [tilespmem:s13+$0x5260]  }
0x152: {  	[tilespmem:s8+$0x5260] =	vst v0;
	v1 =	vadd.f32 v6, v1;
	v5 =	vmax.f32 v5, $0.0e+00;
	v0 =	vadd.f32 v8, v20  }
0x153: {  	v6 =	vadd.f32 v22, v21;
	v2 =	vadd.f32 v9, v2;
	v3 =	vmax.f32 v3, $0.0e+00;
	[tilespmem:s13+$0x5200] =	vst v5  }
0x154: {  	v1 =	vmax.f32 v1, $0.0e+00;
	v5 =	vadd.f32 v24, v23;
	[tilespmem:s13+$0x5210] =	vst v3;
	v0 =	vadd.f32 v4, v0  }
0x155: {  	[tilespmem:s13+$0x5220] =	vst v1;
	v1 =	vmax.f32 v2, $0.0e+00;
	v2 =	vadd.f32 v10, v6  }
0x156: {  	[tilespmem:s13+$0x5230] =	vst v1;
	v1 =	vadd.f32 v7, v5;
	v0 =	vmax.f32 v0, $0.0e+00  }
0x157: {  	[tilespmem:s13+$0x5240] =	vst v0;
	v0 =	vmax.f32 v2, $0.0e+00  }
0x158: {  	[tilespmem:s13+$0x5250] =	vst v0;
	v0 =	vmax.f32 v1, $0.0e+00  }
0x159: {  	s16 =	simm.s32 $0x0;
	[tilespmem:s13+$0x5260] =	vst v0  }
0x15a: {  	[spmem:s2] =	stream.indirect.scatter.add.f32 [tilespmem:s24], [sflag:$0x3], $0x80, s16, s20, $0xb8;
	[tilespmem:$0x1B600] =	vst v63  }
0x15b: {  	_ =	swait.ge [sflag:s19], $0x1400  }
0x15c: {  	[sflag:s19] =	ssyncset.done $0x0  }
0x15d: {  	[sflag:s19] =	ssyncadd.s32 $0xFFFFEC00  }
0x15e: {  	_ =	swait.ge [sflag:s0], $0x1400  }
0x15f: {  	[sflag:s0] =	ssyncset.done $0x0  }
0x160: {  	[sflag:s0] =	ssyncadd.s32 $0xFFFFEC00  }
0x161: {  	_ =	swait.ge [sflag:s0], $0x1400  }
0x162: {  	[sflag:s0] =	ssyncset.done $0x0  }
0x163: {  	[sflag:s0] =	ssyncadd.s32 $0xFFFFEC00  }
0x164: {  	_ =	swait.ge [sflag:s0], $0x1400  }
0x165: {  	[sflag:s0] =	ssyncset.done $0x0  }
0x166: {  	s8 =	simm.s32 $0x0;
	[sflag:s0] =	ssyncadd.s32 $0xFFFFEC00  }
0x167: {  	v0 =	vld [tilespmem:s8+$0x1670]  }
0x168: {  	v1 =	vld [tilespmem:s8+$0x3E70]  }
0x169: {  	v2 =	vld [tilespmem:s8+$0x1600]  }
0x16a: {  	v3 =	vld [tilespmem:s8+$0x6670]  }
0x16b: {  	v4 =	vld [tilespmem:s8+$0x3E00]  }
0x16c: {  	v5 =	vld [tilespmem:s8+$0x1610]  }
0x16d: {  	v6 =	vld [tilespmem:s8+$0x3E10]  }
0x16e: {  	v8 =	vld [tilespmem:s8+$0x3E20]  }
0x16f: {  	v9 =	vld [tilespmem:s8+$0x3E30]  }
0x170: {  	v10 =	vld [tilespmem:s8+$0x1640]  }
0x171: {  	v11 =	vld [tilespmem:s8+$0x1650]  }
0x172: {  	v56 =	vld [tilespmem:s8+$0x3E50]  }
0x173: {  	v57 =	vld [tilespmem:s8+$0x1660];
	v0 =	vadd.f32 v1, v0  }
0x174: {  	v58 =	vld [tilespmem:s8+$0x3E60]  }
0x175: {  	v59 =	vld [tilespmem:s8+$0x6600];
	v0 =	vadd.f32 v3, v0  }
0x176: {  	v1 =	vld [tilespmem:s8+$0x1620]  }
0x177: {  	v3 =	vld [tilespmem:s8+$0x1630];
	v0 =	vmax.f32 v0, $0.0e+00  }
0x178: {  	[tilespmem:s8+$0x6670] =	vst v0;
	v0 =	vld [tilespmem:s8+$0x3E40]  }
0x179: {  	v60 =	vld [tilespmem:s8+$0x6610]  }
0x17a: {  	v61 =	vld [tilespmem:s8+$0x6620]  }
0x17b: {  	v7 =	vld [tilespmem:s8+$0x6630];
	v2 =	vadd.f32 v4, v2;
	v62 =	vadd.f32 v6, v5  }
0x17c: {  	v6 =	vld [tilespmem:s8+$0x6640];
	v63 =	vadd.f32 v8, v1;
	v3 =	vadd.f32 v9, v3  }
0x17d: {  	v5 =	vld [tilespmem:s8+$0x6650];
	v1 =	vadd.f32 v0, v10;
	v10 =	vadd.f32 v59, v2  }
0x17e: {  	s13 =	simm.s32 $0x80;
	v4 =	vld [tilespmem:s8+$0x6660];
	v9 =	vadd.f32 v60, v62;
	v2 =	vadd.f32 v56, v11  }
0x17f: {  	s14 =	simm.s32 $0x400;
	v8 =	vld [tilespmem:s13+$0x1670];
	v0 =	vadd.f32 v58, v57;
	v11 =	vmax.f32 v10, $0.0e+00;
	v10 =	vadd.f32 v61, v63  }
.LBB2_10:
0x180: {  	p0 =	sne.s32 s14, $0x4E00;
	v12 =	vld [tilespmem:s13+$0x3E70];
	[tilespmem:s8+$0x6600] =	vst v11;
	v9 =	vmax.f32 v9, $0.0e+00;
	v3 =	vadd.f32 v7, v3  }
0x181: {  	v7 =	vld [tilespmem:s13+$0x1600];
	[tilespmem:s8+$0x6610] =	vst v9;
	v9 =	vmax.f32 v10, $0.0e+00;
	v1 =	vadd.f32 v6, v1  }
0x182: {  	v6 =	vld [tilespmem:s13+$0x6670];
	[tilespmem:s8+$0x6620] =	vst v9;
	v3 =	vmax.f32 v3, $0.0e+00;
	v2 =	vadd.f32 v5, v2  }
0x183: {  	v5 =	vld [tilespmem:s13+$0x3E00];
	[tilespmem:s8+$0x6630] =	vst v3;
	v1 =	vmax.f32 v1, $0.0e+00;
	v0 =	vadd.f32 v4, v0  }
0x184: {  	v3 =	vld [tilespmem:s13+$0x1610];
	[tilespmem:s8+$0x6640] =	vst v1;
	v1 =	vmax.f32 v2, $0.0e+00  }
0x185: {  	v2 =	vld [tilespmem:s13+$0x3E10];
	v4 =	vadd.f32 v12, v8;
	[tilespmem:s8+$0x6650] =	vst v1;
	v0 =	vmax.f32 v0, $0.0e+00  }
0x186: {  	v1 =	vld [tilespmem:s13+$0x1620];
	[tilespmem:s8+$0x6660] =	vst v0;
	s8 =	smov.u32 s13  }
0x187: {  	v0 =	vld [tilespmem:s8+$0x3E20];
	v4 =	vadd.f32 v6, v4  }
0x188: {  	v5 =	vadd.f32 v5, v7;
	v6 =	vld [tilespmem:s8+$0x1630]  }
0x189: {  	v7 =	vld [tilespmem:s8+$0x3E30];
	v4 =	vmax.f32 v4, $0.0e+00  }
0x18a: {  	v8 =	vadd.f32 v2, v3;
	v2 =	vld [tilespmem:s8+$0x1640];
	[tilespmem:s8+$0x6670] =	vst v4  }
0x18b: {  	v4 =	vld [tilespmem:s8+$0x3E40]  }
0x18c: {  	v10 =	vadd.f32 v0, v1;
	v0 =	vld [tilespmem:s8+$0x1650]  }
0x18d: {  	v9 =	vld [tilespmem:s8+$0x3E50]  }
0x18e: {  	v3 =	vadd.f32 v7, v6;
	v11 =	vld [tilespmem:s8+$0x1660]  }
0x18f: {  	v12 =	vld [tilespmem:s8+$0x3E60]  }
0x190: {  	v13 =	vld [tilespmem:s8+$0x6600];
	v1 =	vadd.f32 v4, v2  }
0x191: {  	v4 =	vld [tilespmem:s8+$0x6610]  }
0x192: {  	v14 =	vld [tilespmem:s8+$0x6620];
	v2 =	vadd.f32 v9, v0  }
.Ltmp4:
0x193: {  	v7 =	vld [tilespmem:s8+$0x6630];
	(pc) =	sbr.rel @p0 .LBB2_10-.Ltmp4, $4  }
0x194: {  	v6 =	vld [tilespmem:s8+$0x6640];
	v0 =	vadd.f32 v12, v11  }
0x195: {  	v11 =	vadd.f32 v13, v5;
	v5 =	vld [tilespmem:s8+$0x6650]  }
0x196: {  	s13 =	sshra.s32 s14, $0x2;
	v9 =	vadd.f32 v4, v8;
	v4 =	vld [tilespmem:s8+$0x6660]  }
0x197: {  	s14 =	sadd.s32 $0x200, s14;
	v8 =	vld [tilespmem:s13+$0x1670];
	v11 =	vmax.f32 v11, $0.0e+00;
	v10 =	vadd.f32 v14, v10  }
0x198: {  	v12 =	vld [tilespmem:s13+$0x3E70]  }
0x199: {  	v13 =	vld [tilespmem:s13+$0x1600]  }
0x19a: {  	v14 =	vld [tilespmem:s13+$0x6670]  }
0x19b: {  	v15 =	vld [tilespmem:s13+$0x3E00]  }
0x19c: {  	v16 =	vld [tilespmem:s13+$0x1610]  }
0x19d: {  	v17 =	vld [tilespmem:s13+$0x3E10]  }
0x19e: {  	v42 =	vld [tilespmem:s13+$0x1620]  }
0x19f: {  	v18 =	vld [tilespmem:s13+$0x3E20]  }
0x1a0: {  	v43 =	vld [tilespmem:s13+$0x1630]  }
0x1a1: {  	v19 =	vld [tilespmem:s13+$0x3E30]  }
0x1a2: {  	v20 =	vld [tilespmem:s13+$0x1640]  }
0x1a3: {  	v44 =	vld [tilespmem:s13+$0x3E40]  }
0x1a4: {  	v21 =	vld [tilespmem:s13+$0x1650]  }
0x1a5: {  	v22 =	vld [tilespmem:s13+$0x3E50]  }
0x1a6: {  	v23 =	vld [tilespmem:s13+$0x1660]  }
0x1a7: {  	v24 =	vld [tilespmem:s13+$0x3E60]  }
0x1a8: {  	v25 =	vld [tilespmem:s13+$0x6600];
	[tilespmem:s8+$0x6600] =	vst v11;
	v9 =	vmax.f32 v9, $0.0e+00;
	v3 =	vadd.f32 v7, v3  }
0x1a9: {  	v45 =	vld [tilespmem:s13+$0x6610];
	[tilespmem:s8+$0x6610] =	vst v9;
	v46 =	vmax.f32 v10, $0.0e+00;
	v1 =	vadd.f32 v6, v1  }
0x1aa: {  	v47 =	vld [tilespmem:s13+$0x6620];
	[tilespmem:s8+$0x6620] =	vst v46;
	v2 =	vadd.f32 v5, v2;
	v3 =	vmax.f32 v3, $0.0e+00;
	v8 =	vadd.f32 v12, v8  }
0x1ab: {  	v49 =	vld [tilespmem:s13+$0x6630];
	[tilespmem:s8+$0x6630] =	vst v3;
	v0 =	vadd.f32 v4, v0;
	v1 =	vmax.f32 v1, $0.0e+00;
	v48 =	vadd.f32 v15, v13  }
0x1ac: {  	v51 =	vld [tilespmem:s13+$0x6640];
	[tilespmem:s8+$0x6640] =	vst v1;
	v2 =	vmax.f32 v2, $0.0e+00;
	v50 =	vadd.f32 v17, v16;
	v8 =	vadd.f32 v14, v8  }
0x1ad: {  	v53 =	vld [tilespmem:s13+$0x6650];
	v52 =	vadd.f32 v18, v42;
	[tilespmem:s8+$0x6650] =	vst v2;
	v0 =	vmax.f32 v0, $0.0e+00;
	v5 =	vadd.f32 v25, v48  }
0x1ae: {  	v55 =	vld [tilespmem:s13+$0x6660];
	v54 =	vadd.f32 v19, v43;
	[tilespmem:s8+$0x6660] =	vst v0;
	v3 =	vadd.f32 v45, v50;
	v8 =	vmax.f32 v8, $0.0e+00  }
0x1af: {  	v56 =	vadd.f32 v44, v20;
	v1 =	vadd.f32 v47, v52;
	v5 =	vmax.f32 v5, $0.0e+00;
	[tilespmem:s13+$0x6670] =	vst v8  }
0x1b0: {  	v57 =	vadd.f32 v22, v21;
	v2 =	vadd.f32 v49, v54;
	v3 =	vmax.f32 v3, $0.0e+00;
	[tilespmem:s13+$0x6600] =	vst v5  }
0x1b1: {  	v58 =	vadd.f32 v24, v23;
	v0 =	vadd.f32 v51, v56;
	v1 =	vmax.f32 v1, $0.0e+00;
	[tilespmem:s13+$0x6610] =	vst v3  }
0x1b2: {  	v60 =	vadd.f32 v53, v57;
	v59 =	vmax.f32 v2, $0.0e+00;
	[tilespmem:s13+$0x6620] =	vst v1  }
0x1b3: {  	v61 =	vadd.f32 v55, v58;
	v0 =	vmax.f32 v0, $0.0e+00;
	[tilespmem:s13+$0x6630] =	vst v59  }
0x1b4: {  	v62 =	vmax.f32 v60, $0.0e+00;
	[tilespmem:s13+$0x6640] =	vst v0  }
0x1b5: {  	v63 =	vmax.f32 v61, $0.0e+00;
	[tilespmem:s13+$0x6650] =	vst v62  }
0x1b6: {  	[tilespmem:s13+$0x6660] =	vst v63  }
0x1b7: {  	[spmem:s2] =	stream.indirect.scatter.add.f32 [tilespmem:s30], [sflag:$0x3], $0x80, s25, s20, $0xb8;
	[tilespmem:$0x1B600] =	vst v63  }
0x1b8: {  	_ =	swait.ge [sflag:s19], $0x1400  }
0x1b9: {  	[sflag:s19] =	ssyncset.done $0x0  }
0x1ba: {  	s3 =	sadd.s32 $0x1, s3;
	[sflag:s19] =	ssyncadd.s32 $0xFFFFEC00  }
0x1bb: {  	p0 =	sne.s32 s3, s17;
	[bflag:$0x0] =	sbarrier.arrive $0xFFFF  }
.Ltmp5:
0x1bc: {  	s16 =	rddreg [dreg:$0x8];
	(pc) =	sbr.rel @p0 .LBB2_1-.Ltmp5, $4  }
0x1bd: {  	[hbm:s16], [sflag:s11] =	dma.local [spmem:s18], $0x2780  }
0x1be: {  	_ =	swait.ge [sflag:s19], $0x2780  }
0x1bf: {  	[sflag:s19] =	ssyncset.done $0x0  }
0x1c0: {  	[sflag:s19] =	ssyncadd.s32 $0xFFFFD880  }
0x1c1: {  	_ =	sfence.sel $0x180000  }
0x1c2: {  	[bflag:$0x0] =	sbarrier.arrive $0xFFFF  }
0x1c3: {  	_ =	strace $0x90000047  }
0x1c4: {  	s0 =	stileid.u32;
	[bflag:$0x2] =	sbarrier.arrive $0xFFFF  }
0x1c5: {  	p0 =	sne.s32 s0, $0x0;
	s0 =	rddreg [dreg:$0x3]  }
0x1c6: {  	s0 =	sadd.s32 @!p0 $0x100000, s0  }
0x1c7: {  	[sflag:s0] =	ssyncadd.tile.s32 @!p0 $0x1;
	_ =	shalt  }
.Lfunc_end2:
_tile_overlayer_lowered:
.L_overlay_start_2:
0x1c8: {  	(tag) =	ssettag $0x2  }
0x1c9: {  	s0 =	rddreg [dreg:$0x0];
	s2 =	stileid.u32  }
0x1ca: {  	s1 =	rddreg [dreg:$0x1];
	p0 =	sne.s32 s2, $0x0  }
0x1cb: {  	s3 =	rddreg [dreg:$0x2];
	[bflag:$0x3] =	sbarrier.arrive $0xFFFF;
	s2 =	simm.s32 @!p0 $0x1C03  }
0x1cc: {  	[timem:s3], [sflag:s2] =	dma.local @!p0 [hbm:s0], s1  }
0x1cd: {  	s0 =	simm.s32 @!p0 $0x3  }
0x1ce: {  	_ =	swait.ge @!p0 [sflag:s0], s1  }
0x1cf: {  	s1 =	ssub.s32 @!p0 $0x0, s1;
	[sflag:s0] =	ssyncset.done @!p0 $0x0  }
0x1d0: {  	[sflag:s0] =	ssyncadd.s32 @!p0 s1  }
0x1d1: {  	[bflag:$0x3] =	sbarrier.arrive $0xFFFF  }
0x1d2: {  	_ =	shalt  }

</sc_bundles>
